<compile_context>
chip_gen: v7x
topology: tpu7x:2x2x1
jax: 0.10.2.dev20260603
libtpu: 0.0.44.dev20260713+nightly
codegen_flags: <defaults>
</compile_context>

<pallas_src>
import jax
import jax.numpy as jnp
from jax import lax
from jax.experimental import pallas as pl
from jax.experimental.pallas import tpu as pltpu
from jax.experimental.pallas import tpu_sc as plsc

N = 10000
E = 320000
D = 128
HD = 64
EPS = 1e-5

NC = 2
NS = 16
ET = E // NS
C = 80
NCHUNK = ET // C
NPAD = 10240
RPT = NPAD // NS
ZR = 128
DGL = 16

_f32 = jnp.float32


NB = 5
PF = 4


def _sc_body(src_hbm, dst_hbm, y_hbm, out_p,
             srcb_v, dstb_v, rows_v, zrows_v, agg_sh, *sems):
    gsem = sems[:NB]
    ssem = sems[NB:2 * NB]

    cid = lax.axis_index("c")
    sid = lax.axis_index("s")

    yh = y_hbm

    pltpu.sync_copy(src_hbm.at[cid, sid], srcb_v)
    pltpu.sync_copy(dst_hbm.at[sid], dstb_v)

    zv = jnp.zeros((16,), _f32)

    def _zrow(i, _):
        for j in range(HD // 16):
            zrows_v[i, pl.ds(j * 16, 16)] = zv
        return 0
    lax.fori_loop(0, ZR, _zrow, 0)

    nbase = sid * RPT
    for j in range(RPT // ZR):
        pltpu.sync_copy(zrows_v, agg_sh.at[pl.ds(nbase + j * ZR, ZR)])

    plsc.subcore_barrier()

    for b in range(PF):
        pltpu.async_copy(yh.at[srcb_v.at[b]], rows_v.at[b], gsem[b])

    def _outer(ko, _):
        for b in range(NB):
            k = ko * NB + b
            pltpu.make_async_copy(
                yh.at[srcb_v.at[k]], rows_v.at[b], gsem[b]).wait()
            pltpu.make_async_copy(
                rows_v.at[b], agg_sh.at[dstb_v.at[k]], ssem[b]).start(add=True)
            bn = (b + PF) % NB
            kn = k + PF

            @pl.when(kn < NCHUNK)
            def _():
                @pl.when(kn - NB >= 0)
                def _():
                    pltpu.make_async_copy(
                        rows_v.at[bn], agg_sh.at[dstb_v.at[kn - NB]],
                        ssem[bn]).wait()
                pltpu.async_copy(yh.at[srcb_v.at[kn]], rows_v.at[bn], gsem[bn])
        return 0
    lax.fori_loop(0, NCHUNK // NB, _outer, 0)

    for c in range(NCHUNK - NB, NCHUNK):
        b = c % NB
        pltpu.make_async_copy(
            rows_v.at[b], agg_sh.at[dstb_v.at[0]], ssem[b]).wait()

    plsc.subcore_barrier()

    pltpu.sync_copy(agg_sh.at[pl.ds(nbase, RPT)],
                    out_p.at[pl.ds(nbase, RPT), pl.ds(cid * HD, HD)])


def _make_sc():
    mesh = plsc.VectorSubcoreMesh(core_axis_name="c", subcore_axis_name="s")
    scratch = [
        pltpu.VMEM((NCHUNK, C), jnp.int32),
        pltpu.VMEM((NCHUNK, C), jnp.int32),
        pltpu.VMEM((NB, C, HD), _f32),
        pltpu.VMEM((ZR, HD), _f32),
        pltpu.VMEM_SHARED((NPAD, HD), _f32),
    ] + [pltpu.SemaphoreType.DMA] * (2 * NB)
    return pl.kernel(
        _sc_body,
        out_type=jax.ShapeDtypeStruct((NPAD, D), _f32),
        mesh=mesh,
        scratch_types=scratch,
        compiler_params=pltpu.CompilerParams(use_tc_tiling_on_sc=False),
    )


NCD = NCHUNK // NC
NBD = 5


def _deg_body(dst_hbm, out_dg, dstb_v, ones_v, zdeg_v, deg_sh, *dsem):
    cid = lax.axis_index("c")
    sid = lax.axis_index("s")

    pltpu.sync_copy(dst_hbm.at[sid, pl.ds(cid * NCD, NCD)], dstb_v)

    zv = jnp.zeros((16,), _f32)

    def _zdeg(i, _):
        zdeg_v[i, pl.ds(0, 16)] = zv
        return 0
    lax.fori_loop(0, RPT, _zdeg, 0)
    nbase = sid * RPT
    pltpu.sync_copy(zdeg_v, deg_sh.at[pl.ds(nbase, RPT)])

    ov = jnp.ones((16,), _f32)

    def _onerow(i, _):
        ones_v[i, pl.ds(0, 16)] = ov
        return 0
    lax.fori_loop(0, C, _onerow, 0)

    plsc.subcore_barrier()

    def _outer(ko, _):
        for b in range(NBD):
            k = ko * NBD + b

            @pl.when(k - NBD >= 0)
            def _():
                pltpu.make_async_copy(
                    ones_v, deg_sh.at[dstb_v.at[k - NBD]], dsem[b]).wait()
            pltpu.make_async_copy(
                ones_v, deg_sh.at[dstb_v.at[k]], dsem[b]).start(add=True)
        return 0
    lax.fori_loop(0, NCD // NBD, _outer, 0)

    for c in range(NCD - NBD, NCD):
        pltpu.make_async_copy(
            ones_v, deg_sh.at[dstb_v.at[0]], dsem[c % NBD]).wait()

    plsc.subcore_barrier()

    pltpu.sync_copy(deg_sh.at[pl.ds(nbase, RPT)], out_dg.at[cid, pl.ds(nbase, RPT)])


def _make_deg():
    mesh = plsc.VectorSubcoreMesh(core_axis_name="c", subcore_axis_name="s")
    scratch = [
        pltpu.VMEM((NCD, C), jnp.int32),
        pltpu.VMEM((C, DGL), _f32),
        pltpu.VMEM((RPT, DGL), _f32),
        pltpu.VMEM_SHARED((NPAD, DGL), _f32),
    ] + [pltpu.SemaphoreType.DMA] * NBD
    return pl.kernel(
        _deg_body,
        out_type=jax.ShapeDtypeStruct((NC, NPAD, DGL), _f32),
        mesh=mesh,
        scratch_types=scratch,
        compiler_params=pltpu.CompilerParams(use_tc_tiling_on_sc=False),
    )


def _pre_body(x_ref, wls_ref, wr_ref, b_ref, y_ref, z_ref):
    xb = x_ref[...]
    y_ref[0] = jnp.dot(xb, wls_ref[0], preferred_element_type=_f32)
    y_ref[1] = jnp.dot(xb, wls_ref[1], preferred_element_type=_f32)
    z_ref[...] = jnp.dot(xb, wr_ref[...], preferred_element_type=_f32) + b_ref[...]


def _mid_body(p_ref, dg_ref, z1_ref, gm_ref, bt_ref, rm_ref, rv_ref,
              wls_ref, wr_ref, b_ref, y_ref, z_ref):
    deg = dg_ref[0, :, 0:1] + dg_ref[1, :, 0:1]
    dinv = 1.0 / jnp.maximum(deg, 1.0)
    hpre = p_ref[...] * dinv + z1_ref[...]
    invstd = lax.rsqrt(rv_ref[...] + EPS)
    h = jnp.maximum((hpre - rm_ref[...]) * invstd * gm_ref[...] + bt_ref[...], 0.0)
    y_ref[0] = jnp.dot(h, wls_ref[0], preferred_element_type=_f32)
    y_ref[1] = jnp.dot(h, wls_ref[1], preferred_element_type=_f32)
    z_ref[...] = jnp.dot(h, wr_ref[...], preferred_element_type=_f32) + b_ref[...]


def _fin_body(q_ref, dg_ref, z2_ref, wfc_ref, bfc_ref, out_ref):
    deg = dg_ref[0, :, 0:1] + dg_ref[1, :, 0:1]
    dinv = 1.0 / jnp.maximum(deg, 1.0)
    h2 = q_ref[...] * dinv + z2_ref[...]
    out_ref[...] = jnp.dot(h2, wfc_ref[...], preferred_element_type=_f32) + bfc_ref[...]


_RB = 2000
_GRID = N // _RB


def _row_spec():
    return pl.BlockSpec((_RB, D), lambda i: (i, 0))


def _deg_spec():
    return pl.BlockSpec((NC, _RB, DGL), lambda i: (0, i, 0))


def _full_spec(shape):
    return pl.BlockSpec(shape, lambda i: tuple(0 for _ in shape))


_tc_pre = pl.pallas_call(
    _pre_body,
    grid=(_GRID,),
    in_specs=[_row_spec(), _full_spec((NC, D, HD)), _full_spec((D, D)),
              _full_spec((1, D))],
    out_specs=[pl.BlockSpec((NC, _RB, HD), lambda i: (0, i, 0)), _row_spec()],
    out_shape=[jax.ShapeDtypeStruct((NC, N, HD), _f32),
               jax.ShapeDtypeStruct((N, D), _f32)],
)

_tc_mid = pl.pallas_call(
    _mid_body,
    grid=(_GRID,),
    in_specs=[_row_spec(), _deg_spec(), _row_spec()]
             + [_full_spec((1, D))] * 4
             + [_full_spec((NC, D, HD)), _full_spec((D, D)), _full_spec((1, D))],
    out_specs=[pl.BlockSpec((NC, _RB, HD), lambda i: (0, i, 0)), _row_spec()],
    out_shape=[jax.ShapeDtypeStruct((NC, N, HD), _f32),
               jax.ShapeDtypeStruct((N, D), _f32)],
)

_tc_fin = pl.pallas_call(
    _fin_body,
    grid=(_GRID,),
    in_specs=[_row_spec(), _deg_spec(), _row_spec(),
              _full_spec((D, D)), _full_spec((1, D))],
    out_specs=_row_spec(),
    out_shape=jax.ShapeDtypeStruct((N, D), _f32),
)

_sc_scatter = _make_sc()
_sc_deg = _make_deg()


def kernel(x, edge_index, Wl1, Wr1, b1, gamma, beta, rmean, rvar,
           Wl2, Wr2, b2, Wfc, bfc):
    src = edge_index[0].astype(jnp.int32)
    dst = edge_index[1].astype(jnp.int32)
    src2 = jnp.concatenate([src, src + N]).reshape(NC, NS, NCHUNK, C)
    dst3 = dst.reshape(NS, NCHUNK, C)
    r = lambda v: v.reshape(1, D)
    spl = lambda W: W.reshape(D, NC, HD).transpose(1, 0, 2)

    dg = _sc_deg(dst3)
    y1, z1 = _tc_pre(x, spl(Wl1), Wr1, r(b1))
    p = _sc_scatter(src2, dst3, y1.reshape(NC * N, HD))
    y2, z2 = _tc_mid(p, dg, z1, r(gamma), r(beta), r(rmean), r(rvar),
                     spl(Wl2), Wr2, r(b2))
    q = _sc_scatter(src2, dst3, y2.reshape(NC * N, HD))
    out = _tc_fin(q, dg, z2, Wfc, r(bfc))
    return out

# --- scband reference (transcript-rebuilt; emitter-appended) ---
"""Pipeline reference for scband-gnnmodel-20925080666769 (READ-ONLY COPY).

The authoritative reference and input builder live on the scoring server;
editing this copy changes nothing except your own understanding.
"""

import jax, jax.numpy as jnp
import numpy as np

N_NODES = 10000
N_EDGES = 320000
D_IN = 128
D_HID = 128
D_OUT = 128
EPS = 1e-5


def setup_inputs(seed: int = 0) -> dict:
    key = jax.random.key(seed)
    ks = jax.random.split(key, 16)
    x = jax.random.normal(ks[0], (N_NODES, D_IN), dtype=jnp.float32)
    edge_index = jax.random.randint(ks[1], (2, N_EDGES), 0, N_NODES)
    s_in = 1.0 / np.sqrt(D_IN)
    s_hid = 1.0 / np.sqrt(D_HID)
    Wl1 = jax.random.uniform(ks[2], (D_IN, D_HID), jnp.float32, -s_in, s_in)
    Wr1 = jax.random.uniform(ks[3], (D_IN, D_HID), jnp.float32, -s_in, s_in)
    b1 = jnp.zeros((D_HID,), jnp.float32)
    gamma = jnp.ones((D_HID,), jnp.float32)
    beta = jnp.zeros((D_HID,), jnp.float32)
    rmean = jnp.zeros((D_HID,), jnp.float32)
    rvar = jnp.ones((D_HID,), jnp.float32)
    Wl2 = jax.random.uniform(ks[4], (D_HID, D_HID), jnp.float32, -s_hid, s_hid)
    Wr2 = jax.random.uniform(ks[5], (D_HID, D_HID), jnp.float32, -s_hid, s_hid)
    b2 = jnp.zeros((D_HID,), jnp.float32)
    Wfc = jax.random.uniform(ks[6], (D_HID, D_OUT), jnp.float32, -s_hid, s_hid)
    bfc = jnp.zeros((D_OUT,), jnp.float32)
    return {"x": x, "edge_index": edge_index, "Wl1": Wl1, "Wr1": Wr1, "b1": b1,
            "gamma": gamma, "beta": beta, "rmean": rmean, "rvar": rvar,
            "Wl2": Wl2, "Wr2": Wr2, "b2": b2, "Wfc": Wfc, "bfc": bfc}


def _sage_conv(x, src, dst, Wl, Wr, b):
    # mean aggregation of neighbor messages (src -> dst), then lin_l(agg) + lin_r(x)
    msgs = jnp.take(x, src, axis=0)
    agg = jax.ops.segment_sum(msgs, dst, num_segments=N_NODES)
    deg = jax.ops.segment_sum(jnp.ones((src.shape[0],), x.dtype), dst, num_segments=N_NODES)
    agg = agg / jnp.clip(deg, 1.0, None)[:, None]
    return agg @ Wl + b + x @ Wr


def reference(x, edge_index, Wl1, Wr1, b1, gamma, beta, rmean, rvar, Wl2, Wr2, b2, Wfc, bfc):
    src = edge_index[0]
    dst = edge_index[1]
    h = _sage_conv(x, src, dst, Wl1, Wr1, b1)
    # BatchNorm1d in eval mode (dropout is identity in eval)
    h = (h - rmean) / jnp.sqrt(rvar + EPS) * gamma + beta
    h = jax.nn.relu(h)
    h = _sage_conv(h, src, dst, Wl2, Wr2, b2)
    out = h @ Wfc + bfc
    return out

if __name__ == "__main__":
    import jax
    _d = setup_inputs()
    print(jax.jit(kernel)(*tuple(_d.values())))

</pallas_src>

<mosaic_0001>
#map = affine_map<(d0, d1) -> (0, 0, 0)>
module attributes {stable_mosaic.version = 14 : i64} {
  func.func @_deg_body(%arg0: i32, %arg1: i32, %arg2: memref<16x250x80xi32, #tpu.memory_space<hbm>>, %arg3: memref<2x10240x16xf32, #tpu.memory_space<hbm>>, %arg4: memref<125x80xi32, #tpu.memory_space<vmem>>, %arg5: memref<80x16xf32, #tpu.memory_space<vmem>>, %arg6: memref<640x16xf32, #tpu.memory_space<vmem>>, %arg7: memref<10240x16xf32, #tpu.memory_space<vmem_shared>>, %arg8: memref<!tpu.dma_semaphore, #tpu.memory_space<semaphore_mem>>, %arg9: memref<!tpu.dma_semaphore, #tpu.memory_space<semaphore_mem>>, %arg10: memref<!tpu.dma_semaphore, #tpu.memory_space<semaphore_mem>>, %arg11: memref<!tpu.dma_semaphore, #tpu.memory_space<semaphore_mem>>, %arg12: memref<!tpu.dma_semaphore, #tpu.memory_space<semaphore_mem>>) attributes {dimension_semantics = [#tpu.dimension_semantics<core_parallel>, #tpu.dimension_semantics<subcore_parallel>], iteration_bounds = array<i64: 2, 16>, scalar_prefetch = 0 : i64, scratch_operands = 9 : i64, tpu.core_type = #tpu.core_type<sc_vector_subcore>, window_params = [{transform_indices = #map}, {transform_indices = #map}]} {
    %mul3A = arith.constant 125 : i32
    %mul3A_0 = arith.muli %arg0, %mul3A : i32
    "tpu.region"() ({
      %run_scoped3A = tpu.sem_alloc : memref<!tpu.dma_semaphore, #tpu.memory_space<semaphore_mem>>
      %dma_start3A = arith.constant 0 : i32
      %dma_start3A_61 = tpu.memref_slice %arg2[%arg1, %mul3A_0, %dma_start3A] : memref<16x250x80xi32, #tpu.memory_space<hbm>> -> memref<1x125x80xi32, #tpu.memory_space<hbm>>
      %dma_start3A_62 = tpu.memref_squeeze %dma_start3A_61 : memref<1x125x80xi32, #tpu.memory_space<hbm>> -> memref<125x80xi32, #tpu.memory_space<hbm>>
      %dma_start3A_63 = arith.constant 0 : i32
      %dma_start3A_64 = tpu.memref_slice %arg2[%arg1, %mul3A_0, %dma_start3A_63] : memref<16x250x80xi32, #tpu.memory_space<hbm>> -> memref<1x125x80xi32, #tpu.memory_space<hbm>>
      %dma_start3A_65 = tpu.memref_squeeze %dma_start3A_64 : memref<1x125x80xi32, #tpu.memory_space<hbm>> -> memref<125x80xi32, #tpu.memory_space<hbm>>
      tpu.enqueue_dma source(%dma_start3A_65 : memref<125x80xi32, #tpu.memory_space<hbm>>) target(%arg4 : memref<125x80xi32, #tpu.memory_space<vmem>>) target_semaphore(%run_scoped3A : memref<!tpu.dma_semaphore, #tpu.memory_space<semaphore_mem>>)
      %dma_wait3A_66 = arith.constant 0 : i32
      %dma_wait3A_67 = tpu.memref_slice %arg2[%arg1, %mul3A_0, %dma_wait3A_66] : memref<16x250x80xi32, #tpu.memory_space<hbm>> -> memref<1x125x80xi32, #tpu.memory_space<hbm>>
      %dma_wait3A_68 = tpu.memref_squeeze %dma_wait3A_67 : memref<1x125x80xi32, #tpu.memory_space<hbm>> -> memref<125x80xi32, #tpu.memory_space<hbm>>
      %dma_wait3A_69 = arith.constant 0 : i32
      %dma_wait3A_70 = tpu.memref_slice %arg2[%arg1, %mul3A_0, %dma_wait3A_69] : memref<16x250x80xi32, #tpu.memory_space<hbm>> -> memref<1x125x80xi32, #tpu.memory_space<hbm>>
      %dma_wait3A_71 = tpu.memref_squeeze %dma_wait3A_70 : memref<1x125x80xi32, #tpu.memory_space<hbm>> -> memref<125x80xi32, #tpu.memory_space<hbm>>
      tpu.wait_dma2 semaphore(%run_scoped3A : memref<!tpu.dma_semaphore, #tpu.memory_space<semaphore_mem>>) src(%dma_wait3A_71 : memref<125x80xi32, #tpu.memory_space<hbm>>) dst(%arg4 : memref<125x80xi32, #tpu.memory_space<vmem>>)
      tpu.yield
    }) : () -> ()
    %broadcast_in_dim3A = arith.constant 0.000000e+00 : f32
    %broadcast_in_dim3A_1 = vector.broadcast %broadcast_in_dim3A : f32 to vector<16xf32>
    %scan3A = arith.constant 0 : i32
    %scan3A_2 = arith.constant 0 : i32
    %scan3A_3 = arith.constant 640 : i32
    %scan3A_4 = arith.addi %scan3A_2, %scan3A_3 : i32
    %scan3A_5 = arith.constant 1 : i32
    %scan3A_6 = scf.for %scan3A_61 = %scan3A_2 to %scan3A_4 step %scan3A_5 iter_args(%scan3A_62 = %scan3A) -> (i32)  : i32 {
      %swap3A = arith.index_cast %scan3A_61 : i32 to index
      %swap3A_63 = arith.constant 0 : index
      %swap3A_64 = tpu.vector_load %arg6[%swap3A, %swap3A_63] {strides = array<i32>} : memref<640x16xf32, #tpu.memory_space<vmem>>, vector<1x16xf32>,
      %swap3A_65 = vector.shape_cast %swap3A_64 : vector<1x16xf32> to vector<16xf32>
      %swap3A_66 = vector.shape_cast %broadcast_in_dim3A_1 : vector<16xf32> to vector<1x16xf32>
      tpu.vector_store %arg6[%swap3A, %swap3A_63], %swap3A_66 {strides = array<i32>} : memref<640x16xf32, #tpu.memory_space<vmem>>, vector<1x16xf32>,
      %scan3A_67 = arith.constant 0 : i32
      scf.yield %scan3A_67 : i32
    }
    %scan3A_7 = arith.constant 640 : i32
    %mul3A_8 = arith.constant 640 : i32
    %mul3A_9 = arith.muli %arg1, %mul3A_8 : i32
    "tpu.region"() ({
      %run_scoped3A = tpu.sem_alloc : memref<!tpu.dma_semaphore, #tpu.memory_space<semaphore_mem>>
      %dma_start3A = arith.constant 0 : i32
      %dma_start3A_61 = tpu.memref_slice %arg7[%mul3A_9, %dma_start3A] : memref<10240x16xf32, #tpu.memory_space<vmem_shared>> -> memref<640x16xf32, #tpu.memory_space<vmem_shared>>
      %dma_start3A_62 = arith.constant 0 : i32
      %dma_start3A_63 = tpu.memref_slice %arg7[%mul3A_9, %dma_start3A_62] : memref<10240x16xf32, #tpu.memory_space<vmem_shared>> -> memref<640x16xf32, #tpu.memory_space<vmem_shared>>
      tpu.enqueue_dma source(%arg6 : memref<640x16xf32, #tpu.memory_space<vmem>>) target(%dma_start3A_63 : memref<640x16xf32, #tpu.memory_space<vmem_shared>>) target_semaphore(%run_scoped3A : memref<!tpu.dma_semaphore, #tpu.memory_space<semaphore_mem>>)
      %dma_wait3A_64 = arith.constant 0 : i32
      %dma_wait3A_65 = tpu.memref_slice %arg7[%mul3A_9, %dma_wait3A_64] : memref<10240x16xf32, #tpu.memory_space<vmem_shared>> -> memref<640x16xf32, #tpu.memory_space<vmem_shared>>
      %dma_wait3A_66 = arith.constant 0 : i32
      %dma_wait3A_67 = tpu.memref_slice %arg7[%mul3A_9, %dma_wait3A_66] : memref<10240x16xf32, #tpu.memory_space<vmem_shared>> -> memref<640x16xf32, #tpu.memory_space<vmem_shared>>
      tpu.wait_dma2 semaphore(%run_scoped3A : memref<!tpu.dma_semaphore, #tpu.memory_space<semaphore_mem>>) src(%arg6 : memref<640x16xf32, #tpu.memory_space<vmem>>) dst(%dma_wait3A_67 : memref<640x16xf32, #tpu.memory_space<vmem_shared>>)
      tpu.yield
    }) : () -> ()
    %broadcast_in_dim3A_10 = arith.constant 1.000000e+00 : f32
    %broadcast_in_dim3A_11 = vector.broadcast %broadcast_in_dim3A_10 : f32 to vector<16xf32>
    %scan3A_12 = arith.constant 0 : i32
    %scan3A_13 = arith.constant 0 : i32
    %scan3A_14 = arith.constant 80 : i32
    %scan3A_15 = arith.addi %scan3A_13, %scan3A_14 : i32
    %scan3A_16 = arith.constant 1 : i32
    %scan3A_17 = scf.for %scan3A_61 = %scan3A_13 to %scan3A_15 step %scan3A_16 iter_args(%scan3A_62 = %scan3A_12) -> (i32)  : i32 {
      %swap3A = arith.index_cast %scan3A_61 : i32 to index
      %swap3A_63 = arith.constant 0 : index
      %swap3A_64 = tpu.vector_load %arg5[%swap3A, %swap3A_63] {strides = array<i32>} : memref<80x16xf32, #tpu.memory_space<vmem>>, vector<1x16xf32>,
      %swap3A_65 = vector.shape_cast %swap3A_64 : vector<1x16xf32> to vector<16xf32>
      %swap3A_66 = vector.shape_cast %broadcast_in_dim3A_11 : vector<16xf32> to vector<1x16xf32>
      tpu.vector_store %arg5[%swap3A, %swap3A_63], %swap3A_66 {strides = array<i32>} : memref<80x16xf32, #tpu.memory_space<vmem>>, vector<1x16xf32>,
      %scan3A_67 = arith.constant 0 : i32
      scf.yield %scan3A_67 : i32
    }
    %scan3A_18 = arith.constant 80 : i32
    %barrier3A = arith.constant 0 : index
    tpu.barrier barrier_id(%barrier3A)
    %scan3A_19 = arith.constant 0 : i32
    %scan3A_20 = arith.constant 0 : i32
    %scan3A_21 = arith.constant 25 : i32
    %scan3A_22 = arith.addi %scan3A_20, %scan3A_21 : i32
    %scan3A_23 = arith.constant 1 : i32
    %scan3A_24 = scf.for %scan3A_61 = %scan3A_20 to %scan3A_22 step %scan3A_23 iter_args(%scan3A_62 = %scan3A_19) -> (i32)  : i32 {
      %mul3A_63 = arith.constant 5 : i32
      %mul3A_64 = arith.muli %scan3A_61, %mul3A_63 : i32
      %add3A = arith.constant 0 : i32
      %add3A_65 = arith.addi %mul3A_64, %add3A : i32
      %sub3A = arith.constant 5 : i32
      %sub3A_66 = arith.subi %add3A_65, %sub3A : i32
      %ge3A = arith.constant 0 : i32
      %ge3A_67 = arith.cmpi sge, %sub3A_66, %ge3A : i32
      %convert_element_type3A = arith.extui %ge3A_67 : i1 to i32
      %cond3A = arith.constant 0 : i32
      %cond3A_68 = arith.cmpi ne, %convert_element_type3A, %cond3A : i32
      scf.if %cond3A_68 {
        %sub3A_143 = arith.constant 5 : i32
        %sub3A_144 = arith.subi %add3A_65, %sub3A_143 : i32
        %dma_wait3A_145 = arith.constant 0 : i32
        %dma_wait3A_146 = tpu.memref_slice %arg4[%sub3A_144, %dma_wait3A_145] : memref<125x80xi32, #tpu.memory_space<vmem>> -> memref<1x80xi32, #tpu.memory_space<vmem>>
        %dma_wait3A_147 = tpu.memref_squeeze %dma_wait3A_146 : memref<1x80xi32, #tpu.memory_space<vmem>> -> memref<80xi32, #tpu.memory_space<vmem>>
        %dma_wait3A_148 = arith.constant 0 : i32
        %dma_wait3A_149 = arith.constant 0 : i32
        %dma_wait3A_150 = tpu.memref_slice %arg7[%dma_wait3A_148, %dma_wait3A_149] : memref<10240x16xf32, #tpu.memory_space<vmem_shared>> -> memref<10240x16xf32, #tpu.memory_space<vmem_shared>>
        tpu.wait_indirect_dma semaphore(%arg8 : memref<!tpu.dma_semaphore, #tpu.memory_space<semaphore_mem>>) src(%arg5 : memref<80x16xf32, #tpu.memory_space<vmem>>) dst(%dma_wait3A_150 : memref<10240x16xf32, #tpu.memory_space<vmem_shared>>)
      } else {
      }
      %dma_start3A = arith.constant 0 : i32
      %dma_start3A_69 = tpu.memref_slice %arg4[%add3A_65, %dma_start3A] : memref<125x80xi32, #tpu.memory_space<vmem>> -> memref<1x80xi32, #tpu.memory_space<vmem>>
      %dma_start3A_70 = tpu.memref_squeeze %dma_start3A_69 : memref<1x80xi32, #tpu.memory_space<vmem>> -> memref<80xi32, #tpu.memory_space<vmem>>
      %dma_start3A_71 = arith.constant 0 : i32
      %dma_start3A_72 = arith.constant 0 : i32
      %dma_start3A_73 = tpu.memref_slice %arg7[%dma_start3A_71, %dma_start3A_72] : memref<10240x16xf32, #tpu.memory_space<vmem_shared>> -> memref<10240x16xf32, #tpu.memory_space<vmem_shared>>
      tpu.enqueue_indirect_dma source(%arg5 : memref<80x16xf32, #tpu.memory_space<vmem>>) target(%dma_start3A_73 : memref<10240x16xf32, #tpu.memory_space<vmem_shared>>) offsets(%dma_start3A_70 : memref<80xi32, #tpu.memory_space<vmem>>) semaphore(%arg8 : memref<!tpu.dma_semaphore, #tpu.memory_space<semaphore_mem>>) {add = true}
      %mul3A_74 = arith.constant 5 : i32
      %mul3A_75 = arith.muli %scan3A_61, %mul3A_74 : i32
      %add3A_76 = arith.constant 1 : i32
      %add3A_77 = arith.addi %mul3A_75, %add3A_76 : i32
      %sub3A_78 = arith.constant 5 : i32
      %sub3A_79 = arith.subi %add3A_77, %sub3A_78 : i32
      %ge3A_80 = arith.constant 0 : i32
      %ge3A_81 = arith.cmpi sge, %sub3A_79, %ge3A_80 : i32
      %convert_element_type3A_82 = arith.extui %ge3A_81 : i1 to i32
      %cond3A_83 = arith.constant 0 : i32
      %cond3A_84 = arith.cmpi ne, %convert_element_type3A_82, %cond3A_83 : i32
      scf.if %cond3A_84 {
        %sub3A_143 = arith.constant 5 : i32
        %sub3A_144 = arith.subi %add3A_77, %sub3A_143 : i32
        %dma_wait3A_145 = arith.constant 0 : i32
        %dma_wait3A_146 = tpu.memref_slice %arg4[%sub3A_144, %dma_wait3A_145] : memref<125x80xi32, #tpu.memory_space<vmem>> -> memref<1x80xi32, #tpu.memory_space<vmem>>
        %dma_wait3A_147 = tpu.memref_squeeze %dma_wait3A_146 : memref<1x80xi32, #tpu.memory_space<vmem>> -> memref<80xi32, #tpu.memory_space<vmem>>
        %dma_wait3A_148 = arith.constant 0 : i32
        %dma_wait3A_149 = arith.constant 0 : i32
        %dma_wait3A_150 = tpu.memref_slice %arg7[%dma_wait3A_148, %dma_wait3A_149] : memref<10240x16xf32, #tpu.memory_space<vmem_shared>> -> memref<10240x16xf32, #tpu.memory_space<vmem_shared>>
        tpu.wait_indirect_dma semaphore(%arg9 : memref<!tpu.dma_semaphore, #tpu.memory_space<semaphore_mem>>) src(%arg5 : memref<80x16xf32, #tpu.memory_space<vmem>>) dst(%dma_wait3A_150 : memref<10240x16xf32, #tpu.memory_space<vmem_shared>>)
      } else {
      }
      %dma_start3A_85 = arith.constant 0 : i32
      %dma_start3A_86 = tpu.memref_slice %arg4[%add3A_77, %dma_start3A_85] : memref<125x80xi32, #tpu.memory_space<vmem>> -> memref<1x80xi32, #tpu.memory_space<vmem>>
      %dma_start3A_87 = tpu.memref_squeeze %dma_start3A_86 : memref<1x80xi32, #tpu.memory_space<vmem>> -> memref<80xi32, #tpu.memory_space<vmem>>
      %dma_start3A_88 = arith.constant 0 : i32
      %dma_start3A_89 = arith.constant 0 : i32
      %dma_start3A_90 = tpu.memref_slice %arg7[%dma_start3A_88, %dma_start3A_89] : memref<10240x16xf32, #tpu.memory_space<vmem_shared>> -> memref<10240x16xf32, #tpu.memory_space<vmem_shared>>
      tpu.enqueue_indirect_dma source(%arg5 : memref<80x16xf32, #tpu.memory_space<vmem>>) target(%dma_start3A_90 : memref<10240x16xf32, #tpu.memory_space<vmem_shared>>) offsets(%dma_start3A_87 : memref<80xi32, #tpu.memory_space<vmem>>) semaphore(%arg9 : memref<!tpu.dma_semaphore, #tpu.memory_space<semaphore_mem>>) {add = true}
      %mul3A_91 = arith.constant 5 : i32
      %mul3A_92 = arith.muli %scan3A_61, %mul3A_91 : i32
      %add3A_93 = arith.constant 2 : i32
      %add3A_94 = arith.addi %mul3A_92, %add3A_93 : i32
      %sub3A_95 = arith.constant 5 : i32
      %sub3A_96 = arith.subi %add3A_94, %sub3A_95 : i32
      %ge3A_97 = arith.constant 0 : i32
      %ge3A_98 = arith.cmpi sge, %sub3A_96, %ge3A_97 : i32
      %convert_element_type3A_99 = arith.extui %ge3A_98 : i1 to i32
      %cond3A_100 = arith.constant 0 : i32
      %cond3A_101 = arith.cmpi ne, %convert_element_type3A_99, %cond3A_100 : i32
      scf.if %cond3A_101 {
        %sub3A_143 = arith.constant 5 : i32
        %sub3A_144 = arith.subi %add3A_94, %sub3A_143 : i32
        %dma_wait3A_145 = arith.constant 0 : i32
        %dma_wait3A_146 = tpu.memref_slice %arg4[%sub3A_144, %dma_wait3A_145] : memref<125x80xi32, #tpu.memory_space<vmem>> -> memref<1x80xi32, #tpu.memory_space<vmem>>
        %dma_wait3A_147 = tpu.memref_squeeze %dma_wait3A_146 : memref<1x80xi32, #tpu.memory_space<vmem>> -> memref<80xi32, #tpu.memory_space<vmem>>
        %dma_wait3A_148 = arith.constant 0 : i32
        %dma_wait3A_149 = arith.constant 0 : i32
        %dma_wait3A_150 = tpu.memref_slice %arg7[%dma_wait3A_148, %dma_wait3A_149] : memref<10240x16xf32, #tpu.memory_space<vmem_shared>> -> memref<10240x16xf32, #tpu.memory_space<vmem_shared>>
        tpu.wait_indirect_dma semaphore(%arg10 : memref<!tpu.dma_semaphore, #tpu.memory_space<semaphore_mem>>) src(%arg5 : memref<80x16xf32, #tpu.memory_space<vmem>>) dst(%dma_wait3A_150 : memref<10240x16xf32, #tpu.memory_space<vmem_shared>>)
      } else {
      }
      %dma_start3A_102 = arith.constant 0 : i32
      %dma_start3A_103 = tpu.memref_slice %arg4[%add3A_94, %dma_start3A_102] : memref<125x80xi32, #tpu.memory_space<vmem>> -> memref<1x80xi32, #tpu.memory_space<vmem>>
      %dma_start3A_104 = tpu.memref_squeeze %dma_start3A_103 : memref<1x80xi32, #tpu.memory_space<vmem>> -> memref<80xi32, #tpu.memory_space<vmem>>
      %dma_start3A_105 = arith.constant 0 : i32
      %dma_start3A_106 = arith.constant 0 : i32
      %dma_start3A_107 = tpu.memref_slice %arg7[%dma_start3A_105, %dma_start3A_106] : memref<10240x16xf32, #tpu.memory_space<vmem_shared>> -> memref<10240x16xf32, #tpu.memory_space<vmem_shared>>
      tpu.enqueue_indirect_dma source(%arg5 : memref<80x16xf32, #tpu.memory_space<vmem>>) target(%dma_start3A_107 : memref<10240x16xf32, #tpu.memory_space<vmem_shared>>) offsets(%dma_start3A_104 : memref<80xi32, #tpu.memory_space<vmem>>) semaphore(%arg10 : memref<!tpu.dma_semaphore, #tpu.memory_space<semaphore_mem>>) {add = true}
      %mul3A_108 = arith.constant 5 : i32
      %mul3A_109 = arith.muli %scan3A_61, %mul3A_108 : i32
      %add3A_110 = arith.constant 3 : i32
      %add3A_111 = arith.addi %mul3A_109, %add3A_110 : i32
      %sub3A_112 = arith.constant 5 : i32
      %sub3A_113 = arith.subi %add3A_111, %sub3A_112 : i32
      %ge3A_114 = arith.constant 0 : i32
      %ge3A_115 = arith.cmpi sge, %sub3A_113, %ge3A_114 : i32
      %convert_element_type3A_116 = arith.extui %ge3A_115 : i1 to i32
      %cond3A_117 = arith.constant 0 : i32
      %cond3A_118 = arith.cmpi ne, %convert_element_type3A_116, %cond3A_117 : i32
      scf.if %cond3A_118 {
        %sub3A_143 = arith.constant 5 : i32
        %sub3A_144 = arith.subi %add3A_111, %sub3A_143 : i32
        %dma_wait3A_145 = arith.constant 0 : i32
        %dma_wait3A_146 = tpu.memref_slice %arg4[%sub3A_144, %dma_wait3A_145] : memref<125x80xi32, #tpu.memory_space<vmem>> -> memref<1x80xi32, #tpu.memory_space<vmem>>
        %dma_wait3A_147 = tpu.memref_squeeze %dma_wait3A_146 : memref<1x80xi32, #tpu.memory_space<vmem>> -> memref<80xi32, #tpu.memory_space<vmem>>
        %dma_wait3A_148 = arith.constant 0 : i32
        %dma_wait3A_149 = arith.constant 0 : i32
        %dma_wait3A_150 = tpu.memref_slice %arg7[%dma_wait3A_148, %dma_wait3A_149] : memref<10240x16xf32, #tpu.memory_space<vmem_shared>> -> memref<10240x16xf32, #tpu.memory_space<vmem_shared>>
        tpu.wait_indirect_dma semaphore(%arg11 : memref<!tpu.dma_semaphore, #tpu.memory_space<semaphore_mem>>) src(%arg5 : memref<80x16xf32, #tpu.memory_space<vmem>>) dst(%dma_wait3A_150 : memref<10240x16xf32, #tpu.memory_space<vmem_shared>>)
      } else {
      }
      %dma_start3A_119 = arith.constant 0 : i32
      %dma_start3A_120 = tpu.memref_slice %arg4[%add3A_111, %dma_start3A_119] : memref<125x80xi32, #tpu.memory_space<vmem>> -> memref<1x80xi32, #tpu.memory_space<vmem>>
      %dma_start3A_121 = tpu.memref_squeeze %dma_start3A_120 : memref<1x80xi32, #tpu.memory_space<vmem>> -> memref<80xi32, #tpu.memory_space<vmem>>
      %dma_start3A_122 = arith.constant 0 : i32
      %dma_start3A_123 = arith.constant 0 : i32
      %dma_start3A_124 = tpu.memref_slice %arg7[%dma_start3A_122, %dma_start3A_123] : memref<10240x16xf32, #tpu.memory_space<vmem_shared>> -> memref<10240x16xf32, #tpu.memory_space<vmem_shared>>
      tpu.enqueue_indirect_dma source(%arg5 : memref<80x16xf32, #tpu.memory_space<vmem>>) target(%dma_start3A_124 : memref<10240x16xf32, #tpu.memory_space<vmem_shared>>) offsets(%dma_start3A_121 : memref<80xi32, #tpu.memory_space<vmem>>) semaphore(%arg11 : memref<!tpu.dma_semaphore, #tpu.memory_space<semaphore_mem>>) {add = true}
      %mul3A_125 = arith.constant 5 : i32
      %mul3A_126 = arith.muli %scan3A_61, %mul3A_125 : i32
      %add3A_127 = arith.constant 4 : i32
      %add3A_128 = arith.addi %mul3A_126, %add3A_127 : i32
      %sub3A_129 = arith.constant 5 : i32
      %sub3A_130 = arith.subi %add3A_128, %sub3A_129 : i32
      %ge3A_131 = arith.constant 0 : i32
      %ge3A_132 = arith.cmpi sge, %sub3A_130, %ge3A_131 : i32
      %convert_element_type3A_133 = arith.extui %ge3A_132 : i1 to i32
      %cond3A_134 = arith.constant 0 : i32
      %cond3A_135 = arith.cmpi ne, %convert_element_type3A_133, %cond3A_134 : i32
      scf.if %cond3A_135 {
        %sub3A_143 = arith.constant 5 : i32
        %sub3A_144 = arith.subi %add3A_128, %sub3A_143 : i32
        %dma_wait3A_145 = arith.constant 0 : i32
        %dma_wait3A_146 = tpu.memref_slice %arg4[%sub3A_144, %dma_wait3A_145] : memref<125x80xi32, #tpu.memory_space<vmem>> -> memref<1x80xi32, #tpu.memory_space<vmem>>
        %dma_wait3A_147 = tpu.memref_squeeze %dma_wait3A_146 : memref<1x80xi32, #tpu.memory_space<vmem>> -> memref<80xi32, #tpu.memory_space<vmem>>
        %dma_wait3A_148 = arith.constant 0 : i32
        %dma_wait3A_149 = arith.constant 0 : i32
        %dma_wait3A_150 = tpu.memref_slice %arg7[%dma_wait3A_148, %dma_wait3A_149] : memref<10240x16xf32, #tpu.memory_space<vmem_shared>> -> memref<10240x16xf32, #tpu.memory_space<vmem_shared>>
        tpu.wait_indirect_dma semaphore(%arg12 : memref<!tpu.dma_semaphore, #tpu.memory_space<semaphore_mem>>) src(%arg5 : memref<80x16xf32, #tpu.memory_space<vmem>>) dst(%dma_wait3A_150 : memref<10240x16xf32, #tpu.memory_space<vmem_shared>>)
      } else {
      }
      %dma_start3A_136 = arith.constant 0 : i32
      %dma_start3A_137 = tpu.memref_slice %arg4[%add3A_128, %dma_start3A_136] : memref<125x80xi32, #tpu.memory_space<vmem>> -> memref<1x80xi32, #tpu.memory_space<vmem>>
      %dma_start3A_138 = tpu.memref_squeeze %dma_start3A_137 : memref<1x80xi32, #tpu.memory_space<vmem>> -> memref<80xi32, #tpu.memory_space<vmem>>
      %dma_start3A_139 = arith.constant 0 : i32
      %dma_start3A_140 = arith.constant 0 : i32
      %dma_start3A_141 = tpu.memref_slice %arg7[%dma_start3A_139, %dma_start3A_140] : memref<10240x16xf32, #tpu.memory_space<vmem_shared>> -> memref<10240x16xf32, #tpu.memory_space<vmem_shared>>
      tpu.enqueue_indirect_dma source(%arg5 : memref<80x16xf32, #tpu.memory_space<vmem>>) target(%dma_start3A_141 : memref<10240x16xf32, #tpu.memory_space<vmem_shared>>) offsets(%dma_start3A_138 : memref<80xi32, #tpu.memory_space<vmem>>) semaphore(%arg12 : memref<!tpu.dma_semaphore, #tpu.memory_space<semaphore_mem>>) {add = true}
      %scan3A_142 = arith.constant 0 : i32
      scf.yield %scan3A_142 : i32
    }
    %scan3A_25 = arith.constant 25 : i32
    %dma_wait3A = arith.constant 0 : i32
    %dma_wait3A_26 = arith.constant 0 : i32
    %dma_wait3A_27 = tpu.memref_slice %arg4[%dma_wait3A, %dma_wait3A_26] : memref<125x80xi32, #tpu.memory_space<vmem>> -> memref<1x80xi32, #tpu.memory_space<vmem>>
    %dma_wait3A_28 = tpu.memref_squeeze %dma_wait3A_27 : memref<1x80xi32, #tpu.memory_space<vmem>> -> memref<80xi32, #tpu.memory_space<vmem>>
    %dma_wait3A_29 = arith.constant 0 : i32
    %dma_wait3A_30 = arith.constant 0 : i32
    %dma_wait3A_31 = tpu.memref_slice %arg7[%dma_wait3A_29, %dma_wait3A_30] : memref<10240x16xf32, #tpu.memory_space<vmem_shared>> -> memref<10240x16xf32, #tpu.memory_space<vmem_shared>>
    tpu.wait_indirect_dma semaphore(%arg8 : memref<!tpu.dma_semaphore, #tpu.memory_space<semaphore_mem>>) src(%arg5 : memref<80x16xf32, #tpu.memory_space<vmem>>) dst(%dma_wait3A_31 : memref<10240x16xf32, #tpu.memory_space<vmem_shared>>)
    %dma_wait3A_32 = arith.constant 0 : i32
    %dma_wait3A_33 = arith.constant 0 : i32
    %dma_wait3A_34 = tpu.memref_slice %arg4[%dma_wait3A_32, %dma_wait3A_33] : memref<125x80xi32, #tpu.memory_space<vmem>> -> memref<1x80xi32, #tpu.memory_space<vmem>>
    %dma_wait3A_35 = tpu.memref_squeeze %dma_wait3A_34 : memref<1x80xi32, #tpu.memory_space<vmem>> -> memref<80xi32, #tpu.memory_space<vmem>>
    %dma_wait3A_36 = arith.constant 0 : i32
    %dma_wait3A_37 = arith.constant 0 : i32
    %dma_wait3A_38 = tpu.memref_slice %arg7[%dma_wait3A_36, %dma_wait3A_37] : memref<10240x16xf32, #tpu.memory_space<vmem_shared>> -> memref<10240x16xf32, #tpu.memory_space<vmem_shared>>
    tpu.wait_indirect_dma semaphore(%arg9 : memref<!tpu.dma_semaphore, #tpu.memory_space<semaphore_mem>>) src(%arg5 : memref<80x16xf32, #tpu.memory_space<vmem>>) dst(%dma_wait3A_38 : memref<10240x16xf32, #tpu.memory_space<vmem_shared>>)
    %dma_wait3A_39 = arith.constant 0 : i32
    %dma_wait3A_40 = arith.constant 0 : i32
    %dma_wait3A_41 = tpu.memref_slice %arg4[%dma_wait3A_39, %dma_wait3A_40] : memref<125x80xi32, #tpu.memory_space<vmem>> -> memref<1x80xi32, #tpu.memory_space<vmem>>
    %dma_wait3A_42 = tpu.memref_squeeze %dma_wait3A_41 : memref<1x80xi32, #tpu.memory_space<vmem>> -> memref<80xi32, #tpu.memory_space<vmem>>
    %dma_wait3A_43 = arith.constant 0 : i32
    %dma_wait3A_44 = arith.constant 0 : i32
    %dma_wait3A_45 = tpu.memref_slice %arg7[%dma_wait3A_43, %dma_wait3A_44] : memref<10240x16xf32, #tpu.memory_space<vmem_shared>> -> memref<10240x16xf32, #tpu.memory_space<vmem_shared>>
    tpu.wait_indirect_dma semaphore(%arg10 : memref<!tpu.dma_semaphore, #tpu.memory_space<semaphore_mem>>) src(%arg5 : memref<80x16xf32, #tpu.memory_space<vmem>>) dst(%dma_wait3A_45 : memref<10240x16xf32, #tpu.memory_space<vmem_shared>>)
    %dma_wait3A_46 = arith.constant 0 : i32
    %dma_wait3A_47 = arith.constant 0 : i32
    %dma_wait3A_48 = tpu.memref_slice %arg4[%dma_wait3A_46, %dma_wait3A_47] : memref<125x80xi32, #tpu.memory_space<vmem>> -> memref<1x80xi32, #tpu.memory_space<vmem>>
    %dma_wait3A_49 = tpu.memref_squeeze %dma_wait3A_48 : memref<1x80xi32, #tpu.memory_space<vmem>> -> memref<80xi32, #tpu.memory_space<vmem>>
    %dma_wait3A_50 = arith.constant 0 : i32
    %dma_wait3A_51 = arith.constant 0 : i32
    %dma_wait3A_52 = tpu.memref_slice %arg7[%dma_wait3A_50, %dma_wait3A_51] : memref<10240x16xf32, #tpu.memory_space<vmem_shared>> -> memref<10240x16xf32, #tpu.memory_space<vmem_shared>>
    tpu.wait_indirect_dma semaphore(%arg11 : memref<!tpu.dma_semaphore, #tpu.memory_space<semaphore_mem>>) src(%arg5 : memref<80x16xf32, #tpu.memory_space<vmem>>) dst(%dma_wait3A_52 : memref<10240x16xf32, #tpu.memory_space<vmem_shared>>)
    %dma_wait3A_53 = arith.constant 0 : i32
    %dma_wait3A_54 = arith.constant 0 : i32
    %dma_wait3A_55 = tpu.memref_slice %arg4[%dma_wait3A_53, %dma_wait3A_54] : memref<125x80xi32, #tpu.memory_space<vmem>> -> memref<1x80xi32, #tpu.memory_space<vmem>>
    %dma_wait3A_56 = tpu.memref_squeeze %dma_wait3A_55 : memref<1x80xi32, #tpu.memory_space<vmem>> -> memref<80xi32, #tpu.memory_space<vmem>>
    %dma_wait3A_57 = arith.constant 0 : i32
    %dma_wait3A_58 = arith.constant 0 : i32
    %dma_wait3A_59 = tpu.memref_slice %arg7[%dma_wait3A_57, %dma_wait3A_58] : memref<10240x16xf32, #tpu.memory_space<vmem_shared>> -> memref<10240x16xf32, #tpu.memory_space<vmem_shared>>
    tpu.wait_indirect_dma semaphore(%arg12 : memref<!tpu.dma_semaphore, #tpu.memory_space<semaphore_mem>>) src(%arg5 : memref<80x16xf32, #tpu.memory_space<vmem>>) dst(%dma_wait3A_59 : memref<10240x16xf32, #tpu.memory_space<vmem_shared>>)
    %barrier3A_60 = arith.constant 0 : index
    tpu.barrier barrier_id(%barrier3A_60)
    "tpu.region"() ({
      %run_scoped3A = tpu.sem_alloc : memref<!tpu.dma_semaphore, #tpu.memory_space<semaphore_mem>>
      %dma_start3A = arith.constant 0 : i32
      %dma_start3A_61 = tpu.memref_slice %arg3[%arg0, %mul3A_9, %dma_start3A] : memref<2x10240x16xf32, #tpu.memory_space<hbm>> -> memref<1x640x16xf32, #tpu.memory_space<hbm>>
      %dma_start3A_62 = tpu.memref_squeeze %dma_start3A_61 : memref<1x640x16xf32, #tpu.memory_space<hbm>> -> memref<640x16xf32, #tpu.memory_space<hbm>>
      %dma_start3A_63 = arith.constant 0 : i32
      %dma_start3A_64 = tpu.memref_slice %arg7[%mul3A_9, %dma_start3A_63] : memref<10240x16xf32, #tpu.memory_space<vmem_shared>> -> memref<640x16xf32, #tpu.memory_space<vmem_shared>>
      tpu.enqueue_dma source(%dma_start3A_64 : memref<640x16xf32, #tpu.memory_space<vmem_shared>>) target(%dma_start3A_62 : memref<640x16xf32, #tpu.memory_space<hbm>>) target_semaphore(%run_scoped3A : memref<!tpu.dma_semaphore, #tpu.memory_space<semaphore_mem>>)
      %dma_wait3A_65 = arith.constant 0 : i32
      %dma_wait3A_66 = tpu.memref_slice %arg3[%arg0, %mul3A_9, %dma_wait3A_65] : memref<2x10240x16xf32, #tpu.memory_space<hbm>> -> memref<1x640x16xf32, #tpu.memory_space<hbm>>
      %dma_wait3A_67 = tpu.memref_squeeze %dma_wait3A_66 : memref<1x640x16xf32, #tpu.memory_space<hbm>> -> memref<640x16xf32, #tpu.memory_space<hbm>>
      %dma_wait3A_68 = arith.constant 0 : i32
      %dma_wait3A_69 = tpu.memref_slice %arg7[%mul3A_9, %dma_wait3A_68] : memref<10240x16xf32, #tpu.memory_space<vmem_shared>> -> memref<640x16xf32, #tpu.memory_space<vmem_shared>>
      tpu.wait_dma2 semaphore(%run_scoped3A : memref<!tpu.dma_semaphore, #tpu.memory_space<semaphore_mem>>) src(%dma_wait3A_69 : memref<640x16xf32, #tpu.memory_space<vmem_shared>>) dst(%dma_wait3A_67 : memref<640x16xf32, #tpu.memory_space<hbm>>)
      tpu.yield
    }) : () -> ()
    return
  }
}

#map = affine_map<(d0, d1) -> (0, 0, 0, 0)>
#map1 = affine_map<(d0, d1) -> (0, 0, 0)>
#map2 = affine_map<(d0, d1) -> (0, 0)>
module attributes {stable_mosaic.version = 14 : i64} {
  func.func @_sc_body(%arg0: i32, %arg1: i32, %arg2: memref<2x16x250x80xi32, #tpu.memory_space<hbm>>, %arg3: memref<16x250x80xi32, #tpu.memory_space<hbm>>, %arg4: memref<20000x64xf32, #tpu.memory_space<hbm>>, %arg5: memref<10240x128xf32, #tpu.memory_space<hbm>>, %arg6: memref<250x80xi32, #tpu.memory_space<vmem>>, %arg7: memref<250x80xi32, #tpu.memory_space<vmem>>, %arg8: memref<5x80x64xf32, #tpu.memory_space<vmem>>, %arg9: memref<128x64xf32, #tpu.memory_space<vmem>>, %arg10: memref<10240x64xf32, #tpu.memory_space<vmem_shared>>, %arg11: memref<!tpu.dma_semaphore, #tpu.memory_space<semaphore_mem>>, %arg12: memref<!tpu.dma_semaphore, #tpu.memory_space<semaphore_mem>>, %arg13: memref<!tpu.dma_semaphore, #tpu.memory_space<semaphore_mem>>, %arg14: memref<!tpu.dma_semaphore, #tpu.memory_space<semaphore_mem>>, %arg15: memref<!tpu.dma_semaphore, #tpu.memory_space<semaphore_mem>>, %arg16: memref<!tpu.dma_semaphore, #tpu.memory_space<semaphore_mem>>, %arg17: memref<!tpu.dma_semaphore, #tpu.memory_space<semaphore_mem>>, %arg18: memref<!tpu.dma_semaphore, #tpu.memory_space<semaphore_mem>>, %arg19: memref<!tpu.dma_semaphore, #tpu.memory_space<semaphore_mem>>, %arg20: memref<!tpu.dma_semaphore, #tpu.memory_space<semaphore_mem>>) attributes {dimension_semantics = [#tpu.dimension_semantics<core_parallel>, #tpu.dimension_semantics<subcore_parallel>], iteration_bounds = array<i64: 2, 16>, scalar_prefetch = 0 : i64, scratch_operands = 15 : i64, tpu.core_type = #tpu.core_type<sc_vector_subcore>, window_params = [{transform_indices = #map}, {transform_indices = #map1}, {transform_indices = #map2}, {transform_indices = #map2}]} {
    "tpu.region"() ({
      %run_scoped3A = tpu.sem_alloc : memref<!tpu.dma_semaphore, #tpu.memory_space<semaphore_mem>>
      %dma_start3A_133 = arith.constant 0 : i32
      %dma_start3A_134 = arith.constant 0 : i32
      %dma_start3A_135 = tpu.memref_slice %arg2[%arg0, %arg1, %dma_start3A_133, %dma_start3A_134] : memref<2x16x250x80xi32, #tpu.memory_space<hbm>> -> memref<1x1x250x80xi32, #tpu.memory_space<hbm>>
      %dma_start3A_136 = tpu.memref_squeeze %dma_start3A_135 : memref<1x1x250x80xi32, #tpu.memory_space<hbm>> -> memref<250x80xi32, #tpu.memory_space<hbm>>
      %dma_start3A_137 = arith.constant 0 : i32
      %dma_start3A_138 = arith.constant 0 : i32
      %dma_start3A_139 = tpu.memref_slice %arg2[%arg0, %arg1, %dma_start3A_137, %dma_start3A_138] : memref<2x16x250x80xi32, #tpu.memory_space<hbm>> -> memref<1x1x250x80xi32, #tpu.memory_space<hbm>>
      %dma_start3A_140 = tpu.memref_squeeze %dma_start3A_139 : memref<1x1x250x80xi32, #tpu.memory_space<hbm>> -> memref<250x80xi32, #tpu.memory_space<hbm>>
      tpu.enqueue_dma source(%dma_start3A_140 : memref<250x80xi32, #tpu.memory_space<hbm>>) target(%arg6 : memref<250x80xi32, #tpu.memory_space<vmem>>) target_semaphore(%run_scoped3A : memref<!tpu.dma_semaphore, #tpu.memory_space<semaphore_mem>>)
      %dma_wait3A_141 = arith.constant 0 : i32
      %dma_wait3A_142 = arith.constant 0 : i32
      %dma_wait3A_143 = tpu.memref_slice %arg2[%arg0, %arg1, %dma_wait3A_141, %dma_wait3A_142] : memref<2x16x250x80xi32, #tpu.memory_space<hbm>> -> memref<1x1x250x80xi32, #tpu.memory_space<hbm>>
      %dma_wait3A_144 = tpu.memref_squeeze %dma_wait3A_143 : memref<1x1x250x80xi32, #tpu.memory_space<hbm>> -> memref<250x80xi32, #tpu.memory_space<hbm>>
      %dma_wait3A_145 = arith.constant 0 : i32
      %dma_wait3A_146 = arith.constant 0 : i32
      %dma_wait3A_147 = tpu.memref_slice %arg2[%arg0, %arg1, %dma_wait3A_145, %dma_wait3A_146] : memref<2x16x250x80xi32, #tpu.memory_space<hbm>> -> memref<1x1x250x80xi32, #tpu.memory_space<hbm>>
      %dma_wait3A_148 = tpu.memref_squeeze %dma_wait3A_147 : memref<1x1x250x80xi32, #tpu.memory_space<hbm>> -> memref<250x80xi32, #tpu.memory_space<hbm>>
      tpu.wait_dma2 semaphore(%run_scoped3A : memref<!tpu.dma_semaphore, #tpu.memory_space<semaphore_mem>>) src(%dma_wait3A_148 : memref<250x80xi32, #tpu.memory_space<hbm>>) dst(%arg6 : memref<250x80xi32, #tpu.memory_space<vmem>>)
      tpu.yield
    }) : () -> ()
    "tpu.region"() ({
      %run_scoped3A = tpu.sem_alloc : memref<!tpu.dma_semaphore, #tpu.memory_space<semaphore_mem>>
      %dma_start3A_133 = arith.constant 0 : i32
      %dma_start3A_134 = arith.constant 0 : i32
      %dma_start3A_135 = tpu.memref_slice %arg3[%arg1, %dma_start3A_133, %dma_start3A_134] : memref<16x250x80xi32, #tpu.memory_space<hbm>> -> memref<1x250x80xi32, #tpu.memory_space<hbm>>
      %dma_start3A_136 = tpu.memref_squeeze %dma_start3A_135 : memref<1x250x80xi32, #tpu.memory_space<hbm>> -> memref<250x80xi32, #tpu.memory_space<hbm>>
      %dma_start3A_137 = arith.constant 0 : i32
      %dma_start3A_138 = arith.constant 0 : i32
      %dma_start3A_139 = tpu.memref_slice %arg3[%arg1, %dma_start3A_137, %dma_start3A_138] : memref<16x250x80xi32, #tpu.memory_space<hbm>> -> memref<1x250x80xi32, #tpu.memory_space<hbm>>
      %dma_start3A_140 = tpu.memref_squeeze %dma_start3A_139 : memref<1x250x80xi32, #tpu.memory_space<hbm>> -> memref<250x80xi32, #tpu.memory_space<hbm>>
      tpu.enqueue_dma source(%dma_start3A_140 : memref<250x80xi32, #tpu.memory_space<hbm>>) target(%arg7 : memref<250x80xi32, #tpu.memory_space<vmem>>) target_semaphore(%run_scoped3A : memref<!tpu.dma_semaphore, #tpu.memory_space<semaphore_mem>>)
      %dma_wait3A_141 = arith.constant 0 : i32
      %dma_wait3A_142 = arith.constant 0 : i32
      %dma_wait3A_143 = tpu.memref_slice %arg3[%arg1, %dma_wait3A_141, %dma_wait3A_142] : memref<16x250x80xi32, #tpu.memory_space<hbm>> -> memref<1x250x80xi32, #tpu.memory_space<hbm>>
      %dma_wait3A_144 = tpu.memref_squeeze %dma_wait3A_143 : memref<1x250x80xi32, #tpu.memory_space<hbm>> -> memref<250x80xi32, #tpu.memory_space<hbm>>
      %dma_wait3A_145 = arith.constant 0 : i32
      %dma_wait3A_146 = arith.constant 0 : i32
      %dma_wait3A_147 = tpu.memref_slice %arg3[%arg1, %dma_wait3A_145, %dma_wait3A_146] : memref<16x250x80xi32, #tpu.memory_space<hbm>> -> memref<1x250x80xi32, #tpu.memory_space<hbm>>
      %dma_wait3A_148 = tpu.memref_squeeze %dma_wait3A_147 : memref<1x250x80xi32, #tpu.memory_space<hbm>> -> memref<250x80xi32, #tpu.memory_space<hbm>>
      tpu.wait_dma2 semaphore(%run_scoped3A : memref<!tpu.dma_semaphore, #tpu.memory_space<semaphore_mem>>) src(%dma_wait3A_148 : memref<250x80xi32, #tpu.memory_space<hbm>>) dst(%arg7 : memref<250x80xi32, #tpu.memory_space<vmem>>)
      tpu.yield
    }) : () -> ()
    %broadcast_in_dim3A = arith.constant 0.000000e+00 : f32
    %broadcast_in_dim3A_0 = vector.broadcast %broadcast_in_dim3A : f32 to vector<16xf32>
    %scan3A = arith.constant 0 : i32
    %scan3A_1 = arith.constant 0 : i32
    %scan3A_2 = arith.constant 128 : i32
    %scan3A_3 = arith.addi %scan3A_1, %scan3A_2 : i32
    %scan3A_4 = arith.constant 1 : i32
    %scan3A_5 = scf.for %scan3A_133 = %scan3A_1 to %scan3A_3 step %scan3A_4 iter_args(%scan3A_134 = %scan3A) -> (i32)  : i32 {
      %swap3A = arith.index_cast %scan3A_133 : i32 to index
      %swap3A_135 = arith.constant 0 : index
      %swap3A_136 = tpu.vector_load %arg9[%swap3A, %swap3A_135] {strides = array<i32>} : memref<128x64xf32, #tpu.memory_space<vmem>>, vector<1x16xf32>,
      %swap3A_137 = vector.shape_cast %swap3A_136 : vector<1x16xf32> to vector<16xf32>
      %swap3A_138 = vector.shape_cast %broadcast_in_dim3A_0 : vector<16xf32> to vector<1x16xf32>
      tpu.vector_store %arg9[%swap3A, %swap3A_135], %swap3A_138 {strides = array<i32>} : memref<128x64xf32, #tpu.memory_space<vmem>>, vector<1x16xf32>,
      %swap3A_139 = arith.index_cast %scan3A_133 : i32 to index
      %swap3A_140 = arith.constant 16 : index
      %swap3A_141 = tpu.vector_load %arg9[%swap3A_139, %swap3A_140] {strides = array<i32>} : memref<128x64xf32, #tpu.memory_space<vmem>>, vector<1x16xf32>,
      %swap3A_142 = vector.shape_cast %swap3A_141 : vector<1x16xf32> to vector<16xf32>
      %swap3A_143 = vector.shape_cast %broadcast_in_dim3A_0 : vector<16xf32> to vector<1x16xf32>
      tpu.vector_store %arg9[%swap3A_139, %swap3A_140], %swap3A_143 {strides = array<i32>} : memref<128x64xf32, #tpu.memory_space<vmem>>, vector<1x16xf32>,
      %swap3A_144 = arith.index_cast %scan3A_133 : i32 to index
      %swap3A_145 = arith.constant 32 : index
      %swap3A_146 = tpu.vector_load %arg9[%swap3A_144, %swap3A_145] {strides = array<i32>} : memref<128x64xf32, #tpu.memory_space<vmem>>, vector<1x16xf32>,
      %swap3A_147 = vector.shape_cast %swap3A_146 : vector<1x16xf32> to vector<16xf32>
      %swap3A_148 = vector.shape_cast %broadcast_in_dim3A_0 : vector<16xf32> to vector<1x16xf32>
      tpu.vector_store %arg9[%swap3A_144, %swap3A_145], %swap3A_148 {strides = array<i32>} : memref<128x64xf32, #tpu.memory_space<vmem>>, vector<1x16xf32>,
      %swap3A_149 = arith.index_cast %scan3A_133 : i32 to index
      %swap3A_150 = arith.constant 48 : index
      %swap3A_151 = tpu.vector_load %arg9[%swap3A_149, %swap3A_150] {strides = array<i32>} : memref<128x64xf32, #tpu.memory_space<vmem>>, vector<1x16xf32>,
      %swap3A_152 = vector.shape_cast %swap3A_151 : vector<1x16xf32> to vector<16xf32>
      %swap3A_153 = vector.shape_cast %broadcast_in_dim3A_0 : vector<16xf32> to vector<1x16xf32>
      tpu.vector_store %arg9[%swap3A_149, %swap3A_150], %swap3A_153 {strides = array<i32>} : memref<128x64xf32, #tpu.memory_space<vmem>>, vector<1x16xf32>,
      %scan3A_154 = arith.constant 0 : i32
      scf.yield %scan3A_154 : i32
    }
    %scan3A_6 = arith.constant 128 : i32
    %mul3A = arith.constant 640 : i32
    %mul3A_7 = arith.muli %arg1, %mul3A : i32
    %add3A = arith.constant 0 : i32
    %add3A_8 = arith.addi %mul3A_7, %add3A : i32
    "tpu.region"() ({
      %run_scoped3A = tpu.sem_alloc : memref<!tpu.dma_semaphore, #tpu.memory_space<semaphore_mem>>
      %dma_start3A_133 = arith.constant 0 : i32
      %dma_start3A_134 = tpu.memref_slice %arg10[%add3A_8, %dma_start3A_133] : memref<10240x64xf32, #tpu.memory_space<vmem_shared>> -> memref<128x64xf32, #tpu.memory_space<vmem_shared>>
      %dma_start3A_135 = arith.constant 0 : i32
      %dma_start3A_136 = tpu.memref_slice %arg10[%add3A_8, %dma_start3A_135] : memref<10240x64xf32, #tpu.memory_space<vmem_shared>> -> memref<128x64xf32, #tpu.memory_space<vmem_shared>>
      tpu.enqueue_dma source(%arg9 : memref<128x64xf32, #tpu.memory_space<vmem>>) target(%dma_start3A_136 : memref<128x64xf32, #tpu.memory_space<vmem_shared>>) target_semaphore(%run_scoped3A : memref<!tpu.dma_semaphore, #tpu.memory_space<semaphore_mem>>)
      %dma_wait3A_137 = arith.constant 0 : i32
      %dma_wait3A_138 = tpu.memref_slice %arg10[%add3A_8, %dma_wait3A_137] : memref<10240x64xf32, #tpu.memory_space<vmem_shared>> -> memref<128x64xf32, #tpu.memory_space<vmem_shared>>
      %dma_wait3A_139 = arith.constant 0 : i32
      %dma_wait3A_140 = tpu.memref_slice %arg10[%add3A_8, %dma_wait3A_139] : memref<10240x64xf32, #tpu.memory_space<vmem_shared>> -> memref<128x64xf32, #tpu.memory_space<vmem_shared>>
      tpu.wait_dma2 semaphore(%run_scoped3A : memref<!tpu.dma_semaphore, #tpu.memory_space<semaphore_mem>>) src(%arg9 : memref<128x64xf32, #tpu.memory_space<vmem>>) dst(%dma_wait3A_140 : memref<128x64xf32, #tpu.memory_space<vmem_shared>>)
      tpu.yield
    }) : () -> ()
    %add3A_9 = arith.constant 128 : i32
    %add3A_10 = arith.addi %mul3A_7, %add3A_9 : i32
    "tpu.region"() ({
      %run_scoped3A = tpu.sem_alloc : memref<!tpu.dma_semaphore, #tpu.memory_space<semaphore_mem>>
      %dma_start3A_133 = arith.constant 0 : i32
      %dma_start3A_134 = tpu.memref_slice %arg10[%add3A_10, %dma_start3A_133] : memref<10240x64xf32, #tpu.memory_space<vmem_shared>> -> memref<128x64xf32, #tpu.memory_space<vmem_shared>>
      %dma_start3A_135 = arith.constant 0 : i32
      %dma_start3A_136 = tpu.memref_slice %arg10[%add3A_10, %dma_start3A_135] : memref<10240x64xf32, #tpu.memory_space<vmem_shared>> -> memref<128x64xf32, #tpu.memory_space<vmem_shared>>
      tpu.enqueue_dma source(%arg9 : memref<128x64xf32, #tpu.memory_space<vmem>>) target(%dma_start3A_136 : memref<128x64xf32, #tpu.memory_space<vmem_shared>>) target_semaphore(%run_scoped3A : memref<!tpu.dma_semaphore, #tpu.memory_space<semaphore_mem>>)
      %dma_wait3A_137 = arith.constant 0 : i32
      %dma_wait3A_138 = tpu.memref_slice %arg10[%add3A_10, %dma_wait3A_137] : memref<10240x64xf32, #tpu.memory_space<vmem_shared>> -> memref<128x64xf32, #tpu.memory_space<vmem_shared>>
      %dma_wait3A_139 = arith.constant 0 : i32
      %dma_wait3A_140 = tpu.memref_slice %arg10[%add3A_10, %dma_wait3A_139] : memref<10240x64xf32, #tpu.memory_space<vmem_shared>> -> memref<128x64xf32, #tpu.memory_space<vmem_shared>>
      tpu.wait_dma2 semaphore(%run_scoped3A : memref<!tpu.dma_semaphore, #tpu.memory_space<semaphore_mem>>) src(%arg9 : memref<128x64xf32, #tpu.memory_space<vmem>>) dst(%dma_wait3A_140 : memref<128x64xf32, #tpu.memory_space<vmem_shared>>)
      tpu.yield
    }) : () -> ()
    %add3A_11 = arith.constant 256 : i32
    %add3A_12 = arith.addi %mul3A_7, %add3A_11 : i32
    "tpu.region"() ({
      %run_scoped3A = tpu.sem_alloc : memref<!tpu.dma_semaphore, #tpu.memory_space<semaphore_mem>>
      %dma_start3A_133 = arith.constant 0 : i32
      %dma_start3A_134 = tpu.memref_slice %arg10[%add3A_12, %dma_start3A_133] : memref<10240x64xf32, #tpu.memory_space<vmem_shared>> -> memref<128x64xf32, #tpu.memory_space<vmem_shared>>
      %dma_start3A_135 = arith.constant 0 : i32
      %dma_start3A_136 = tpu.memref_slice %arg10[%add3A_12, %dma_start3A_135] : memref<10240x64xf32, #tpu.memory_space<vmem_shared>> -> memref<128x64xf32, #tpu.memory_space<vmem_shared>>
      tpu.enqueue_dma source(%arg9 : memref<128x64xf32, #tpu.memory_space<vmem>>) target(%dma_start3A_136 : memref<128x64xf32, #tpu.memory_space<vmem_shared>>) target_semaphore(%run_scoped3A : memref<!tpu.dma_semaphore, #tpu.memory_space<semaphore_mem>>)
      %dma_wait3A_137 = arith.constant 0 : i32
      %dma_wait3A_138 = tpu.memref_slice %arg10[%add3A_12, %dma_wait3A_137] : memref<10240x64xf32, #tpu.memory_space<vmem_shared>> -> memref<128x64xf32, #tpu.memory_space<vmem_shared>>
      %dma_wait3A_139 = arith.constant 0 : i32
      %dma_wait3A_140 = tpu.memref_slice %arg10[%add3A_12, %dma_wait3A_139] : memref<10240x64xf32, #tpu.memory_space<vmem_shared>> -> memref<128x64xf32, #tpu.memory_space<vmem_shared>>
      tpu.wait_dma2 semaphore(%run_scoped3A : memref<!tpu.dma_semaphore, #tpu.memory_space<semaphore_mem>>) src(%arg9 : memref<128x64xf32, #tpu.memory_space<vmem>>) dst(%dma_wait3A_140 : memref<128x64xf32, #tpu.memory_space<vmem_shared>>)
      tpu.yield
    }) : () -> ()
    %add3A_13 = arith.constant 384 : i32
    %add3A_14 = arith.addi %mul3A_7, %add3A_13 : i32
    "tpu.region"() ({
      %run_scoped3A = tpu.sem_alloc : memref<!tpu.dma_semaphore, #tpu.memory_space<semaphore_mem>>
      %dma_start3A_133 = arith.constant 0 : i32
      %dma_start3A_134 = tpu.memref_slice %arg10[%add3A_14, %dma_start3A_133] : memref<10240x64xf32, #tpu.memory_space<vmem_shared>> -> memref<128x64xf32, #tpu.memory_space<vmem_shared>>
      %dma_start3A_135 = arith.constant 0 : i32
      %dma_start3A_136 = tpu.memref_slice %arg10[%add3A_14, %dma_start3A_135] : memref<10240x64xf32, #tpu.memory_space<vmem_shared>> -> memref<128x64xf32, #tpu.memory_space<vmem_shared>>
      tpu.enqueue_dma source(%arg9 : memref<128x64xf32, #tpu.memory_space<vmem>>) target(%dma_start3A_136 : memref<128x64xf32, #tpu.memory_space<vmem_shared>>) target_semaphore(%run_scoped3A : memref<!tpu.dma_semaphore, #tpu.memory_space<semaphore_mem>>)
      %dma_wait3A_137 = arith.constant 0 : i32
      %dma_wait3A_138 = tpu.memref_slice %arg10[%add3A_14, %dma_wait3A_137] : memref<10240x64xf32, #tpu.memory_space<vmem_shared>> -> memref<128x64xf32, #tpu.memory_space<vmem_shared>>
      %dma_wait3A_139 = arith.constant 0 : i32
      %dma_wait3A_140 = tpu.memref_slice %arg10[%add3A_14, %dma_wait3A_139] : memref<10240x64xf32, #tpu.memory_space<vmem_shared>> -> memref<128x64xf32, #tpu.memory_space<vmem_shared>>
      tpu.wait_dma2 semaphore(%run_scoped3A : memref<!tpu.dma_semaphore, #tpu.memory_space<semaphore_mem>>) src(%arg9 : memref<128x64xf32, #tpu.memory_space<vmem>>) dst(%dma_wait3A_140 : memref<128x64xf32, #tpu.memory_space<vmem_shared>>)
      tpu.yield
    }) : () -> ()
    %add3A_15 = arith.constant 512 : i32
    %add3A_16 = arith.addi %mul3A_7, %add3A_15 : i32
    "tpu.region"() ({
      %run_scoped3A = tpu.sem_alloc : memref<!tpu.dma_semaphore, #tpu.memory_space<semaphore_mem>>
      %dma_start3A_133 = arith.constant 0 : i32
      %dma_start3A_134 = tpu.memref_slice %arg10[%add3A_16, %dma_start3A_133] : memref<10240x64xf32, #tpu.memory_space<vmem_shared>> -> memref<128x64xf32, #tpu.memory_space<vmem_shared>>
      %dma_start3A_135 = arith.constant 0 : i32
      %dma_start3A_136 = tpu.memref_slice %arg10[%add3A_16, %dma_start3A_135] : memref<10240x64xf32, #tpu.memory_space<vmem_shared>> -> memref<128x64xf32, #tpu.memory_space<vmem_shared>>
      tpu.enqueue_dma source(%arg9 : memref<128x64xf32, #tpu.memory_space<vmem>>) target(%dma_start3A_136 : memref<128x64xf32, #tpu.memory_space<vmem_shared>>) target_semaphore(%run_scoped3A : memref<!tpu.dma_semaphore, #tpu.memory_space<semaphore_mem>>)
      %dma_wait3A_137 = arith.constant 0 : i32
      %dma_wait3A_138 = tpu.memref_slice %arg10[%add3A_16, %dma_wait3A_137] : memref<10240x64xf32, #tpu.memory_space<vmem_shared>> -> memref<128x64xf32, #tpu.memory_space<vmem_shared>>
      %dma_wait3A_139 = arith.constant 0 : i32
      %dma_wait3A_140 = tpu.memref_slice %arg10[%add3A_16, %dma_wait3A_139] : memref<10240x64xf32, #tpu.memory_space<vmem_shared>> -> memref<128x64xf32, #tpu.memory_space<vmem_shared>>
      tpu.wait_dma2 semaphore(%run_scoped3A : memref<!tpu.dma_semaphore, #tpu.memory_space<semaphore_mem>>) src(%arg9 : memref<128x64xf32, #tpu.memory_space<vmem>>) dst(%dma_wait3A_140 : memref<128x64xf32, #tpu.memory_space<vmem_shared>>)
      tpu.yield
    }) : () -> ()
    %barrier3A = arith.constant 0 : index
    tpu.barrier barrier_id(%barrier3A)
    %dma_start3A = arith.constant 0 : i32
    %dma_start3A_17 = arith.constant 0 : i32
    %dma_start3A_18 = arith.constant 0 : i32
    %dma_start3A_19 = arith.constant 0 : i32
    %dma_start3A_20 = tpu.memref_slice %arg8[%dma_start3A_17, %dma_start3A_18, %dma_start3A_19] : memref<5x80x64xf32, #tpu.memory_space<vmem>> -> memref<1x80x64xf32, #tpu.memory_space<vmem>>
    %dma_start3A_21 = tpu.memref_squeeze %dma_start3A_20 : memref<1x80x64xf32, #tpu.memory_space<vmem>> -> memref<80x64xf32, #tpu.memory_space<vmem>>
    %dma_start3A_22 = arith.constant 0 : i32
    %dma_start3A_23 = tpu.memref_slice %arg6[%dma_start3A, %dma_start3A_22] : memref<250x80xi32, #tpu.memory_space<vmem>> -> memref<1x80xi32, #tpu.memory_space<vmem>>
    %dma_start3A_24 = tpu.memref_squeeze %dma_start3A_23 : memref<1x80xi32, #tpu.memory_space<vmem>> -> memref<80xi32, #tpu.memory_space<vmem>>
    %dma_start3A_25 = arith.constant 0 : i32
    %dma_start3A_26 = arith.constant 0 : i32
    %dma_start3A_27 = tpu.memref_slice %arg4[%dma_start3A_25, %dma_start3A_26] : memref<20000x64xf32, #tpu.memory_space<hbm>> -> memref<20000x64xf32, #tpu.memory_space<hbm>>
    tpu.enqueue_indirect_dma source(%dma_start3A_27 : memref<20000x64xf32, #tpu.memory_space<hbm>>) target(%dma_start3A_21 : memref<80x64xf32, #tpu.memory_space<vmem>>) offsets(%dma_start3A_24 : memref<80xi32, #tpu.memory_space<vmem>>) semaphore(%arg11 : memref<!tpu.dma_semaphore, #tpu.memory_space<semaphore_mem>>)
    %dma_start3A_28 = arith.constant 1 : i32
    %dma_start3A_29 = arith.constant 1 : i32
    %dma_start3A_30 = arith.constant 0 : i32
    %dma_start3A_31 = arith.constant 0 : i32
    %dma_start3A_32 = tpu.memref_slice %arg8[%dma_start3A_29, %dma_start3A_30, %dma_start3A_31] : memref<5x80x64xf32, #tpu.memory_space<vmem>> -> memref<1x80x64xf32, #tpu.memory_space<vmem>>
    %dma_start3A_33 = tpu.memref_squeeze %dma_start3A_32 : memref<1x80x64xf32, #tpu.memory_space<vmem>> -> memref<80x64xf32, #tpu.memory_space<vmem>>
    %dma_start3A_34 = arith.constant 0 : i32
    %dma_start3A_35 = tpu.memref_slice %arg6[%dma_start3A_28, %dma_start3A_34] : memref<250x80xi32, #tpu.memory_space<vmem>> -> memref<1x80xi32, #tpu.memory_space<vmem>>
    %dma_start3A_36 = tpu.memref_squeeze %dma_start3A_35 : memref<1x80xi32, #tpu.memory_space<vmem>> -> memref<80xi32, #tpu.memory_space<vmem>>
    %dma_start3A_37 = arith.constant 0 : i32
    %dma_start3A_38 = arith.constant 0 : i32
    %dma_start3A_39 = tpu.memref_slice %arg4[%dma_start3A_37, %dma_start3A_38] : memref<20000x64xf32, #tpu.memory_space<hbm>> -> memref<20000x64xf32, #tpu.memory_space<hbm>>
    tpu.enqueue_indirect_dma source(%dma_start3A_39 : memref<20000x64xf32, #tpu.memory_space<hbm>>) target(%dma_start3A_33 : memref<80x64xf32, #tpu.memory_space<vmem>>) offsets(%dma_start3A_36 : memref<80xi32, #tpu.memory_space<vmem>>) semaphore(%arg12 : memref<!tpu.dma_semaphore, #tpu.memory_space<semaphore_mem>>)
    %dma_start3A_40 = arith.constant 2 : i32
    %dma_start3A_41 = arith.constant 2 : i32
    %dma_start3A_42 = arith.constant 0 : i32
    %dma_start3A_43 = arith.constant 0 : i32
    %dma_start3A_44 = tpu.memref_slice %arg8[%dma_start3A_41, %dma_start3A_42, %dma_start3A_43] : memref<5x80x64xf32, #tpu.memory_space<vmem>> -> memref<1x80x64xf32, #tpu.memory_space<vmem>>
    %dma_start3A_45 = tpu.memref_squeeze %dma_start3A_44 : memref<1x80x64xf32, #tpu.memory_space<vmem>> -> memref<80x64xf32, #tpu.memory_space<vmem>>
    %dma_start3A_46 = arith.constant 0 : i32
    %dma_start3A_47 = tpu.memref_slice %arg6[%dma_start3A_40, %dma_start3A_46] : memref<250x80xi32, #tpu.memory_space<vmem>> -> memref<1x80xi32, #tpu.memory_space<vmem>>
    %dma_start3A_48 = tpu.memref_squeeze %dma_start3A_47 : memref<1x80xi32, #tpu.memory_space<vmem>> -> memref<80xi32, #tpu.memory_space<vmem>>
    %dma_start3A_49 = arith.constant 0 : i32
    %dma_start3A_50 = arith.constant 0 : i32
    %dma_start3A_51 = tpu.memref_slice %arg4[%dma_start3A_49, %dma_start3A_50] : memref<20000x64xf32, #tpu.memory_space<hbm>> -> memref<20000x64xf32, #tpu.memory_space<hbm>>
    tpu.enqueue_indirect_dma source(%dma_start3A_51 : memref<20000x64xf32, #tpu.memory_space<hbm>>) target(%dma_start3A_45 : memref<80x64xf32, #tpu.memory_space<vmem>>) offsets(%dma_start3A_48 : memref<80xi32, #tpu.memory_space<vmem>>) semaphore(%arg13 : memref<!tpu.dma_semaphore, #tpu.memory_space<semaphore_mem>>)
    %dma_start3A_52 = arith.constant 3 : i32
    %dma_start3A_53 = arith.constant 3 : i32
    %dma_start3A_54 = arith.constant 0 : i32
    %dma_start3A_55 = arith.constant 0 : i32
    %dma_start3A_56 = tpu.memref_slice %arg8[%dma_start3A_53, %dma_start3A_54, %dma_start3A_55] : memref<5x80x64xf32, #tpu.memory_space<vmem>> -> memref<1x80x64xf32, #tpu.memory_space<vmem>>
    %dma_start3A_57 = tpu.memref_squeeze %dma_start3A_56 : memref<1x80x64xf32, #tpu.memory_space<vmem>> -> memref<80x64xf32, #tpu.memory_space<vmem>>
    %dma_start3A_58 = arith.constant 0 : i32
    %dma_start3A_59 = tpu.memref_slice %arg6[%dma_start3A_52, %dma_start3A_58] : memref<250x80xi32, #tpu.memory_space<vmem>> -> memref<1x80xi32, #tpu.memory_space<vmem>>
    %dma_start3A_60 = tpu.memref_squeeze %dma_start3A_59 : memref<1x80xi32, #tpu.memory_space<vmem>> -> memref<80xi32, #tpu.memory_space<vmem>>
    %dma_start3A_61 = arith.constant 0 : i32
    %dma_start3A_62 = arith.constant 0 : i32
    %dma_start3A_63 = tpu.memref_slice %arg4[%dma_start3A_61, %dma_start3A_62] : memref<20000x64xf32, #tpu.memory_space<hbm>> -> memref<20000x64xf32, #tpu.memory_space<hbm>>
    tpu.enqueue_indirect_dma source(%dma_start3A_63 : memref<20000x64xf32, #tpu.memory_space<hbm>>) target(%dma_start3A_57 : memref<80x64xf32, #tpu.memory_space<vmem>>) offsets(%dma_start3A_60 : memref<80xi32, #tpu.memory_space<vmem>>) semaphore(%arg14 : memref<!tpu.dma_semaphore, #tpu.memory_space<semaphore_mem>>)
    %scan3A_64 = arith.constant 0 : i32
    %scan3A_65 = arith.constant 0 : i32
    %scan3A_66 = arith.constant 50 : i32
    %scan3A_67 = arith.addi %scan3A_65, %scan3A_66 : i32
    %scan3A_68 = arith.constant 1 : i32
    %scan3A_69 = scf.for %scan3A_133 = %scan3A_65 to %scan3A_67 step %scan3A_68 iter_args(%scan3A_134 = %scan3A_64) -> (i32)  : i32 {
      %mul3A_135 = arith.constant 5 : i32
      %mul3A_136 = arith.muli %scan3A_133, %mul3A_135 : i32
      %add3A_137 = arith.constant 0 : i32
      %add3A_138 = arith.addi %mul3A_136, %add3A_137 : i32
      %dma_wait3A_139 = arith.constant 0 : i32
      %dma_wait3A_140 = arith.constant 0 : i32
      %dma_wait3A_141 = arith.constant 0 : i32
      %dma_wait3A_142 = tpu.memref_slice %arg8[%dma_wait3A_139, %dma_wait3A_140, %dma_wait3A_141] : memref<5x80x64xf32, #tpu.memory_space<vmem>> -> memref<1x80x64xf32, #tpu.memory_space<vmem>>
      %dma_wait3A_143 = tpu.memref_squeeze %dma_wait3A_142 : memref<1x80x64xf32, #tpu.memory_space<vmem>> -> memref<80x64xf32, #tpu.memory_space<vmem>>
      %dma_wait3A_144 = arith.constant 0 : i32
      %dma_wait3A_145 = tpu.memref_slice %arg6[%add3A_138, %dma_wait3A_144] : memref<250x80xi32, #tpu.memory_space<vmem>> -> memref<1x80xi32, #tpu.memory_space<vmem>>
      %dma_wait3A_146 = tpu.memref_squeeze %dma_wait3A_145 : memref<1x80xi32, #tpu.memory_space<vmem>> -> memref<80xi32, #tpu.memory_space<vmem>>
      %dma_wait3A_147 = arith.constant 0 : i32
      %dma_wait3A_148 = arith.constant 0 : i32
      %dma_wait3A_149 = tpu.memref_slice %arg4[%dma_wait3A_147, %dma_wait3A_148] : memref<20000x64xf32, #tpu.memory_space<hbm>> -> memref<20000x64xf32, #tpu.memory_space<hbm>>
      tpu.wait_indirect_dma semaphore(%arg11 : memref<!tpu.dma_semaphore, #tpu.memory_space<semaphore_mem>>) src(%dma_wait3A_149 : memref<20000x64xf32, #tpu.memory_space<hbm>>) dst(%dma_wait3A_143 : memref<80x64xf32, #tpu.memory_space<vmem>>)
      %dma_start3A_150 = arith.constant 0 : i32
      %dma_start3A_151 = arith.constant 0 : i32
      %dma_start3A_152 = arith.constant 0 : i32
      %dma_start3A_153 = tpu.memref_slice %arg8[%dma_start3A_150, %dma_start3A_151, %dma_start3A_152] : memref<5x80x64xf32, #tpu.memory_space<vmem>> -> memref<1x80x64xf32, #tpu.memory_space<vmem>>
      %dma_start3A_154 = tpu.memref_squeeze %dma_start3A_153 : memref<1x80x64xf32, #tpu.memory_space<vmem>> -> memref<80x64xf32, #tpu.memory_space<vmem>>
      %dma_start3A_155 = arith.constant 0 : i32
      %dma_start3A_156 = tpu.memref_slice %arg7[%add3A_138, %dma_start3A_155] : memref<250x80xi32, #tpu.memory_space<vmem>> -> memref<1x80xi32, #tpu.memory_space<vmem>>
      %dma_start3A_157 = tpu.memref_squeeze %dma_start3A_156 : memref<1x80xi32, #tpu.memory_space<vmem>> -> memref<80xi32, #tpu.memory_space<vmem>>
      %dma_start3A_158 = arith.constant 0 : i32
      %dma_start3A_159 = arith.constant 0 : i32
      %dma_start3A_160 = tpu.memref_slice %arg10[%dma_start3A_158, %dma_start3A_159] : memref<10240x64xf32, #tpu.memory_space<vmem_shared>> -> memref<10240x64xf32, #tpu.memory_space<vmem_shared>>
      tpu.enqueue_indirect_dma source(%dma_start3A_154 : memref<80x64xf32, #tpu.memory_space<vmem>>) target(%dma_start3A_160 : memref<10240x64xf32, #tpu.memory_space<vmem_shared>>) offsets(%dma_start3A_157 : memref<80xi32, #tpu.memory_space<vmem>>) semaphore(%arg16 : memref<!tpu.dma_semaphore, #tpu.memory_space<semaphore_mem>>) {add = true}
      %add3A_161 = arith.constant 4 : i32
      %add3A_162 = arith.addi %add3A_138, %add3A_161 : i32
      %lt3A = arith.constant 250 : i32
      %lt3A_163 = arith.cmpi slt, %add3A_162, %lt3A : i32
      %convert_element_type3A = arith.extui %lt3A_163 : i1 to i32
      %cond3A = arith.constant 0 : i32
      %cond3A_164 = arith.cmpi ne, %convert_element_type3A, %cond3A : i32
      scf.if %cond3A_164 {
        %sub3A = arith.constant 5 : i32
        %sub3A_298 = arith.subi %add3A_162, %sub3A : i32
        %ge3A = arith.constant 0 : i32
        %ge3A_299 = arith.cmpi sge, %sub3A_298, %ge3A : i32
        %convert_element_type3A_300 = arith.extui %ge3A_299 : i1 to i32
        %cond3A_301 = arith.constant 0 : i32
        %cond3A_302 = arith.cmpi ne, %convert_element_type3A_300, %cond3A_301 : i32
        scf.if %cond3A_302 {
          %sub3A_314 = arith.constant 5 : i32
          %sub3A_315 = arith.subi %add3A_162, %sub3A_314 : i32
          %dma_wait3A_316 = arith.constant 4 : i32
          %dma_wait3A_317 = arith.constant 0 : i32
          %dma_wait3A_318 = arith.constant 0 : i32
          %dma_wait3A_319 = tpu.memref_slice %arg8[%dma_wait3A_316, %dma_wait3A_317, %dma_wait3A_318] : memref<5x80x64xf32, #tpu.memory_space<vmem>> -> memref<1x80x64xf32, #tpu.memory_space<vmem>>
          %dma_wait3A_320 = tpu.memref_squeeze %dma_wait3A_319 : memref<1x80x64xf32, #tpu.memory_space<vmem>> -> memref<80x64xf32, #tpu.memory_space<vmem>>
          %dma_wait3A_321 = arith.constant 0 : i32
          %dma_wait3A_322 = tpu.memref_slice %arg7[%sub3A_315, %dma_wait3A_321] : memref<250x80xi32, #tpu.memory_space<vmem>> -> memref<1x80xi32, #tpu.memory_space<vmem>>
          %dma_wait3A_323 = tpu.memref_squeeze %dma_wait3A_322 : memref<1x80xi32, #tpu.memory_space<vmem>> -> memref<80xi32, #tpu.memory_space<vmem>>
          %dma_wait3A_324 = arith.constant 0 : i32
          %dma_wait3A_325 = arith.constant 0 : i32
          %dma_wait3A_326 = tpu.memref_slice %arg10[%dma_wait3A_324, %dma_wait3A_325] : memref<10240x64xf32, #tpu.memory_space<vmem_shared>> -> memref<10240x64xf32, #tpu.memory_space<vmem_shared>>
          tpu.wait_indirect_dma semaphore(%arg20 : memref<!tpu.dma_semaphore, #tpu.memory_space<semaphore_mem>>) src(%dma_wait3A_320 : memref<80x64xf32, #tpu.memory_space<vmem>>) dst(%dma_wait3A_326 : memref<10240x64xf32, #tpu.memory_space<vmem_shared>>)
        } else {
        }
        %dma_start3A_303 = arith.constant 4 : i32
        %dma_start3A_304 = arith.constant 0 : i32
        %dma_start3A_305 = arith.constant 0 : i32
        %dma_start3A_306 = tpu.memref_slice %arg8[%dma_start3A_303, %dma_start3A_304, %dma_start3A_305] : memref<5x80x64xf32, #tpu.memory_space<vmem>> -> memref<1x80x64xf32, #tpu.memory_space<vmem>>
        %dma_start3A_307 = tpu.memref_squeeze %dma_start3A_306 : memref<1x80x64xf32, #tpu.memory_space<vmem>> -> memref<80x64xf32, #tpu.memory_space<vmem>>
        %dma_start3A_308 = arith.constant 0 : i32
        %dma_start3A_309 = tpu.memref_slice %arg6[%add3A_162, %dma_start3A_308] : memref<250x80xi32, #tpu.memory_space<vmem>> -> memref<1x80xi32, #tpu.memory_space<vmem>>
        %dma_start3A_310 = tpu.memref_squeeze %dma_start3A_309 : memref<1x80xi32, #tpu.memory_space<vmem>> -> memref<80xi32, #tpu.memory_space<vmem>>
        %dma_start3A_311 = arith.constant 0 : i32
        %dma_start3A_312 = arith.constant 0 : i32
        %dma_start3A_313 = tpu.memref_slice %arg4[%dma_start3A_311, %dma_start3A_312] : memref<20000x64xf32, #tpu.memory_space<hbm>> -> memref<20000x64xf32, #tpu.memory_space<hbm>>
        tpu.enqueue_indirect_dma source(%dma_start3A_313 : memref<20000x64xf32, #tpu.memory_space<hbm>>) target(%dma_start3A_307 : memref<80x64xf32, #tpu.memory_space<vmem>>) offsets(%dma_start3A_310 : memref<80xi32, #tpu.memory_space<vmem>>) semaphore(%arg15 : memref<!tpu.dma_semaphore, #tpu.memory_space<semaphore_mem>>)
      } else {
      }
      %mul3A_165 = arith.constant 5 : i32
      %mul3A_166 = arith.muli %scan3A_133, %mul3A_165 : i32
      %add3A_167 = arith.constant 1 : i32
      %add3A_168 = arith.addi %mul3A_166, %add3A_167 : i32
      %dma_wait3A_169 = arith.constant 1 : i32
      %dma_wait3A_170 = arith.constant 0 : i32
      %dma_wait3A_171 = arith.constant 0 : i32
      %dma_wait3A_172 = tpu.memref_slice %arg8[%dma_wait3A_169, %dma_wait3A_170, %dma_wait3A_171] : memref<5x80x64xf32, #tpu.memory_space<vmem>> -> memref<1x80x64xf32, #tpu.memory_space<vmem>>
      %dma_wait3A_173 = tpu.memref_squeeze %dma_wait3A_172 : memref<1x80x64xf32, #tpu.memory_space<vmem>> -> memref<80x64xf32, #tpu.memory_space<vmem>>
      %dma_wait3A_174 = arith.constant 0 : i32
      %dma_wait3A_175 = tpu.memref_slice %arg6[%add3A_168, %dma_wait3A_174] : memref<250x80xi32, #tpu.memory_space<vmem>> -> memref<1x80xi32, #tpu.memory_space<vmem>>
      %dma_wait3A_176 = tpu.memref_squeeze %dma_wait3A_175 : memref<1x80xi32, #tpu.memory_space<vmem>> -> memref<80xi32, #tpu.memory_space<vmem>>
      %dma_wait3A_177 = arith.constant 0 : i32
      %dma_wait3A_178 = arith.constant 0 : i32
      %dma_wait3A_179 = tpu.memref_slice %arg4[%dma_wait3A_177, %dma_wait3A_178] : memref<20000x64xf32, #tpu.memory_space<hbm>> -> memref<20000x64xf32, #tpu.memory_space<hbm>>
      tpu.wait_indirect_dma semaphore(%arg12 : memref<!tpu.dma_semaphore, #tpu.memory_space<semaphore_mem>>) src(%dma_wait3A_179 : memref<20000x64xf32, #tpu.memory_space<hbm>>) dst(%dma_wait3A_173 : memref<80x64xf32, #tpu.memory_space<vmem>>)
      %dma_start3A_180 = arith.constant 1 : i32
      %dma_start3A_181 = arith.constant 0 : i32
      %dma_start3A_182 = arith.constant 0 : i32
      %dma_start3A_183 = tpu.memref_slice %arg8[%dma_start3A_180, %dma_start3A_181, %dma_start3A_182] : memref<5x80x64xf32, #tpu.memory_space<vmem>> -> memref<1x80x64xf32, #tpu.memory_space<vmem>>
      %dma_start3A_184 = tpu.memref_squeeze %dma_start3A_183 : memref<1x80x64xf32, #tpu.memory_space<vmem>> -> memref<80x64xf32, #tpu.memory_space<vmem>>
      %dma_start3A_185 = arith.constant 0 : i32
      %dma_start3A_186 = tpu.memref_slice %arg7[%add3A_168, %dma_start3A_185] : memref<250x80xi32, #tpu.memory_space<vmem>> -> memref<1x80xi32, #tpu.memory_space<vmem>>
      %dma_start3A_187 = tpu.memref_squeeze %dma_start3A_186 : memref<1x80xi32, #tpu.memory_space<vmem>> -> memref<80xi32, #tpu.memory_space<vmem>>
      %dma_start3A_188 = arith.constant 0 : i32
      %dma_start3A_189 = arith.constant 0 : i32
      %dma_start3A_190 = tpu.memref_slice %arg10[%dma_start3A_188, %dma_start3A_189] : memref<10240x64xf32, #tpu.memory_space<vmem_shared>> -> memref<10240x64xf32, #tpu.memory_space<vmem_shared>>
      tpu.enqueue_indirect_dma source(%dma_start3A_184 : memref<80x64xf32, #tpu.memory_space<vmem>>) target(%dma_start3A_190 : memref<10240x64xf32, #tpu.memory_space<vmem_shared>>) offsets(%dma_start3A_187 : memref<80xi32, #tpu.memory_space<vmem>>) semaphore(%arg17 : memref<!tpu.dma_semaphore, #tpu.memory_space<semaphore_mem>>) {add = true}
      %add3A_191 = arith.constant 4 : i32
      %add3A_192 = arith.addi %add3A_168, %add3A_191 : i32
      %lt3A_193 = arith.constant 250 : i32
      %lt3A_194 = arith.cmpi slt, %add3A_192, %lt3A_193 : i32
      %convert_element_type3A_195 = arith.extui %lt3A_194 : i1 to i32
      %cond3A_196 = arith.constant 0 : i32
      %cond3A_197 = arith.cmpi ne, %convert_element_type3A_195, %cond3A_196 : i32
      scf.if %cond3A_197 {
        %sub3A = arith.constant 5 : i32
        %sub3A_298 = arith.subi %add3A_192, %sub3A : i32
        %ge3A = arith.constant 0 : i32
        %ge3A_299 = arith.cmpi sge, %sub3A_298, %ge3A : i32
        %convert_element_type3A_300 = arith.extui %ge3A_299 : i1 to i32
        %cond3A_301 = arith.constant 0 : i32
        %cond3A_302 = arith.cmpi ne, %convert_element_type3A_300, %cond3A_301 : i32
        scf.if %cond3A_302 {
          %sub3A_314 = arith.constant 5 : i32
          %sub3A_315 = arith.subi %add3A_192, %sub3A_314 : i32
          %dma_wait3A_316 = arith.constant 0 : i32
          %dma_wait3A_317 = arith.constant 0 : i32
          %dma_wait3A_318 = arith.constant 0 : i32
          %dma_wait3A_319 = tpu.memref_slice %arg8[%dma_wait3A_316, %dma_wait3A_317, %dma_wait3A_318] : memref<5x80x64xf32, #tpu.memory_space<vmem>> -> memref<1x80x64xf32, #tpu.memory_space<vmem>>
          %dma_wait3A_320 = tpu.memref_squeeze %dma_wait3A_319 : memref<1x80x64xf32, #tpu.memory_space<vmem>> -> memref<80x64xf32, #tpu.memory_space<vmem>>
          %dma_wait3A_321 = arith.constant 0 : i32
          %dma_wait3A_322 = tpu.memref_slice %arg7[%sub3A_315, %dma_wait3A_321] : memref<250x80xi32, #tpu.memory_space<vmem>> -> memref<1x80xi32, #tpu.memory_space<vmem>>
          %dma_wait3A_323 = tpu.memref_squeeze %dma_wait3A_322 : memref<1x80xi32, #tpu.memory_space<vmem>> -> memref<80xi32, #tpu.memory_space<vmem>>
          %dma_wait3A_324 = arith.constant 0 : i32
          %dma_wait3A_325 = arith.constant 0 : i32
          %dma_wait3A_326 = tpu.memref_slice %arg10[%dma_wait3A_324, %dma_wait3A_325] : memref<10240x64xf32, #tpu.memory_space<vmem_shared>> -> memref<10240x64xf32, #tpu.memory_space<vmem_shared>>
          tpu.wait_indirect_dma semaphore(%arg16 : memref<!tpu.dma_semaphore, #tpu.memory_space<semaphore_mem>>) src(%dma_wait3A_320 : memref<80x64xf32, #tpu.memory_space<vmem>>) dst(%dma_wait3A_326 : memref<10240x64xf32, #tpu.memory_space<vmem_shared>>)
        } else {
        }
        %dma_start3A_303 = arith.constant 0 : i32
        %dma_start3A_304 = arith.constant 0 : i32
        %dma_start3A_305 = arith.constant 0 : i32
        %dma_start3A_306 = tpu.memref_slice %arg8[%dma_start3A_303, %dma_start3A_304, %dma_start3A_305] : memref<5x80x64xf32, #tpu.memory_space<vmem>> -> memref<1x80x64xf32, #tpu.memory_space<vmem>>
        %dma_start3A_307 = tpu.memref_squeeze %dma_start3A_306 : memref<1x80x64xf32, #tpu.memory_space<vmem>> -> memref<80x64xf32, #tpu.memory_space<vmem>>
        %dma_start3A_308 = arith.constant 0 : i32
        %dma_start3A_309 = tpu.memref_slice %arg6[%add3A_192, %dma_start3A_308] : memref<250x80xi32, #tpu.memory_space<vmem>> -> memref<1x80xi32, #tpu.memory_space<vmem>>
        %dma_start3A_310 = tpu.memref_squeeze %dma_start3A_309 : memref<1x80xi32, #tpu.memory_space<vmem>> -> memref<80xi32, #tpu.memory_space<vmem>>
        %dma_start3A_311 = arith.constant 0 : i32
        %dma_start3A_312 = arith.constant 0 : i32
        %dma_start3A_313 = tpu.memref_slice %arg4[%dma_start3A_311, %dma_start3A_312] : memref<20000x64xf32, #tpu.memory_space<hbm>> -> memref<20000x64xf32, #tpu.memory_space<hbm>>
        tpu.enqueue_indirect_dma source(%dma_start3A_313 : memref<20000x64xf32, #tpu.memory_space<hbm>>) target(%dma_start3A_307 : memref<80x64xf32, #tpu.memory_space<vmem>>) offsets(%dma_start3A_310 : memref<80xi32, #tpu.memory_space<vmem>>) semaphore(%arg11 : memref<!tpu.dma_semaphore, #tpu.memory_space<semaphore_mem>>)
      } else {
      }
      %mul3A_198 = arith.constant 5 : i32
      %mul3A_199 = arith.muli %scan3A_133, %mul3A_198 : i32
      %add3A_200 = arith.constant 2 : i32
      %add3A_201 = arith.addi %mul3A_199, %add3A_200 : i32
      %dma_wait3A_202 = arith.constant 2 : i32
      %dma_wait3A_203 = arith.constant 0 : i32
      %dma_wait3A_204 = arith.constant 0 : i32
      %dma_wait3A_205 = tpu.memref_slice %arg8[%dma_wait3A_202, %dma_wait3A_203, %dma_wait3A_204] : memref<5x80x64xf32, #tpu.memory_space<vmem>> -> memref<1x80x64xf32, #tpu.memory_space<vmem>>
      %dma_wait3A_206 = tpu.memref_squeeze %dma_wait3A_205 : memref<1x80x64xf32, #tpu.memory_space<vmem>> -> memref<80x64xf32, #tpu.memory_space<vmem>>
      %dma_wait3A_207 = arith.constant 0 : i32
      %dma_wait3A_208 = tpu.memref_slice %arg6[%add3A_201, %dma_wait3A_207] : memref<250x80xi32, #tpu.memory_space<vmem>> -> memref<1x80xi32, #tpu.memory_space<vmem>>
      %dma_wait3A_209 = tpu.memref_squeeze %dma_wait3A_208 : memref<1x80xi32, #tpu.memory_space<vmem>> -> memref<80xi32, #tpu.memory_space<vmem>>
      %dma_wait3A_210 = arith.constant 0 : i32
      %dma_wait3A_211 = arith.constant 0 : i32
      %dma_wait3A_212 = tpu.memref_slice %arg4[%dma_wait3A_210, %dma_wait3A_211] : memref<20000x64xf32, #tpu.memory_space<hbm>> -> memref<20000x64xf32, #tpu.memory_space<hbm>>
      tpu.wait_indirect_dma semaphore(%arg13 : memref<!tpu.dma_semaphore, #tpu.memory_space<semaphore_mem>>) src(%dma_wait3A_212 : memref<20000x64xf32, #tpu.memory_space<hbm>>) dst(%dma_wait3A_206 : memref<80x64xf32, #tpu.memory_space<vmem>>)
      %dma_start3A_213 = arith.constant 2 : i32
      %dma_start3A_214 = arith.constant 0 : i32
      %dma_start3A_215 = arith.constant 0 : i32
      %dma_start3A_216 = tpu.memref_slice %arg8[%dma_start3A_213, %dma_start3A_214, %dma_start3A_215] : memref<5x80x64xf32, #tpu.memory_space<vmem>> -> memref<1x80x64xf32, #tpu.memory_space<vmem>>
      %dma_start3A_217 = tpu.memref_squeeze %dma_start3A_216 : memref<1x80x64xf32, #tpu.memory_space<vmem>> -> memref<80x64xf32, #tpu.memory_space<vmem>>
      %dma_start3A_218 = arith.constant 0 : i32
      %dma_start3A_219 = tpu.memref_slice %arg7[%add3A_201, %dma_start3A_218] : memref<250x80xi32, #tpu.memory_space<vmem>> -> memref<1x80xi32, #tpu.memory_space<vmem>>
      %dma_start3A_220 = tpu.memref_squeeze %dma_start3A_219 : memref<1x80xi32, #tpu.memory_space<vmem>> -> memref<80xi32, #tpu.memory_space<vmem>>
      %dma_start3A_221 = arith.constant 0 : i32
      %dma_start3A_222 = arith.constant 0 : i32
      %dma_start3A_223 = tpu.memref_slice %arg10[%dma_start3A_221, %dma_start3A_222] : memref<10240x64xf32, #tpu.memory_space<vmem_shared>> -> memref<10240x64xf32, #tpu.memory_space<vmem_shared>>
      tpu.enqueue_indirect_dma source(%dma_start3A_217 : memref<80x64xf32, #tpu.memory_space<vmem>>) target(%dma_start3A_223 : memref<10240x64xf32, #tpu.memory_space<vmem_shared>>) offsets(%dma_start3A_220 : memref<80xi32, #tpu.memory_space<vmem>>) semaphore(%arg18 : memref<!tpu.dma_semaphore, #tpu.memory_space<semaphore_mem>>) {add = true}
      %add3A_224 = arith.constant 4 : i32
      %add3A_225 = arith.addi %add3A_201, %add3A_224 : i32
      %lt3A_226 = arith.constant 250 : i32
      %lt3A_227 = arith.cmpi slt, %add3A_225, %lt3A_226 : i32
      %convert_element_type3A_228 = arith.extui %lt3A_227 : i1 to i32
      %cond3A_229 = arith.constant 0 : i32
      %cond3A_230 = arith.cmpi ne, %convert_element_type3A_228, %cond3A_229 : i32
      scf.if %cond3A_230 {
        %sub3A = arith.constant 5 : i32
        %sub3A_298 = arith.subi %add3A_225, %sub3A : i32
        %ge3A = arith.constant 0 : i32
        %ge3A_299 = arith.cmpi sge, %sub3A_298, %ge3A : i32
        %convert_element_type3A_300 = arith.extui %ge3A_299 : i1 to i32
        %cond3A_301 = arith.constant 0 : i32
        %cond3A_302 = arith.cmpi ne, %convert_element_type3A_300, %cond3A_301 : i32
        scf.if %cond3A_302 {
          %sub3A_314 = arith.constant 5 : i32
          %sub3A_315 = arith.subi %add3A_225, %sub3A_314 : i32
          %dma_wait3A_316 = arith.constant 1 : i32
          %dma_wait3A_317 = arith.constant 0 : i32
          %dma_wait3A_318 = arith.constant 0 : i32
          %dma_wait3A_319 = tpu.memref_slice %arg8[%dma_wait3A_316, %dma_wait3A_317, %dma_wait3A_318] : memref<5x80x64xf32, #tpu.memory_space<vmem>> -> memref<1x80x64xf32, #tpu.memory_space<vmem>>
          %dma_wait3A_320 = tpu.memref_squeeze %dma_wait3A_319 : memref<1x80x64xf32, #tpu.memory_space<vmem>> -> memref<80x64xf32, #tpu.memory_space<vmem>>
          %dma_wait3A_321 = arith.constant 0 : i32
          %dma_wait3A_322 = tpu.memref_slice %arg7[%sub3A_315, %dma_wait3A_321] : memref<250x80xi32, #tpu.memory_space<vmem>> -> memref<1x80xi32, #tpu.memory_space<vmem>>
          %dma_wait3A_323 = tpu.memref_squeeze %dma_wait3A_322 : memref<1x80xi32, #tpu.memory_space<vmem>> -> memref<80xi32, #tpu.memory_space<vmem>>
          %dma_wait3A_324 = arith.constant 0 : i32
          %dma_wait3A_325 = arith.constant 0 : i32
          %dma_wait3A_326 = tpu.memref_slice %arg10[%dma_wait3A_324, %dma_wait3A_325] : memref<10240x64xf32, #tpu.memory_space<vmem_shared>> -> memref<10240x64xf32, #tpu.memory_space<vmem_shared>>
          tpu.wait_indirect_dma semaphore(%arg17 : memref<!tpu.dma_semaphore, #tpu.memory_space<semaphore_mem>>) src(%dma_wait3A_320 : memref<80x64xf32, #tpu.memory_space<vmem>>) dst(%dma_wait3A_326 : memref<10240x64xf32, #tpu.memory_space<vmem_shared>>)
        } else {
        }
        %dma_start3A_303 = arith.constant 1 : i32
        %dma_start3A_304 = arith.constant 0 : i32
        %dma_start3A_305 = arith.constant 0 : i32
        %dma_start3A_306 = tpu.memref_slice %arg8[%dma_start3A_303, %dma_start3A_304, %dma_start3A_305] : memref<5x80x64xf32, #tpu.memory_space<vmem>> -> memref<1x80x64xf32, #tpu.memory_space<vmem>>
        %dma_start3A_307 = tpu.memref_squeeze %dma_start3A_306 : memref<1x80x64xf32, #tpu.memory_space<vmem>> -> memref<80x64xf32, #tpu.memory_space<vmem>>
        %dma_start3A_308 = arith.constant 0 : i32
        %dma_start3A_309 = tpu.memref_slice %arg6[%add3A_225, %dma_start3A_308] : memref<250x80xi32, #tpu.memory_space<vmem>> -> memref<1x80xi32, #tpu.memory_space<vmem>>
        %dma_start3A_310 = tpu.memref_squeeze %dma_start3A_309 : memref<1x80xi32, #tpu.memory_space<vmem>> -> memref<80xi32, #tpu.memory_space<vmem>>
        %dma_start3A_311 = arith.constant 0 : i32
        %dma_start3A_312 = arith.constant 0 : i32
        %dma_start3A_313 = tpu.memref_slice %arg4[%dma_start3A_311, %dma_start3A_312] : memref<20000x64xf32, #tpu.memory_space<hbm>> -> memref<20000x64xf32, #tpu.memory_space<hbm>>
        tpu.enqueue_indirect_dma source(%dma_start3A_313 : memref<20000x64xf32, #tpu.memory_space<hbm>>) target(%dma_start3A_307 : memref<80x64xf32, #tpu.memory_space<vmem>>) offsets(%dma_start3A_310 : memref<80xi32, #tpu.memory_space<vmem>>) semaphore(%arg12 : memref<!tpu.dma_semaphore, #tpu.memory_space<semaphore_mem>>)
      } else {
      }
      %mul3A_231 = arith.constant 5 : i32
      %mul3A_232 = arith.muli %scan3A_133, %mul3A_231 : i32
      %add3A_233 = arith.constant 3 : i32
      %add3A_234 = arith.addi %mul3A_232, %add3A_233 : i32
      %dma_wait3A_235 = arith.constant 3 : i32
      %dma_wait3A_236 = arith.constant 0 : i32
      %dma_wait3A_237 = arith.constant 0 : i32
      %dma_wait3A_238 = tpu.memref_slice %arg8[%dma_wait3A_235, %dma_wait3A_236, %dma_wait3A_237] : memref<5x80x64xf32, #tpu.memory_space<vmem>> -> memref<1x80x64xf32, #tpu.memory_space<vmem>>
      %dma_wait3A_239 = tpu.memref_squeeze %dma_wait3A_238 : memref<1x80x64xf32, #tpu.memory_space<vmem>> -> memref<80x64xf32, #tpu.memory_space<vmem>>
      %dma_wait3A_240 = arith.constant 0 : i32
      %dma_wait3A_241 = tpu.memref_slice %arg6[%add3A_234, %dma_wait3A_240] : memref<250x80xi32, #tpu.memory_space<vmem>> -> memref<1x80xi32, #tpu.memory_space<vmem>>
      %dma_wait3A_242 = tpu.memref_squeeze %dma_wait3A_241 : memref<1x80xi32, #tpu.memory_space<vmem>> -> memref<80xi32, #tpu.memory_space<vmem>>
      %dma_wait3A_243 = arith.constant 0 : i32
      %dma_wait3A_244 = arith.constant 0 : i32
      %dma_wait3A_245 = tpu.memref_slice %arg4[%dma_wait3A_243, %dma_wait3A_244] : memref<20000x64xf32, #tpu.memory_space<hbm>> -> memref<20000x64xf32, #tpu.memory_space<hbm>>
      tpu.wait_indirect_dma semaphore(%arg14 : memref<!tpu.dma_semaphore, #tpu.memory_space<semaphore_mem>>) src(%dma_wait3A_245 : memref<20000x64xf32, #tpu.memory_space<hbm>>) dst(%dma_wait3A_239 : memref<80x64xf32, #tpu.memory_space<vmem>>)
      %dma_start3A_246 = arith.constant 3 : i32
      %dma_start3A_247 = arith.constant 0 : i32
      %dma_start3A_248 = arith.constant 0 : i32
      %dma_start3A_249 = tpu.memref_slice %arg8[%dma_start3A_246, %dma_start3A_247, %dma_start3A_248] : memref<5x80x64xf32, #tpu.memory_space<vmem>> -> memref<1x80x64xf32, #tpu.memory_space<vmem>>
      %dma_start3A_250 = tpu.memref_squeeze %dma_start3A_249 : memref<1x80x64xf32, #tpu.memory_space<vmem>> -> memref<80x64xf32, #tpu.memory_space<vmem>>
      %dma_start3A_251 = arith.constant 0 : i32
      %dma_start3A_252 = tpu.memref_slice %arg7[%add3A_234, %dma_start3A_251] : memref<250x80xi32, #tpu.memory_space<vmem>> -> memref<1x80xi32, #tpu.memory_space<vmem>>
      %dma_start3A_253 = tpu.memref_squeeze %dma_start3A_252 : memref<1x80xi32, #tpu.memory_space<vmem>> -> memref<80xi32, #tpu.memory_space<vmem>>
      %dma_start3A_254 = arith.constant 0 : i32
      %dma_start3A_255 = arith.constant 0 : i32
      %dma_start3A_256 = tpu.memref_slice %arg10[%dma_start3A_254, %dma_start3A_255] : memref<10240x64xf32, #tpu.memory_space<vmem_shared>> -> memref<10240x64xf32, #tpu.memory_space<vmem_shared>>
      tpu.enqueue_indirect_dma source(%dma_start3A_250 : memref<80x64xf32, #tpu.memory_space<vmem>>) target(%dma_start3A_256 : memref<10240x64xf32, #tpu.memory_space<vmem_shared>>) offsets(%dma_start3A_253 : memref<80xi32, #tpu.memory_space<vmem>>) semaphore(%arg19 : memref<!tpu.dma_semaphore, #tpu.memory_space<semaphore_mem>>) {add = true}
      %add3A_257 = arith.constant 4 : i32
      %add3A_258 = arith.addi %add3A_234, %add3A_257 : i32
      %lt3A_259 = arith.constant 250 : i32
      %lt3A_260 = arith.cmpi slt, %add3A_258, %lt3A_259 : i32
      %convert_element_type3A_261 = arith.extui %lt3A_260 : i1 to i32
      %cond3A_262 = arith.constant 0 : i32
      %cond3A_263 = arith.cmpi ne, %convert_element_type3A_261, %cond3A_262 : i32
      scf.if %cond3A_263 {
        %sub3A = arith.constant 5 : i32
        %sub3A_298 = arith.subi %add3A_258, %sub3A : i32
        %ge3A = arith.constant 0 : i32
        %ge3A_299 = arith.cmpi sge, %sub3A_298, %ge3A : i32
        %convert_element_type3A_300 = arith.extui %ge3A_299 : i1 to i32
        %cond3A_301 = arith.constant 0 : i32
        %cond3A_302 = arith.cmpi ne, %convert_element_type3A_300, %cond3A_301 : i32
        scf.if %cond3A_302 {
          %sub3A_314 = arith.constant 5 : i32
          %sub3A_315 = arith.subi %add3A_258, %sub3A_314 : i32
          %dma_wait3A_316 = arith.constant 2 : i32
          %dma_wait3A_317 = arith.constant 0 : i32
          %dma_wait3A_318 = arith.constant 0 : i32
          %dma_wait3A_319 = tpu.memref_slice %arg8[%dma_wait3A_316, %dma_wait3A_317, %dma_wait3A_318] : memref<5x80x64xf32, #tpu.memory_space<vmem>> -> memref<1x80x64xf32, #tpu.memory_space<vmem>>
          %dma_wait3A_320 = tpu.memref_squeeze %dma_wait3A_319 : memref<1x80x64xf32, #tpu.memory_space<vmem>> -> memref<80x64xf32, #tpu.memory_space<vmem>>
          %dma_wait3A_321 = arith.constant 0 : i32
          %dma_wait3A_322 = tpu.memref_slice %arg7[%sub3A_315, %dma_wait3A_321] : memref<250x80xi32, #tpu.memory_space<vmem>> -> memref<1x80xi32, #tpu.memory_space<vmem>>
          %dma_wait3A_323 = tpu.memref_squeeze %dma_wait3A_322 : memref<1x80xi32, #tpu.memory_space<vmem>> -> memref<80xi32, #tpu.memory_space<vmem>>
          %dma_wait3A_324 = arith.constant 0 : i32
          %dma_wait3A_325 = arith.constant 0 : i32
          %dma_wait3A_326 = tpu.memref_slice %arg10[%dma_wait3A_324, %dma_wait3A_325] : memref<10240x64xf32, #tpu.memory_space<vmem_shared>> -> memref<10240x64xf32, #tpu.memory_space<vmem_shared>>
          tpu.wait_indirect_dma semaphore(%arg18 : memref<!tpu.dma_semaphore, #tpu.memory_space<semaphore_mem>>) src(%dma_wait3A_320 : memref<80x64xf32, #tpu.memory_space<vmem>>) dst(%dma_wait3A_326 : memref<10240x64xf32, #tpu.memory_space<vmem_shared>>)
        } else {
        }
        %dma_start3A_303 = arith.constant 2 : i32
        %dma_start3A_304 = arith.constant 0 : i32
        %dma_start3A_305 = arith.constant 0 : i32
        %dma_start3A_306 = tpu.memref_slice %arg8[%dma_start3A_303, %dma_start3A_304, %dma_start3A_305] : memref<5x80x64xf32, #tpu.memory_space<vmem>> -> memref<1x80x64xf32, #tpu.memory_space<vmem>>
        %dma_start3A_307 = tpu.memref_squeeze %dma_start3A_306 : memref<1x80x64xf32, #tpu.memory_space<vmem>> -> memref<80x64xf32, #tpu.memory_space<vmem>>
        %dma_start3A_308 = arith.constant 0 : i32
        %dma_start3A_309 = tpu.memref_slice %arg6[%add3A_258, %dma_start3A_308] : memref<250x80xi32, #tpu.memory_space<vmem>> -> memref<1x80xi32, #tpu.memory_space<vmem>>
        %dma_start3A_310 = tpu.memref_squeeze %dma_start3A_309 : memref<1x80xi32, #tpu.memory_space<vmem>> -> memref<80xi32, #tpu.memory_space<vmem>>
        %dma_start3A_311 = arith.constant 0 : i32
        %dma_start3A_312 = arith.constant 0 : i32
        %dma_start3A_313 = tpu.memref_slice %arg4[%dma_start3A_311, %dma_start3A_312] : memref<20000x64xf32, #tpu.memory_space<hbm>> -> memref<20000x64xf32, #tpu.memory_space<hbm>>
        tpu.enqueue_indirect_dma source(%dma_start3A_313 : memref<20000x64xf32, #tpu.memory_space<hbm>>) target(%dma_start3A_307 : memref<80x64xf32, #tpu.memory_space<vmem>>) offsets(%dma_start3A_310 : memref<80xi32, #tpu.memory_space<vmem>>) semaphore(%arg13 : memref<!tpu.dma_semaphore, #tpu.memory_space<semaphore_mem>>)
      } else {
      }
      %mul3A_264 = arith.constant 5 : i32
      %mul3A_265 = arith.muli %scan3A_133, %mul3A_264 : i32
      %add3A_266 = arith.constant 4 : i32
      %add3A_267 = arith.addi %mul3A_265, %add3A_266 : i32
      %dma_wait3A_268 = arith.constant 4 : i32
      %dma_wait3A_269 = arith.constant 0 : i32
      %dma_wait3A_270 = arith.constant 0 : i32
      %dma_wait3A_271 = tpu.memref_slice %arg8[%dma_wait3A_268, %dma_wait3A_269, %dma_wait3A_270] : memref<5x80x64xf32, #tpu.memory_space<vmem>> -> memref<1x80x64xf32, #tpu.memory_space<vmem>>
      %dma_wait3A_272 = tpu.memref_squeeze %dma_wait3A_271 : memref<1x80x64xf32, #tpu.memory_space<vmem>> -> memref<80x64xf32, #tpu.memory_space<vmem>>
      %dma_wait3A_273 = arith.constant 0 : i32
      %dma_wait3A_274 = tpu.memref_slice %arg6[%add3A_267, %dma_wait3A_273] : memref<250x80xi32, #tpu.memory_space<vmem>> -> memref<1x80xi32, #tpu.memory_space<vmem>>
      %dma_wait3A_275 = tpu.memref_squeeze %dma_wait3A_274 : memref<1x80xi32, #tpu.memory_space<vmem>> -> memref<80xi32, #tpu.memory_space<vmem>>
      %dma_wait3A_276 = arith.constant 0 : i32
      %dma_wait3A_277 = arith.constant 0 : i32
      %dma_wait3A_278 = tpu.memref_slice %arg4[%dma_wait3A_276, %dma_wait3A_277] : memref<20000x64xf32, #tpu.memory_space<hbm>> -> memref<20000x64xf32, #tpu.memory_space<hbm>>
      tpu.wait_indirect_dma semaphore(%arg15 : memref<!tpu.dma_semaphore, #tpu.memory_space<semaphore_mem>>) src(%dma_wait3A_278 : memref<20000x64xf32, #tpu.memory_space<hbm>>) dst(%dma_wait3A_272 : memref<80x64xf32, #tpu.memory_space<vmem>>)
      %dma_start3A_279 = arith.constant 4 : i32
      %dma_start3A_280 = arith.constant 0 : i32
      %dma_start3A_281 = arith.constant 0 : i32
      %dma_start3A_282 = tpu.memref_slice %arg8[%dma_start3A_279, %dma_start3A_280, %dma_start3A_281] : memref<5x80x64xf32, #tpu.memory_space<vmem>> -> memref<1x80x64xf32, #tpu.memory_space<vmem>>
      %dma_start3A_283 = tpu.memref_squeeze %dma_start3A_282 : memref<1x80x64xf32, #tpu.memory_space<vmem>> -> memref<80x64xf32, #tpu.memory_space<vmem>>
      %dma_start3A_284 = arith.constant 0 : i32
      %dma_start3A_285 = tpu.memref_slice %arg7[%add3A_267, %dma_start3A_284] : memref<250x80xi32, #tpu.memory_space<vmem>> -> memref<1x80xi32, #tpu.memory_space<vmem>>
      %dma_start3A_286 = tpu.memref_squeeze %dma_start3A_285 : memref<1x80xi32, #tpu.memory_space<vmem>> -> memref<80xi32, #tpu.memory_space<vmem>>
      %dma_start3A_287 = arith.constant 0 : i32
      %dma_start3A_288 = arith.constant 0 : i32
      %dma_start3A_289 = tpu.memref_slice %arg10[%dma_start3A_287, %dma_start3A_288] : memref<10240x64xf32, #tpu.memory_space<vmem_shared>> -> memref<10240x64xf32, #tpu.memory_space<vmem_shared>>
      tpu.enqueue_indirect_dma source(%dma_start3A_283 : memref<80x64xf32, #tpu.memory_space<vmem>>) target(%dma_start3A_289 : memref<10240x64xf32, #tpu.memory_space<vmem_shared>>) offsets(%dma_start3A_286 : memref<80xi32, #tpu.memory_space<vmem>>) semaphore(%arg20 : memref<!tpu.dma_semaphore, #tpu.memory_space<semaphore_mem>>) {add = true}
      %add3A_290 = arith.constant 4 : i32
      %add3A_291 = arith.addi %add3A_267, %add3A_290 : i32
      %lt3A_292 = arith.constant 250 : i32
      %lt3A_293 = arith.cmpi slt, %add3A_291, %lt3A_292 : i32
      %convert_element_type3A_294 = arith.extui %lt3A_293 : i1 to i32
      %cond3A_295 = arith.constant 0 : i32
      %cond3A_296 = arith.cmpi ne, %convert_element_type3A_294, %cond3A_295 : i32
      scf.if %cond3A_296 {
        %sub3A = arith.constant 5 : i32
        %sub3A_298 = arith.subi %add3A_291, %sub3A : i32
        %ge3A = arith.constant 0 : i32
        %ge3A_299 = arith.cmpi sge, %sub3A_298, %ge3A : i32
        %convert_element_type3A_300 = arith.extui %ge3A_299 : i1 to i32
        %cond3A_301 = arith.constant 0 : i32
        %cond3A_302 = arith.cmpi ne, %convert_element_type3A_300, %cond3A_301 : i32
        scf.if %cond3A_302 {
          %sub3A_314 = arith.constant 5 : i32
          %sub3A_315 = arith.subi %add3A_291, %sub3A_314 : i32
          %dma_wait3A_316 = arith.constant 3 : i32
          %dma_wait3A_317 = arith.constant 0 : i32
          %dma_wait3A_318 = arith.constant 0 : i32
          %dma_wait3A_319 = tpu.memref_slice %arg8[%dma_wait3A_316, %dma_wait3A_317, %dma_wait3A_318] : memref<5x80x64xf32, #tpu.memory_space<vmem>> -> memref<1x80x64xf32, #tpu.memory_space<vmem>>
          %dma_wait3A_320 = tpu.memref_squeeze %dma_wait3A_319 : memref<1x80x64xf32, #tpu.memory_space<vmem>> -> memref<80x64xf32, #tpu.memory_space<vmem>>
          %dma_wait3A_321 = arith.constant 0 : i32
          %dma_wait3A_322 = tpu.memref_slice %arg7[%sub3A_315, %dma_wait3A_321] : memref<250x80xi32, #tpu.memory_space<vmem>> -> memref<1x80xi32, #tpu.memory_space<vmem>>
          %dma_wait3A_323 = tpu.memref_squeeze %dma_wait3A_322 : memref<1x80xi32, #tpu.memory_space<vmem>> -> memref<80xi32, #tpu.memory_space<vmem>>
          %dma_wait3A_324 = arith.constant 0 : i32
          %dma_wait3A_325 = arith.constant 0 : i32
          %dma_wait3A_326 = tpu.memref_slice %arg10[%dma_wait3A_324, %dma_wait3A_325] : memref<10240x64xf32, #tpu.memory_space<vmem_shared>> -> memref<10240x64xf32, #tpu.memory_space<vmem_shared>>
          tpu.wait_indirect_dma semaphore(%arg19 : memref<!tpu.dma_semaphore, #tpu.memory_space<semaphore_mem>>) src(%dma_wait3A_320 : memref<80x64xf32, #tpu.memory_space<vmem>>) dst(%dma_wait3A_326 : memref<10240x64xf32, #tpu.memory_space<vmem_shared>>)
        } else {
        }
        %dma_start3A_303 = arith.constant 3 : i32
        %dma_start3A_304 = arith.constant 0 : i32
        %dma_start3A_305 = arith.constant 0 : i32
        %dma_start3A_306 = tpu.memref_slice %arg8[%dma_start3A_303, %dma_start3A_304, %dma_start3A_305] : memref<5x80x64xf32, #tpu.memory_space<vmem>> -> memref<1x80x64xf32, #tpu.memory_space<vmem>>
        %dma_start3A_307 = tpu.memref_squeeze %dma_start3A_306 : memref<1x80x64xf32, #tpu.memory_space<vmem>> -> memref<80x64xf32, #tpu.memory_space<vmem>>
        %dma_start3A_308 = arith.constant 0 : i32
        %dma_start3A_309 = tpu.memref_slice %arg6[%add3A_291, %dma_start3A_308] : memref<250x80xi32, #tpu.memory_space<vmem>> -> memref<1x80xi32, #tpu.memory_space<vmem>>
        %dma_start3A_310 = tpu.memref_squeeze %dma_start3A_309 : memref<1x80xi32, #tpu.memory_space<vmem>> -> memref<80xi32, #tpu.memory_space<vmem>>
        %dma_start3A_311 = arith.constant 0 : i32
        %dma_start3A_312 = arith.constant 0 : i32
        %dma_start3A_313 = tpu.memref_slice %arg4[%dma_start3A_311, %dma_start3A_312] : memref<20000x64xf32, #tpu.memory_space<hbm>> -> memref<20000x64xf32, #tpu.memory_space<hbm>>
        tpu.enqueue_indirect_dma source(%dma_start3A_313 : memref<20000x64xf32, #tpu.memory_space<hbm>>) target(%dma_start3A_307 : memref<80x64xf32, #tpu.memory_space<vmem>>) offsets(%dma_start3A_310 : memref<80xi32, #tpu.memory_space<vmem>>) semaphore(%arg14 : memref<!tpu.dma_semaphore, #tpu.memory_space<semaphore_mem>>)
      } else {
      }
      %scan3A_297 = arith.constant 0 : i32
      scf.yield %scan3A_297 : i32
    }
    %scan3A_70 = arith.constant 50 : i32
    %dma_wait3A = arith.constant 0 : i32
    %dma_wait3A_71 = arith.constant 0 : i32
    %dma_wait3A_72 = arith.constant 0 : i32
    %dma_wait3A_73 = arith.constant 0 : i32
    %dma_wait3A_74 = tpu.memref_slice %arg8[%dma_wait3A, %dma_wait3A_72, %dma_wait3A_73] : memref<5x80x64xf32, #tpu.memory_space<vmem>> -> memref<1x80x64xf32, #tpu.memory_space<vmem>>
    %dma_wait3A_75 = tpu.memref_squeeze %dma_wait3A_74 : memref<1x80x64xf32, #tpu.memory_space<vmem>> -> memref<80x64xf32, #tpu.memory_space<vmem>>
    %dma_wait3A_76 = arith.constant 0 : i32
    %dma_wait3A_77 = tpu.memref_slice %arg7[%dma_wait3A_71, %dma_wait3A_76] : memref<250x80xi32, #tpu.memory_space<vmem>> -> memref<1x80xi32, #tpu.memory_space<vmem>>
    %dma_wait3A_78 = tpu.memref_squeeze %dma_wait3A_77 : memref<1x80xi32, #tpu.memory_space<vmem>> -> memref<80xi32, #tpu.memory_space<vmem>>
    %dma_wait3A_79 = arith.constant 0 : i32
    %dma_wait3A_80 = arith.constant 0 : i32
    %dma_wait3A_81 = tpu.memref_slice %arg10[%dma_wait3A_79, %dma_wait3A_80] : memref<10240x64xf32, #tpu.memory_space<vmem_shared>> -> memref<10240x64xf32, #tpu.memory_space<vmem_shared>>
    tpu.wait_indirect_dma semaphore(%arg16 : memref<!tpu.dma_semaphore, #tpu.memory_space<semaphore_mem>>) src(%dma_wait3A_75 : memref<80x64xf32, #tpu.memory_space<vmem>>) dst(%dma_wait3A_81 : memref<10240x64xf32, #tpu.memory_space<vmem_shared>>)
    %dma_wait3A_82 = arith.constant 1 : i32
    %dma_wait3A_83 = arith.constant 0 : i32
    %dma_wait3A_84 = arith.constant 0 : i32
    %dma_wait3A_85 = arith.constant 0 : i32
    %dma_wait3A_86 = tpu.memref_slice %arg8[%dma_wait3A_82, %dma_wait3A_84, %dma_wait3A_85] : memref<5x80x64xf32, #tpu.memory_space<vmem>> -> memref<1x80x64xf32, #tpu.memory_space<vmem>>
    %dma_wait3A_87 = tpu.memref_squeeze %dma_wait3A_86 : memref<1x80x64xf32, #tpu.memory_space<vmem>> -> memref<80x64xf32, #tpu.memory_space<vmem>>
    %dma_wait3A_88 = arith.constant 0 : i32
    %dma_wait3A_89 = tpu.memref_slice %arg7[%dma_wait3A_83, %dma_wait3A_88] : memref<250x80xi32, #tpu.memory_space<vmem>> -> memref<1x80xi32, #tpu.memory_space<vmem>>
    %dma_wait3A_90 = tpu.memref_squeeze %dma_wait3A_89 : memref<1x80xi32, #tpu.memory_space<vmem>> -> memref<80xi32, #tpu.memory_space<vmem>>
    %dma_wait3A_91 = arith.constant 0 : i32
    %dma_wait3A_92 = arith.constant 0 : i32
    %dma_wait3A_93 = tpu.memref_slice %arg10[%dma_wait3A_91, %dma_wait3A_92] : memref<10240x64xf32, #tpu.memory_space<vmem_shared>> -> memref<10240x64xf32, #tpu.memory_space<vmem_shared>>
    tpu.wait_indirect_dma semaphore(%arg17 : memref<!tpu.dma_semaphore, #tpu.memory_space<semaphore_mem>>) src(%dma_wait3A_87 : memref<80x64xf32, #tpu.memory_space<vmem>>) dst(%dma_wait3A_93 : memref<10240x64xf32, #tpu.memory_space<vmem_shared>>)
    %dma_wait3A_94 = arith.constant 2 : i32
    %dma_wait3A_95 = arith.constant 0 : i32
    %dma_wait3A_96 = arith.constant 0 : i32
    %dma_wait3A_97 = arith.constant 0 : i32
    %dma_wait3A_98 = tpu.memref_slice %arg8[%dma_wait3A_94, %dma_wait3A_96, %dma_wait3A_97] : memref<5x80x64xf32, #tpu.memory_space<vmem>> -> memref<1x80x64xf32, #tpu.memory_space<vmem>>
    %dma_wait3A_99 = tpu.memref_squeeze %dma_wait3A_98 : memref<1x80x64xf32, #tpu.memory_space<vmem>> -> memref<80x64xf32, #tpu.memory_space<vmem>>
    %dma_wait3A_100 = arith.constant 0 : i32
    %dma_wait3A_101 = tpu.memref_slice %arg7[%dma_wait3A_95, %dma_wait3A_100] : memref<250x80xi32, #tpu.memory_space<vmem>> -> memref<1x80xi32, #tpu.memory_space<vmem>>
    %dma_wait3A_102 = tpu.memref_squeeze %dma_wait3A_101 : memref<1x80xi32, #tpu.memory_space<vmem>> -> memref<80xi32, #tpu.memory_space<vmem>>
    %dma_wait3A_103 = arith.constant 0 : i32
    %dma_wait3A_104 = arith.constant 0 : i32
    %dma_wait3A_105 = tpu.memref_slice %arg10[%dma_wait3A_103, %dma_wait3A_104] : memref<10240x64xf32, #tpu.memory_space<vmem_shared>> -> memref<10240x64xf32, #tpu.memory_space<vmem_shared>>
    tpu.wait_indirect_dma semaphore(%arg18 : memref<!tpu.dma_semaphore, #tpu.memory_space<semaphore_mem>>) src(%dma_wait3A_99 : memref<80x64xf32, #tpu.memory_space<vmem>>) dst(%dma_wait3A_105 : memref<10240x64xf32, #tpu.memory_space<vmem_shared>>)
    %dma_wait3A_106 = arith.constant 3 : i32
    %dma_wait3A_107 = arith.constant 0 : i32
    %dma_wait3A_108 = arith.constant 0 : i32
    %dma_wait3A_109 = arith.constant 0 : i32
    %dma_wait3A_110 = tpu.memref_slice %arg8[%dma_wait3A_106, %dma_wait3A_108, %dma_wait3A_109] : memref<5x80x64xf32, #tpu.memory_space<vmem>> -> memref<1x80x64xf32, #tpu.memory_space<vmem>>
    %dma_wait3A_111 = tpu.memref_squeeze %dma_wait3A_110 : memref<1x80x64xf32, #tpu.memory_space<vmem>> -> memref<80x64xf32, #tpu.memory_space<vmem>>
    %dma_wait3A_112 = arith.constant 0 : i32
    %dma_wait3A_113 = tpu.memref_slice %arg7[%dma_wait3A_107, %dma_wait3A_112] : memref<250x80xi32, #tpu.memory_space<vmem>> -> memref<1x80xi32, #tpu.memory_space<vmem>>
    %dma_wait3A_114 = tpu.memref_squeeze %dma_wait3A_113 : memref<1x80xi32, #tpu.memory_space<vmem>> -> memref<80xi32, #tpu.memory_space<vmem>>
    %dma_wait3A_115 = arith.constant 0 : i32
    %dma_wait3A_116 = arith.constant 0 : i32
    %dma_wait3A_117 = tpu.memref_slice %arg10[%dma_wait3A_115, %dma_wait3A_116] : memref<10240x64xf32, #tpu.memory_space<vmem_shared>> -> memref<10240x64xf32, #tpu.memory_space<vmem_shared>>
    tpu.wait_indirect_dma semaphore(%arg19 : memref<!tpu.dma_semaphore, #tpu.memory_space<semaphore_mem>>) src(%dma_wait3A_111 : memref<80x64xf32, #tpu.memory_space<vmem>>) dst(%dma_wait3A_117 : memref<10240x64xf32, #tpu.memory_space<vmem_shared>>)
    %dma_wait3A_118 = arith.constant 4 : i32
    %dma_wait3A_119 = arith.constant 0 : i32
    %dma_wait3A_120 = arith.constant 0 : i32
    %dma_wait3A_121 = arith.constant 0 : i32
    %dma_wait3A_122 = tpu.memref_slice %arg8[%dma_wait3A_118, %dma_wait3A_120, %dma_wait3A_121] : memref<5x80x64xf32, #tpu.memory_space<vmem>> -> memref<1x80x64xf32, #tpu.memory_space<vmem>>
    %dma_wait3A_123 = tpu.memref_squeeze %dma_wait3A_122 : memref<1x80x64xf32, #tpu.memory_space<vmem>> -> memref<80x64xf32, #tpu.memory_space<vmem>>
    %dma_wait3A_124 = arith.constant 0 : i32
    %dma_wait3A_125 = tpu.memref_slice %arg7[%dma_wait3A_119, %dma_wait3A_124] : memref<250x80xi32, #tpu.memory_space<vmem>> -> memref<1x80xi32, #tpu.memory_space<vmem>>
    %dma_wait3A_126 = tpu.memref_squeeze %dma_wait3A_125 : memref<1x80xi32, #tpu.memory_space<vmem>> -> memref<80xi32, #tpu.memory_space<vmem>>
    %dma_wait3A_127 = arith.constant 0 : i32
    %dma_wait3A_128 = arith.constant 0 : i32
    %dma_wait3A_129 = tpu.memref_slice %arg10[%dma_wait3A_127, %dma_wait3A_128] : memref<10240x64xf32, #tpu.memory_space<vmem_shared>> -> memref<10240x64xf32, #tpu.memory_space<vmem_shared>>
    tpu.wait_indirect_dma semaphore(%arg20 : memref<!tpu.dma_semaphore, #tpu.memory_space<semaphore_mem>>) src(%dma_wait3A_123 : memref<80x64xf32, #tpu.memory_space<vmem>>) dst(%dma_wait3A_129 : memref<10240x64xf32, #tpu.memory_space<vmem_shared>>)
    %barrier3A_130 = arith.constant 0 : index
    tpu.barrier barrier_id(%barrier3A_130)
    %mul3A_131 = arith.constant 64 : i32
    %mul3A_132 = arith.muli %arg0, %mul3A_131 : i32
    "tpu.region"() ({
      %run_scoped3A = tpu.sem_alloc : memref<!tpu.dma_semaphore, #tpu.memory_space<semaphore_mem>>
      %dma_start3A_133 = tpu.memref_slice %arg5[%mul3A_7, %mul3A_132] : memref<10240x128xf32, #tpu.memory_space<hbm>> -> memref<640x64xf32, #tpu.memory_space<hbm>>
      %dma_start3A_134 = arith.constant 0 : i32
      %dma_start3A_135 = tpu.memref_slice %arg10[%mul3A_7, %dma_start3A_134] : memref<10240x64xf32, #tpu.memory_space<vmem_shared>> -> memref<640x64xf32, #tpu.memory_space<vmem_shared>>
      tpu.enqueue_dma source(%dma_start3A_135 : memref<640x64xf32, #tpu.memory_space<vmem_shared>>) target(%dma_start3A_133 : memref<640x64xf32, #tpu.memory_space<hbm>>) target_semaphore(%run_scoped3A : memref<!tpu.dma_semaphore, #tpu.memory_space<semaphore_mem>>)
      %dma_wait3A_136 = tpu.memref_slice %arg5[%mul3A_7, %mul3A_132] : memref<10240x128xf32, #tpu.memory_space<hbm>> -> memref<640x64xf32, #tpu.memory_space<hbm>>
      %dma_wait3A_137 = arith.constant 0 : i32
      %dma_wait3A_138 = tpu.memref_slice %arg10[%mul3A_7, %dma_wait3A_137] : memref<10240x64xf32, #tpu.memory_space<vmem_shared>> -> memref<640x64xf32, #tpu.memory_space<vmem_shared>>
      tpu.wait_dma2 semaphore(%run_scoped3A : memref<!tpu.dma_semaphore, #tpu.memory_space<semaphore_mem>>) src(%dma_wait3A_138 : memref<640x64xf32, #tpu.memory_space<vmem_shared>>) dst(%dma_wait3A_136 : memref<640x64xf32, #tpu.memory_space<hbm>>)
      tpu.yield
    }) : () -> ()
    return
  }
}

#map = affine_map<(d0, d1) -> (0, 0, 0, 0)>
#map1 = affine_map<(d0, d1) -> (0, 0, 0)>
#map2 = affine_map<(d0, d1) -> (0, 0)>
module attributes {stable_mosaic.version = 14 : i64} {
  func.func @_sc_body(%arg0: i32, %arg1: i32, %arg2: memref<2x16x250x80xi32, #tpu.memory_space<hbm>>, %arg3: memref<16x250x80xi32, #tpu.memory_space<hbm>>, %arg4: memref<20000x64xf32, #tpu.memory_space<hbm>>, %arg5: memref<10240x128xf32, #tpu.memory_space<hbm>>, %arg6: memref<250x80xi32, #tpu.memory_space<vmem>>, %arg7: memref<250x80xi32, #tpu.memory_space<vmem>>, %arg8: memref<5x80x64xf32, #tpu.memory_space<vmem>>, %arg9: memref<128x64xf32, #tpu.memory_space<vmem>>, %arg10: memref<10240x64xf32, #tpu.memory_space<vmem_shared>>, %arg11: memref<!tpu.dma_semaphore, #tpu.memory_space<semaphore_mem>>, %arg12: memref<!tpu.dma_semaphore, #tpu.memory_space<semaphore_mem>>, %arg13: memref<!tpu.dma_semaphore, #tpu.memory_space<semaphore_mem>>, %arg14: memref<!tpu.dma_semaphore, #tpu.memory_space<semaphore_mem>>, %arg15: memref<!tpu.dma_semaphore, #tpu.memory_space<semaphore_mem>>, %arg16: memref<!tpu.dma_semaphore, #tpu.memory_space<semaphore_mem>>, %arg17: memref<!tpu.dma_semaphore, #tpu.memory_space<semaphore_mem>>, %arg18: memref<!tpu.dma_semaphore, #tpu.memory_space<semaphore_mem>>, %arg19: memref<!tpu.dma_semaphore, #tpu.memory_space<semaphore_mem>>, %arg20: memref<!tpu.dma_semaphore, #tpu.memory_space<semaphore_mem>>) attributes {dimension_semantics = [#tpu.dimension_semantics<core_parallel>, #tpu.dimension_semantics<subcore_parallel>], iteration_bounds = array<i64: 2, 16>, scalar_prefetch = 0 : i64, scratch_operands = 15 : i64, tpu.core_type = #tpu.core_type<sc_vector_subcore>, window_params = [{transform_indices = #map}, {transform_indices = #map1}, {transform_indices = #map2}, {transform_indices = #map2}]} {
    "tpu.region"() ({
      %run_scoped3A = tpu.sem_alloc : memref<!tpu.dma_semaphore, #tpu.memory_space<semaphore_mem>>
      %dma_start3A_133 = arith.constant 0 : i32
      %dma_start3A_134 = arith.constant 0 : i32
      %dma_start3A_135 = tpu.memref_slice %arg2[%arg0, %arg1, %dma_start3A_133, %dma_start3A_134] : memref<2x16x250x80xi32, #tpu.memory_space<hbm>> -> memref<1x1x250x80xi32, #tpu.memory_space<hbm>>
      %dma_start3A_136 = tpu.memref_squeeze %dma_start3A_135 : memref<1x1x250x80xi32, #tpu.memory_space<hbm>> -> memref<250x80xi32, #tpu.memory_space<hbm>>
      %dma_start3A_137 = arith.constant 0 : i32
      %dma_start3A_138 = arith.constant 0 : i32
      %dma_start3A_139 = tpu.memref_slice %arg2[%arg0, %arg1, %dma_start3A_137, %dma_start3A_138] : memref<2x16x250x80xi32, #tpu.memory_space<hbm>> -> memref<1x1x250x80xi32, #tpu.memory_space<hbm>>
      %dma_start3A_140 = tpu.memref_squeeze %dma_start3A_139 : memref<1x1x250x80xi32, #tpu.memory_space<hbm>> -> memref<250x80xi32, #tpu.memory_space<hbm>>
      tpu.enqueue_dma source(%dma_start3A_140 : memref<250x80xi32, #tpu.memory_space<hbm>>) target(%arg6 : memref<250x80xi32, #tpu.memory_space<vmem>>) target_semaphore(%run_scoped3A : memref<!tpu.dma_semaphore, #tpu.memory_space<semaphore_mem>>)
      %dma_wait3A_141 = arith.constant 0 : i32
      %dma_wait3A_142 = arith.constant 0 : i32
      %dma_wait3A_143 = tpu.memref_slice %arg2[%arg0, %arg1, %dma_wait3A_141, %dma_wait3A_142] : memref<2x16x250x80xi32, #tpu.memory_space<hbm>> -> memref<1x1x250x80xi32, #tpu.memory_space<hbm>>
      %dma_wait3A_144 = tpu.memref_squeeze %dma_wait3A_143 : memref<1x1x250x80xi32, #tpu.memory_space<hbm>> -> memref<250x80xi32, #tpu.memory_space<hbm>>
      %dma_wait3A_145 = arith.constant 0 : i32
      %dma_wait3A_146 = arith.constant 0 : i32
      %dma_wait3A_147 = tpu.memref_slice %arg2[%arg0, %arg1, %dma_wait3A_145, %dma_wait3A_146] : memref<2x16x250x80xi32, #tpu.memory_space<hbm>> -> memref<1x1x250x80xi32, #tpu.memory_space<hbm>>
      %dma_wait3A_148 = tpu.memref_squeeze %dma_wait3A_147 : memref<1x1x250x80xi32, #tpu.memory_space<hbm>> -> memref<250x80xi32, #tpu.memory_space<hbm>>
      tpu.wait_dma2 semaphore(%run_scoped3A : memref<!tpu.dma_semaphore, #tpu.memory_space<semaphore_mem>>) src(%dma_wait3A_148 : memref<250x80xi32, #tpu.memory_space<hbm>>) dst(%arg6 : memref<250x80xi32, #tpu.memory_space<vmem>>)
      tpu.yield
    }) : () -> ()
    "tpu.region"() ({
      %run_scoped3A = tpu.sem_alloc : memref<!tpu.dma_semaphore, #tpu.memory_space<semaphore_mem>>
      %dma_start3A_133 = arith.constant 0 : i32
      %dma_start3A_134 = arith.constant 0 : i32
      %dma_start3A_135 = tpu.memref_slice %arg3[%arg1, %dma_start3A_133, %dma_start3A_134] : memref<16x250x80xi32, #tpu.memory_space<hbm>> -> memref<1x250x80xi32, #tpu.memory_space<hbm>>
      %dma_start3A_136 = tpu.memref_squeeze %dma_start3A_135 : memref<1x250x80xi32, #tpu.memory_space<hbm>> -> memref<250x80xi32, #tpu.memory_space<hbm>>
      %dma_start3A_137 = arith.constant 0 : i32
      %dma_start3A_138 = arith.constant 0 : i32
      %dma_start3A_139 = tpu.memref_slice %arg3[%arg1, %dma_start3A_137, %dma_start3A_138] : memref<16x250x80xi32, #tpu.memory_space<hbm>> -> memref<1x250x80xi32, #tpu.memory_space<hbm>>
      %dma_start3A_140 = tpu.memref_squeeze %dma_start3A_139 : memref<1x250x80xi32, #tpu.memory_space<hbm>> -> memref<250x80xi32, #tpu.memory_space<hbm>>
      tpu.enqueue_dma source(%dma_start3A_140 : memref<250x80xi32, #tpu.memory_space<hbm>>) target(%arg7 : memref<250x80xi32, #tpu.memory_space<vmem>>) target_semaphore(%run_scoped3A : memref<!tpu.dma_semaphore, #tpu.memory_space<semaphore_mem>>)
      %dma_wait3A_141 = arith.constant 0 : i32
      %dma_wait3A_142 = arith.constant 0 : i32
      %dma_wait3A_143 = tpu.memref_slice %arg3[%arg1, %dma_wait3A_141, %dma_wait3A_142] : memref<16x250x80xi32, #tpu.memory_space<hbm>> -> memref<1x250x80xi32, #tpu.memory_space<hbm>>
      %dma_wait3A_144 = tpu.memref_squeeze %dma_wait3A_143 : memref<1x250x80xi32, #tpu.memory_space<hbm>> -> memref<250x80xi32, #tpu.memory_space<hbm>>
      %dma_wait3A_145 = arith.constant 0 : i32
      %dma_wait3A_146 = arith.constant 0 : i32
      %dma_wait3A_147 = tpu.memref_slice %arg3[%arg1, %dma_wait3A_145, %dma_wait3A_146] : memref<16x250x80xi32, #tpu.memory_space<hbm>> -> memref<1x250x80xi32, #tpu.memory_space<hbm>>
      %dma_wait3A_148 = tpu.memref_squeeze %dma_wait3A_147 : memref<1x250x80xi32, #tpu.memory_space<hbm>> -> memref<250x80xi32, #tpu.memory_space<hbm>>
      tpu.wait_dma2 semaphore(%run_scoped3A : memref<!tpu.dma_semaphore, #tpu.memory_space<semaphore_mem>>) src(%dma_wait3A_148 : memref<250x80xi32, #tpu.memory_space<hbm>>) dst(%arg7 : memref<250x80xi32, #tpu.memory_space<vmem>>)
      tpu.yield
    }) : () -> ()
    %broadcast_in_dim3A = arith.constant 0.000000e+00 : f32
    %broadcast_in_dim3A_0 = vector.broadcast %broadcast_in_dim3A : f32 to vector<16xf32>
    %scan3A = arith.constant 0 : i32
    %scan3A_1 = arith.constant 0 : i32
    %scan3A_2 = arith.constant 128 : i32
    %scan3A_3 = arith.addi %scan3A_1, %scan3A_2 : i32
    %scan3A_4 = arith.constant 1 : i32
    %scan3A_5 = scf.for %scan3A_133 = %scan3A_1 to %scan3A_3 step %scan3A_4 iter_args(%scan3A_134 = %scan3A) -> (i32)  : i32 {
      %swap3A = arith.index_cast %scan3A_133 : i32 to index
      %swap3A_135 = arith.constant 0 : index
      %swap3A_136 = tpu.vector_load %arg9[%swap3A, %swap3A_135] {strides = array<i32>} : memref<128x64xf32, #tpu.memory_space<vmem>>, vector<1x16xf32>,
      %swap3A_137 = vector.shape_cast %swap3A_136 : vector<1x16xf32> to vector<16xf32>
      %swap3A_138 = vector.shape_cast %broadcast_in_dim3A_0 : vector<16xf32> to vector<1x16xf32>
      tpu.vector_store %arg9[%swap3A, %swap3A_135], %swap3A_138 {strides = array<i32>} : memref<128x64xf32, #tpu.memory_space<vmem>>, vector<1x16xf32>,
      %swap3A_139 = arith.index_cast %scan3A_133 : i32 to index
      %swap3A_140 = arith.constant 16 : index
      %swap3A_141 = tpu.vector_load %arg9[%swap3A_139, %swap3A_140] {strides = array<i32>} : memref<128x64xf32, #tpu.memory_space<vmem>>, vector<1x16xf32>,
      %swap3A_142 = vector.shape_cast %swap3A_141 : vector<1x16xf32> to vector<16xf32>
      %swap3A_143 = vector.shape_cast %broadcast_in_dim3A_0 : vector<16xf32> to vector<1x16xf32>
      tpu.vector_store %arg9[%swap3A_139, %swap3A_140], %swap3A_143 {strides = array<i32>} : memref<128x64xf32, #tpu.memory_space<vmem>>, vector<1x16xf32>,
      %swap3A_144 = arith.index_cast %scan3A_133 : i32 to index
      %swap3A_145 = arith.constant 32 : index
      %swap3A_146 = tpu.vector_load %arg9[%swap3A_144, %swap3A_145] {strides = array<i32>} : memref<128x64xf32, #tpu.memory_space<vmem>>, vector<1x16xf32>,
      %swap3A_147 = vector.shape_cast %swap3A_146 : vector<1x16xf32> to vector<16xf32>
      %swap3A_148 = vector.shape_cast %broadcast_in_dim3A_0 : vector<16xf32> to vector<1x16xf32>
      tpu.vector_store %arg9[%swap3A_144, %swap3A_145], %swap3A_148 {strides = array<i32>} : memref<128x64xf32, #tpu.memory_space<vmem>>, vector<1x16xf32>,
      %swap3A_149 = arith.index_cast %scan3A_133 : i32 to index
      %swap3A_150 = arith.constant 48 : index
      %swap3A_151 = tpu.vector_load %arg9[%swap3A_149, %swap3A_150] {strides = array<i32>} : memref<128x64xf32, #tpu.memory_space<vmem>>, vector<1x16xf32>,
      %swap3A_152 = vector.shape_cast %swap3A_151 : vector<1x16xf32> to vector<16xf32>
      %swap3A_153 = vector.shape_cast %broadcast_in_dim3A_0 : vector<16xf32> to vector<1x16xf32>
      tpu.vector_store %arg9[%swap3A_149, %swap3A_150], %swap3A_153 {strides = array<i32>} : memref<128x64xf32, #tpu.memory_space<vmem>>, vector<1x16xf32>,
      %scan3A_154 = arith.constant 0 : i32
      scf.yield %scan3A_154 : i32
    }
    %scan3A_6 = arith.constant 128 : i32
    %mul3A = arith.constant 640 : i32
    %mul3A_7 = arith.muli %arg1, %mul3A : i32
    %add3A = arith.constant 0 : i32
    %add3A_8 = arith.addi %mul3A_7, %add3A : i32
    "tpu.region"() ({
      %run_scoped3A = tpu.sem_alloc : memref<!tpu.dma_semaphore, #tpu.memory_space<semaphore_mem>>
      %dma_start3A_133 = arith.constant 0 : i32
      %dma_start3A_134 = tpu.memref_slice %arg10[%add3A_8, %dma_start3A_133] : memref<10240x64xf32, #tpu.memory_space<vmem_shared>> -> memref<128x64xf32, #tpu.memory_space<vmem_shared>>
      %dma_start3A_135 = arith.constant 0 : i32
      %dma_start3A_136 = tpu.memref_slice %arg10[%add3A_8, %dma_start3A_135] : memref<10240x64xf32, #tpu.memory_space<vmem_shared>> -> memref<128x64xf32, #tpu.memory_space<vmem_shared>>
      tpu.enqueue_dma source(%arg9 : memref<128x64xf32, #tpu.memory_space<vmem>>) target(%dma_start3A_136 : memref<128x64xf32, #tpu.memory_space<vmem_shared>>) target_semaphore(%run_scoped3A : memref<!tpu.dma_semaphore, #tpu.memory_space<semaphore_mem>>)
      %dma_wait3A_137 = arith.constant 0 : i32
      %dma_wait3A_138 = tpu.memref_slice %arg10[%add3A_8, %dma_wait3A_137] : memref<10240x64xf32, #tpu.memory_space<vmem_shared>> -> memref<128x64xf32, #tpu.memory_space<vmem_shared>>
      %dma_wait3A_139 = arith.constant 0 : i32
      %dma_wait3A_140 = tpu.memref_slice %arg10[%add3A_8, %dma_wait3A_139] : memref<10240x64xf32, #tpu.memory_space<vmem_shared>> -> memref<128x64xf32, #tpu.memory_space<vmem_shared>>
      tpu.wait_dma2 semaphore(%run_scoped3A : memref<!tpu.dma_semaphore, #tpu.memory_space<semaphore_mem>>) src(%arg9 : memref<128x64xf32, #tpu.memory_space<vmem>>) dst(%dma_wait3A_140 : memref<128x64xf32, #tpu.memory_space<vmem_shared>>)
      tpu.yield
    }) : () -> ()
    %add3A_9 = arith.constant 128 : i32
    %add3A_10 = arith.addi %mul3A_7, %add3A_9 : i32
    "tpu.region"() ({
      %run_scoped3A = tpu.sem_alloc : memref<!tpu.dma_semaphore, #tpu.memory_space<semaphore_mem>>
      %dma_start3A_133 = arith.constant 0 : i32
      %dma_start3A_134 = tpu.memref_slice %arg10[%add3A_10, %dma_start3A_133] : memref<10240x64xf32, #tpu.memory_space<vmem_shared>> -> memref<128x64xf32, #tpu.memory_space<vmem_shared>>
      %dma_start3A_135 = arith.constant 0 : i32
      %dma_start3A_136 = tpu.memref_slice %arg10[%add3A_10, %dma_start3A_135] : memref<10240x64xf32, #tpu.memory_space<vmem_shared>> -> memref<128x64xf32, #tpu.memory_space<vmem_shared>>
      tpu.enqueue_dma source(%arg9 : memref<128x64xf32, #tpu.memory_space<vmem>>) target(%dma_start3A_136 : memref<128x64xf32, #tpu.memory_space<vmem_shared>>) target_semaphore(%run_scoped3A : memref<!tpu.dma_semaphore, #tpu.memory_space<semaphore_mem>>)
      %dma_wait3A_137 = arith.constant 0 : i32
      %dma_wait3A_138 = tpu.memref_slice %arg10[%add3A_10, %dma_wait3A_137] : memref<10240x64xf32, #tpu.memory_space<vmem_shared>> -> memref<128x64xf32, #tpu.memory_space<vmem_shared>>
      %dma_wait3A_139 = arith.constant 0 : i32
      %dma_wait3A_140 = tpu.memref_slice %arg10[%add3A_10, %dma_wait3A_139] : memref<10240x64xf32, #tpu.memory_space<vmem_shared>> -> memref<128x64xf32, #tpu.memory_space<vmem_shared>>
      tpu.wait_dma2 semaphore(%run_scoped3A : memref<!tpu.dma_semaphore, #tpu.memory_space<semaphore_mem>>) src(%arg9 : memref<128x64xf32, #tpu.memory_space<vmem>>) dst(%dma_wait3A_140 : memref<128x64xf32, #tpu.memory_space<vmem_shared>>)
      tpu.yield
    }) : () -> ()
    %add3A_11 = arith.constant 256 : i32
    %add3A_12 = arith.addi %mul3A_7, %add3A_11 : i32
    "tpu.region"() ({
      %run_scoped3A = tpu.sem_alloc : memref<!tpu.dma_semaphore, #tpu.memory_space<semaphore_mem>>
      %dma_start3A_133 = arith.constant 0 : i32
      %dma_start3A_134 = tpu.memref_slice %arg10[%add3A_12, %dma_start3A_133] : memref<10240x64xf32, #tpu.memory_space<vmem_shared>> -> memref<128x64xf32, #tpu.memory_space<vmem_shared>>
      %dma_start3A_135 = arith.constant 0 : i32
      %dma_start3A_136 = tpu.memref_slice %arg10[%add3A_12, %dma_start3A_135] : memref<10240x64xf32, #tpu.memory_space<vmem_shared>> -> memref<128x64xf32, #tpu.memory_space<vmem_shared>>
      tpu.enqueue_dma source(%arg9 : memref<128x64xf32, #tpu.memory_space<vmem>>) target(%dma_start3A_136 : memref<128x64xf32, #tpu.memory_space<vmem_shared>>) target_semaphore(%run_scoped3A : memref<!tpu.dma_semaphore, #tpu.memory_space<semaphore_mem>>)
      %dma_wait3A_137 = arith.constant 0 : i32
      %dma_wait3A_138 = tpu.memref_slice %arg10[%add3A_12, %dma_wait3A_137] : memref<10240x64xf32, #tpu.memory_space<vmem_shared>> -> memref<128x64xf32, #tpu.memory_space<vmem_shared>>
      %dma_wait3A_139 = arith.constant 0 : i32
      %dma_wait3A_140 = tpu.memref_slice %arg10[%add3A_12, %dma_wait3A_139] : memref<10240x64xf32, #tpu.memory_space<vmem_shared>> -> memref<128x64xf32, #tpu.memory_space<vmem_shared>>
      tpu.wait_dma2 semaphore(%run_scoped3A : memref<!tpu.dma_semaphore, #tpu.memory_space<semaphore_mem>>) src(%arg9 : memref<128x64xf32, #tpu.memory_space<vmem>>) dst(%dma_wait3A_140 : memref<128x64xf32, #tpu.memory_space<vmem_shared>>)
      tpu.yield
    }) : () -> ()
    %add3A_13 = arith.constant 384 : i32
    %add3A_14 = arith.addi %mul3A_7, %add3A_13 : i32
    "tpu.region"() ({
      %run_scoped3A = tpu.sem_alloc : memref<!tpu.dma_semaphore, #tpu.memory_space<semaphore_mem>>
      %dma_start3A_133 = arith.constant 0 : i32
      %dma_start3A_134 = tpu.memref_slice %arg10[%add3A_14, %dma_start3A_133] : memref<10240x64xf32, #tpu.memory_space<vmem_shared>> -> memref<128x64xf32, #tpu.memory_space<vmem_shared>>
      %dma_start3A_135 = arith.constant 0 : i32
      %dma_start3A_136 = tpu.memref_slice %arg10[%add3A_14, %dma_start3A_135] : memref<10240x64xf32, #tpu.memory_space<vmem_shared>> -> memref<128x64xf32, #tpu.memory_space<vmem_shared>>
      tpu.enqueue_dma source(%arg9 : memref<128x64xf32, #tpu.memory_space<vmem>>) target(%dma_start3A_136 : memref<128x64xf32, #tpu.memory_space<vmem_shared>>) target_semaphore(%run_scoped3A : memref<!tpu.dma_semaphore, #tpu.memory_space<semaphore_mem>>)
      %dma_wait3A_137 = arith.constant 0 : i32
      %dma_wait3A_138 = tpu.memref_slice %arg10[%add3A_14, %dma_wait3A_137] : memref<10240x64xf32, #tpu.memory_space<vmem_shared>> -> memref<128x64xf32, #tpu.memory_space<vmem_shared>>
      %dma_wait3A_139 = arith.constant 0 : i32
      %dma_wait3A_140 = tpu.memref_slice %arg10[%add3A_14, %dma_wait3A_139] : memref<10240x64xf32, #tpu.memory_space<vmem_shared>> -> memref<128x64xf32, #tpu.memory_space<vmem_shared>>
      tpu.wait_dma2 semaphore(%run_scoped3A : memref<!tpu.dma_semaphore, #tpu.memory_space<semaphore_mem>>) src(%arg9 : memref<128x64xf32, #tpu.memory_space<vmem>>) dst(%dma_wait3A_140 : memref<128x64xf32, #tpu.memory_space<vmem_shared>>)
      tpu.yield
    }) : () -> ()
    %add3A_15 = arith.constant 512 : i32
    %add3A_16 = arith.addi %mul3A_7, %add3A_15 : i32
    "tpu.region"() ({
      %run_scoped3A = tpu.sem_alloc : memref<!tpu.dma_semaphore, #tpu.memory_space<semaphore_mem>>
      %dma_start3A_133 = arith.constant 0 : i32
      %dma_start3A_134 = tpu.memref_slice %arg10[%add3A_16, %dma_start3A_133] : memref<10240x64xf32, #tpu.memory_space<vmem_shared>> -> memref<128x64xf32, #tpu.memory_space<vmem_shared>>
      %dma_start3A_135 = arith.constant 0 : i32
      %dma_start3A_136 = tpu.memref_slice %arg10[%add3A_16, %dma_start3A_135] : memref<10240x64xf32, #tpu.memory_space<vmem_shared>> -> memref<128x64xf32, #tpu.memory_space<vmem_shared>>
      tpu.enqueue_dma source(%arg9 : memref<128x64xf32, #tpu.memory_space<vmem>>) target(%dma_start3A_136 : memref<128x64xf32, #tpu.memory_space<vmem_shared>>) target_semaphore(%run_scoped3A : memref<!tpu.dma_semaphore, #tpu.memory_space<semaphore_mem>>)
      %dma_wait3A_137 = arith.constant 0 : i32
      %dma_wait3A_138 = tpu.memref_slice %arg10[%add3A_16, %dma_wait3A_137] : memref<10240x64xf32, #tpu.memory_space<vmem_shared>> -> memref<128x64xf32, #tpu.memory_space<vmem_shared>>
      %dma_wait3A_139 = arith.constant 0 : i32
      %dma_wait3A_140 = tpu.memref_slice %arg10[%add3A_16, %dma_wait3A_139] : memref<10240x64xf32, #tpu.memory_space<vmem_shared>> -> memref<128x64xf32, #tpu.memory_space<vmem_shared>>
      tpu.wait_dma2 semaphore(%run_scoped3A : memref<!tpu.dma_semaphore, #tpu.memory_space<semaphore_mem>>) src(%arg9 : memref<128x64xf32, #tpu.memory_space<vmem>>) dst(%dma_wait3A_140 : memref<128x64xf32, #tpu.memory_space<vmem_shared>>)
      tpu.yield
    }) : () -> ()
    %barrier3A = arith.constant 0 : index
    tpu.barrier barrier_id(%barrier3A)
    %dma_start3A = arith.constant 0 : i32
    %dma_start3A_17 = arith.constant 0 : i32
    %dma_start3A_18 = arith.constant 0 : i32
    %dma_start3A_19 = arith.constant 0 : i32
    %dma_start3A_20 = tpu.memref_slice %arg8[%dma_start3A_17, %dma_start3A_18, %dma_start3A_19] : memref<5x80x64xf32, #tpu.memory_space<vmem>> -> memref<1x80x64xf32, #tpu.memory_space<vmem>>
    %dma_start3A_21 = tpu.memref_squeeze %dma_start3A_20 : memref<1x80x64xf32, #tpu.memory_space<vmem>> -> memref<80x64xf32, #tpu.memory_space<vmem>>
    %dma_start3A_22 = arith.constant 0 : i32
    %dma_start3A_23 = tpu.memref_slice %arg6[%dma_start3A, %dma_start3A_22] : memref<250x80xi32, #tpu.memory_space<vmem>> -> memref<1x80xi32, #tpu.memory_space<vmem>>
    %dma_start3A_24 = tpu.memref_squeeze %dma_start3A_23 : memref<1x80xi32, #tpu.memory_space<vmem>> -> memref<80xi32, #tpu.memory_space<vmem>>
    %dma_start3A_25 = arith.constant 0 : i32
    %dma_start3A_26 = arith.constant 0 : i32
    %dma_start3A_27 = tpu.memref_slice %arg4[%dma_start3A_25, %dma_start3A_26] : memref<20000x64xf32, #tpu.memory_space<hbm>> -> memref<20000x64xf32, #tpu.memory_space<hbm>>
    tpu.enqueue_indirect_dma source(%dma_start3A_27 : memref<20000x64xf32, #tpu.memory_space<hbm>>) target(%dma_start3A_21 : memref<80x64xf32, #tpu.memory_space<vmem>>) offsets(%dma_start3A_24 : memref<80xi32, #tpu.memory_space<vmem>>) semaphore(%arg11 : memref<!tpu.dma_semaphore, #tpu.memory_space<semaphore_mem>>)
    %dma_start3A_28 = arith.constant 1 : i32
    %dma_start3A_29 = arith.constant 1 : i32
    %dma_start3A_30 = arith.constant 0 : i32
    %dma_start3A_31 = arith.constant 0 : i32
    %dma_start3A_32 = tpu.memref_slice %arg8[%dma_start3A_29, %dma_start3A_30, %dma_start3A_31] : memref<5x80x64xf32, #tpu.memory_space<vmem>> -> memref<1x80x64xf32, #tpu.memory_space<vmem>>
    %dma_start3A_33 = tpu.memref_squeeze %dma_start3A_32 : memref<1x80x64xf32, #tpu.memory_space<vmem>> -> memref<80x64xf32, #tpu.memory_space<vmem>>
    %dma_start3A_34 = arith.constant 0 : i32
    %dma_start3A_35 = tpu.memref_slice %arg6[%dma_start3A_28, %dma_start3A_34] : memref<250x80xi32, #tpu.memory_space<vmem>> -> memref<1x80xi32, #tpu.memory_space<vmem>>
    %dma_start3A_36 = tpu.memref_squeeze %dma_start3A_35 : memref<1x80xi32, #tpu.memory_space<vmem>> -> memref<80xi32, #tpu.memory_space<vmem>>
    %dma_start3A_37 = arith.constant 0 : i32
    %dma_start3A_38 = arith.constant 0 : i32
    %dma_start3A_39 = tpu.memref_slice %arg4[%dma_start3A_37, %dma_start3A_38] : memref<20000x64xf32, #tpu.memory_space<hbm>> -> memref<20000x64xf32, #tpu.memory_space<hbm>>
    tpu.enqueue_indirect_dma source(%dma_start3A_39 : memref<20000x64xf32, #tpu.memory_space<hbm>>) target(%dma_start3A_33 : memref<80x64xf32, #tpu.memory_space<vmem>>) offsets(%dma_start3A_36 : memref<80xi32, #tpu.memory_space<vmem>>) semaphore(%arg12 : memref<!tpu.dma_semaphore, #tpu.memory_space<semaphore_mem>>)
    %dma_start3A_40 = arith.constant 2 : i32
    %dma_start3A_41 = arith.constant 2 : i32
    %dma_start3A_42 = arith.constant 0 : i32
    %dma_start3A_43 = arith.constant 0 : i32
    %dma_start3A_44 = tpu.memref_slice %arg8[%dma_start3A_41, %dma_start3A_42, %dma_start3A_43] : memref<5x80x64xf32, #tpu.memory_space<vmem>> -> memref<1x80x64xf32, #tpu.memory_space<vmem>>
    %dma_start3A_45 = tpu.memref_squeeze %dma_start3A_44 : memref<1x80x64xf32, #tpu.memory_space<vmem>> -> memref<80x64xf32, #tpu.memory_space<vmem>>
    %dma_start3A_46 = arith.constant 0 : i32
    %dma_start3A_47 = tpu.memref_slice %arg6[%dma_start3A_40, %dma_start3A_46] : memref<250x80xi32, #tpu.memory_space<vmem>> -> memref<1x80xi32, #tpu.memory_space<vmem>>
    %dma_start3A_48 = tpu.memref_squeeze %dma_start3A_47 : memref<1x80xi32, #tpu.memory_space<vmem>> -> memref<80xi32, #tpu.memory_space<vmem>>
    %dma_start3A_49 = arith.constant 0 : i32
    %dma_start3A_50 = arith.constant 0 : i32
    %dma_start3A_51 = tpu.memref_slice %arg4[%dma_start3A_49, %dma_start3A_50] : memref<20000x64xf32, #tpu.memory_space<hbm>> -> memref<20000x64xf32, #tpu.memory_space<hbm>>
    tpu.enqueue_indirect_dma source(%dma_start3A_51 : memref<20000x64xf32, #tpu.memory_space<hbm>>) target(%dma_start3A_45 : memref<80x64xf32, #tpu.memory_space<vmem>>) offsets(%dma_start3A_48 : memref<80xi32, #tpu.memory_space<vmem>>) semaphore(%arg13 : memref<!tpu.dma_semaphore, #tpu.memory_space<semaphore_mem>>)
    %dma_start3A_52 = arith.constant 3 : i32
    %dma_start3A_53 = arith.constant 3 : i32
    %dma_start3A_54 = arith.constant 0 : i32
    %dma_start3A_55 = arith.constant 0 : i32
    %dma_start3A_56 = tpu.memref_slice %arg8[%dma_start3A_53, %dma_start3A_54, %dma_start3A_55] : memref<5x80x64xf32, #tpu.memory_space<vmem>> -> memref<1x80x64xf32, #tpu.memory_space<vmem>>
    %dma_start3A_57 = tpu.memref_squeeze %dma_start3A_56 : memref<1x80x64xf32, #tpu.memory_space<vmem>> -> memref<80x64xf32, #tpu.memory_space<vmem>>
    %dma_start3A_58 = arith.constant 0 : i32
    %dma_start3A_59 = tpu.memref_slice %arg6[%dma_start3A_52, %dma_start3A_58] : memref<250x80xi32, #tpu.memory_space<vmem>> -> memref<1x80xi32, #tpu.memory_space<vmem>>
    %dma_start3A_60 = tpu.memref_squeeze %dma_start3A_59 : memref<1x80xi32, #tpu.memory_space<vmem>> -> memref<80xi32, #tpu.memory_space<vmem>>
    %dma_start3A_61 = arith.constant 0 : i32
    %dma_start3A_62 = arith.constant 0 : i32
    %dma_start3A_63 = tpu.memref_slice %arg4[%dma_start3A_61, %dma_start3A_62] : memref<20000x64xf32, #tpu.memory_space<hbm>> -> memref<20000x64xf32, #tpu.memory_space<hbm>>
    tpu.enqueue_indirect_dma source(%dma_start3A_63 : memref<20000x64xf32, #tpu.memory_space<hbm>>) target(%dma_start3A_57 : memref<80x64xf32, #tpu.memory_space<vmem>>) offsets(%dma_start3A_60 : memref<80xi32, #tpu.memory_space<vmem>>) semaphore(%arg14 : memref<!tpu.dma_semaphore, #tpu.memory_space<semaphore_mem>>)
    %scan3A_64 = arith.constant 0 : i32
    %scan3A_65 = arith.constant 0 : i32
    %scan3A_66 = arith.constant 50 : i32
    %scan3A_67 = arith.addi %scan3A_65, %scan3A_66 : i32
    %scan3A_68 = arith.constant 1 : i32
    %scan3A_69 = scf.for %scan3A_133 = %scan3A_65 to %scan3A_67 step %scan3A_68 iter_args(%scan3A_134 = %scan3A_64) -> (i32)  : i32 {
      %mul3A_135 = arith.constant 5 : i32
      %mul3A_136 = arith.muli %scan3A_133, %mul3A_135 : i32
      %add3A_137 = arith.constant 0 : i32
      %add3A_138 = arith.addi %mul3A_136, %add3A_137 : i32
      %dma_wait3A_139 = arith.constant 0 : i32
      %dma_wait3A_140 = arith.constant 0 : i32
      %dma_wait3A_141 = arith.constant 0 : i32
      %dma_wait3A_142 = tpu.memref_slice %arg8[%dma_wait3A_139, %dma_wait3A_140, %dma_wait3A_141] : memref<5x80x64xf32, #tpu.memory_space<vmem>> -> memref<1x80x64xf32, #tpu.memory_space<vmem>>
      %dma_wait3A_143 = tpu.memref_squeeze %dma_wait3A_142 : memref<1x80x64xf32, #tpu.memory_space<vmem>> -> memref<80x64xf32, #tpu.memory_space<vmem>>
      %dma_wait3A_144 = arith.constant 0 : i32
      %dma_wait3A_145 = tpu.memref_slice %arg6[%add3A_138, %dma_wait3A_144] : memref<250x80xi32, #tpu.memory_space<vmem>> -> memref<1x80xi32, #tpu.memory_space<vmem>>
      %dma_wait3A_146 = tpu.memref_squeeze %dma_wait3A_145 : memref<1x80xi32, #tpu.memory_space<vmem>> -> memref<80xi32, #tpu.memory_space<vmem>>
      %dma_wait3A_147 = arith.constant 0 : i32
      %dma_wait3A_148 = arith.constant 0 : i32
      %dma_wait3A_149 = tpu.memref_slice %arg4[%dma_wait3A_147, %dma_wait3A_148] : memref<20000x64xf32, #tpu.memory_space<hbm>> -> memref<20000x64xf32, #tpu.memory_space<hbm>>
      tpu.wait_indirect_dma semaphore(%arg11 : memref<!tpu.dma_semaphore, #tpu.memory_space<semaphore_mem>>) src(%dma_wait3A_149 : memref<20000x64xf32, #tpu.memory_space<hbm>>) dst(%dma_wait3A_143 : memref<80x64xf32, #tpu.memory_space<vmem>>)
      %dma_start3A_150 = arith.constant 0 : i32
      %dma_start3A_151 = arith.constant 0 : i32
      %dma_start3A_152 = arith.constant 0 : i32
      %dma_start3A_153 = tpu.memref_slice %arg8[%dma_start3A_150, %dma_start3A_151, %dma_start3A_152] : memref<5x80x64xf32, #tpu.memory_space<vmem>> -> memref<1x80x64xf32, #tpu.memory_space<vmem>>
      %dma_start3A_154 = tpu.memref_squeeze %dma_start3A_153 : memref<1x80x64xf32, #tpu.memory_space<vmem>> -> memref<80x64xf32, #tpu.memory_space<vmem>>
      %dma_start3A_155 = arith.constant 0 : i32
      %dma_start3A_156 = tpu.memref_slice %arg7[%add3A_138, %dma_start3A_155] : memref<250x80xi32, #tpu.memory_space<vmem>> -> memref<1x80xi32, #tpu.memory_space<vmem>>
      %dma_start3A_157 = tpu.memref_squeeze %dma_start3A_156 : memref<1x80xi32, #tpu.memory_space<vmem>> -> memref<80xi32, #tpu.memory_space<vmem>>
      %dma_start3A_158 = arith.constant 0 : i32
      %dma_start3A_159 = arith.constant 0 : i32
      %dma_start3A_160 = tpu.memref_slice %arg10[%dma_start3A_158, %dma_start3A_159] : memref<10240x64xf32, #tpu.memory_space<vmem_shared>> -> memref<10240x64xf32, #tpu.memory_space<vmem_shared>>
      tpu.enqueue_indirect_dma source(%dma_start3A_154 : memref<80x64xf32, #tpu.memory_space<vmem>>) target(%dma_start3A_160 : memref<10240x64xf32, #tpu.memory_space<vmem_shared>>) offsets(%dma_start3A_157 : memref<80xi32, #tpu.memory_space<vmem>>) semaphore(%arg16 : memref<!tpu.dma_semaphore, #tpu.memory_space<semaphore_mem>>) {add = true}
      %add3A_161 = arith.constant 4 : i32
      %add3A_162 = arith.addi %add3A_138, %add3A_161 : i32
      %lt3A = arith.constant 250 : i32
      %lt3A_163 = arith.cmpi slt, %add3A_162, %lt3A : i32
      %convert_element_type3A = arith.extui %lt3A_163 : i1 to i32
      %cond3A = arith.constant 0 : i32
      %cond3A_164 = arith.cmpi ne, %convert_element_type3A, %cond3A : i32
      scf.if %cond3A_164 {
        %sub3A = arith.constant 5 : i32
        %sub3A_298 = arith.subi %add3A_162, %sub3A : i32
        %ge3A = arith.constant 0 : i32
        %ge3A_299 = arith.cmpi sge, %sub3A_298, %ge3A : i32
        %convert_element_type3A_300 = arith.extui %ge3A_299 : i1 to i32
        %cond3A_301 = arith.constant 0 : i32
        %cond3A_302 = arith.cmpi ne, %convert_element_type3A_300, %cond3A_301 : i32
        scf.if %cond3A_302 {
          %sub3A_314 = arith.constant 5 : i32
          %sub3A_315 = arith.subi %add3A_162, %sub3A_314 : i32
          %dma_wait3A_316 = arith.constant 4 : i32
          %dma_wait3A_317 = arith.constant 0 : i32
          %dma_wait3A_318 = arith.constant 0 : i32
          %dma_wait3A_319 = tpu.memref_slice %arg8[%dma_wait3A_316, %dma_wait3A_317, %dma_wait3A_318] : memref<5x80x64xf32, #tpu.memory_space<vmem>> -> memref<1x80x64xf32, #tpu.memory_space<vmem>>
          %dma_wait3A_320 = tpu.memref_squeeze %dma_wait3A_319 : memref<1x80x64xf32, #tpu.memory_space<vmem>> -> memref<80x64xf32, #tpu.memory_space<vmem>>
          %dma_wait3A_321 = arith.constant 0 : i32
          %dma_wait3A_322 = tpu.memref_slice %arg7[%sub3A_315, %dma_wait3A_321] : memref<250x80xi32, #tpu.memory_space<vmem>> -> memref<1x80xi32, #tpu.memory_space<vmem>>
          %dma_wait3A_323 = tpu.memref_squeeze %dma_wait3A_322 : memref<1x80xi32, #tpu.memory_space<vmem>> -> memref<80xi32, #tpu.memory_space<vmem>>
          %dma_wait3A_324 = arith.constant 0 : i32
          %dma_wait3A_325 = arith.constant 0 : i32
          %dma_wait3A_326 = tpu.memref_slice %arg10[%dma_wait3A_324, %dma_wait3A_325] : memref<10240x64xf32, #tpu.memory_space<vmem_shared>> -> memref<10240x64xf32, #tpu.memory_space<vmem_shared>>
          tpu.wait_indirect_dma semaphore(%arg20 : memref<!tpu.dma_semaphore, #tpu.memory_space<semaphore_mem>>) src(%dma_wait3A_320 : memref<80x64xf32, #tpu.memory_space<vmem>>) dst(%dma_wait3A_326 : memref<10240x64xf32, #tpu.memory_space<vmem_shared>>)
        } else {
        }
        %dma_start3A_303 = arith.constant 4 : i32
        %dma_start3A_304 = arith.constant 0 : i32
        %dma_start3A_305 = arith.constant 0 : i32
        %dma_start3A_306 = tpu.memref_slice %arg8[%dma_start3A_303, %dma_start3A_304, %dma_start3A_305] : memref<5x80x64xf32, #tpu.memory_space<vmem>> -> memref<1x80x64xf32, #tpu.memory_space<vmem>>
        %dma_start3A_307 = tpu.memref_squeeze %dma_start3A_306 : memref<1x80x64xf32, #tpu.memory_space<vmem>> -> memref<80x64xf32, #tpu.memory_space<vmem>>
        %dma_start3A_308 = arith.constant 0 : i32
        %dma_start3A_309 = tpu.memref_slice %arg6[%add3A_162, %dma_start3A_308] : memref<250x80xi32, #tpu.memory_space<vmem>> -> memref<1x80xi32, #tpu.memory_space<vmem>>
        %dma_start3A_310 = tpu.memref_squeeze %dma_start3A_309 : memref<1x80xi32, #tpu.memory_space<vmem>> -> memref<80xi32, #tpu.memory_space<vmem>>
        %dma_start3A_311 = arith.constant 0 : i32
        %dma_start3A_312 = arith.constant 0 : i32
        %dma_start3A_313 = tpu.memref_slice %arg4[%dma_start3A_311, %dma_start3A_312] : memref<20000x64xf32, #tpu.memory_space<hbm>> -> memref<20000x64xf32, #tpu.memory_space<hbm>>
        tpu.enqueue_indirect_dma source(%dma_start3A_313 : memref<20000x64xf32, #tpu.memory_space<hbm>>) target(%dma_start3A_307 : memref<80x64xf32, #tpu.memory_space<vmem>>) offsets(%dma_start3A_310 : memref<80xi32, #tpu.memory_space<vmem>>) semaphore(%arg15 : memref<!tpu.dma_semaphore, #tpu.memory_space<semaphore_mem>>)
      } else {
      }
      %mul3A_165 = arith.constant 5 : i32
      %mul3A_166 = arith.muli %scan3A_133, %mul3A_165 : i32
      %add3A_167 = arith.constant 1 : i32
      %add3A_168 = arith.addi %mul3A_166, %add3A_167 : i32
      %dma_wait3A_169 = arith.constant 1 : i32
      %dma_wait3A_170 = arith.constant 0 : i32
      %dma_wait3A_171 = arith.constant 0 : i32
      %dma_wait3A_172 = tpu.memref_slice %arg8[%dma_wait3A_169, %dma_wait3A_170, %dma_wait3A_171] : memref<5x80x64xf32, #tpu.memory_space<vmem>> -> memref<1x80x64xf32, #tpu.memory_space<vmem>>
      %dma_wait3A_173 = tpu.memref_squeeze %dma_wait3A_172 : memref<1x80x64xf32, #tpu.memory_space<vmem>> -> memref<80x64xf32, #tpu.memory_space<vmem>>
      %dma_wait3A_174 = arith.constant 0 : i32
      %dma_wait3A_175 = tpu.memref_slice %arg6[%add3A_168, %dma_wait3A_174] : memref<250x80xi32, #tpu.memory_space<vmem>> -> memref<1x80xi32, #tpu.memory_space<vmem>>
      %dma_wait3A_176 = tpu.memref_squeeze %dma_wait3A_175 : memref<1x80xi32, #tpu.memory_space<vmem>> -> memref<80xi32, #tpu.memory_space<vmem>>
      %dma_wait3A_177 = arith.constant 0 : i32
      %dma_wait3A_178 = arith.constant 0 : i32
      %dma_wait3A_179 = tpu.memref_slice %arg4[%dma_wait3A_177, %dma_wait3A_178] : memref<20000x64xf32, #tpu.memory_space<hbm>> -> memref<20000x64xf32, #tpu.memory_space<hbm>>
      tpu.wait_indirect_dma semaphore(%arg12 : memref<!tpu.dma_semaphore, #tpu.memory_space<semaphore_mem>>) src(%dma_wait3A_179 : memref<20000x64xf32, #tpu.memory_space<hbm>>) dst(%dma_wait3A_173 : memref<80x64xf32, #tpu.memory_space<vmem>>)
      %dma_start3A_180 = arith.constant 1 : i32
      %dma_start3A_181 = arith.constant 0 : i32
      %dma_start3A_182 = arith.constant 0 : i32
      %dma_start3A_183 = tpu.memref_slice %arg8[%dma_start3A_180, %dma_start3A_181, %dma_start3A_182] : memref<5x80x64xf32, #tpu.memory_space<vmem>> -> memref<1x80x64xf32, #tpu.memory_space<vmem>>
      %dma_start3A_184 = tpu.memref_squeeze %dma_start3A_183 : memref<1x80x64xf32, #tpu.memory_space<vmem>> -> memref<80x64xf32, #tpu.memory_space<vmem>>
      %dma_start3A_185 = arith.constant 0 : i32
      %dma_start3A_186 = tpu.memref_slice %arg7[%add3A_168, %dma_start3A_185] : memref<250x80xi32, #tpu.memory_space<vmem>> -> memref<1x80xi32, #tpu.memory_space<vmem>>
      %dma_start3A_187 = tpu.memref_squeeze %dma_start3A_186 : memref<1x80xi32, #tpu.memory_space<vmem>> -> memref<80xi32, #tpu.memory_space<vmem>>
      %dma_start3A_188 = arith.constant 0 : i32
      %dma_start3A_189 = arith.constant 0 : i32
      %dma_start3A_190 = tpu.memref_slice %arg10[%dma_start3A_188, %dma_start3A_189] : memref<10240x64xf32, #tpu.memory_space<vmem_shared>> -> memref<10240x64xf32, #tpu.memory_space<vmem_shared>>
      tpu.enqueue_indirect_dma source(%dma_start3A_184 : memref<80x64xf32, #tpu.memory_space<vmem>>) target(%dma_start3A_190 : memref<10240x64xf32, #tpu.memory_space<vmem_shared>>) offsets(%dma_start3A_187 : memref<80xi32, #tpu.memory_space<vmem>>) semaphore(%arg17 : memref<!tpu.dma_semaphore, #tpu.memory_space<semaphore_mem>>) {add = true}
      %add3A_191 = arith.constant 4 : i32
      %add3A_192 = arith.addi %add3A_168, %add3A_191 : i32
      %lt3A_193 = arith.constant 250 : i32
      %lt3A_194 = arith.cmpi slt, %add3A_192, %lt3A_193 : i32
      %convert_element_type3A_195 = arith.extui %lt3A_194 : i1 to i32
      %cond3A_196 = arith.constant 0 : i32
      %cond3A_197 = arith.cmpi ne, %convert_element_type3A_195, %cond3A_196 : i32
      scf.if %cond3A_197 {
        %sub3A = arith.constant 5 : i32
        %sub3A_298 = arith.subi %add3A_192, %sub3A : i32
        %ge3A = arith.constant 0 : i32
        %ge3A_299 = arith.cmpi sge, %sub3A_298, %ge3A : i32
        %convert_element_type3A_300 = arith.extui %ge3A_299 : i1 to i32
        %cond3A_301 = arith.constant 0 : i32
        %cond3A_302 = arith.cmpi ne, %convert_element_type3A_300, %cond3A_301 : i32
        scf.if %cond3A_302 {
          %sub3A_314 = arith.constant 5 : i32
          %sub3A_315 = arith.subi %add3A_192, %sub3A_314 : i32
          %dma_wait3A_316 = arith.constant 0 : i32
          %dma_wait3A_317 = arith.constant 0 : i32
          %dma_wait3A_318 = arith.constant 0 : i32
          %dma_wait3A_319 = tpu.memref_slice %arg8[%dma_wait3A_316, %dma_wait3A_317, %dma_wait3A_318] : memref<5x80x64xf32, #tpu.memory_space<vmem>> -> memref<1x80x64xf32, #tpu.memory_space<vmem>>
          %dma_wait3A_320 = tpu.memref_squeeze %dma_wait3A_319 : memref<1x80x64xf32, #tpu.memory_space<vmem>> -> memref<80x64xf32, #tpu.memory_space<vmem>>
          %dma_wait3A_321 = arith.constant 0 : i32
          %dma_wait3A_322 = tpu.memref_slice %arg7[%sub3A_315, %dma_wait3A_321] : memref<250x80xi32, #tpu.memory_space<vmem>> -> memref<1x80xi32, #tpu.memory_space<vmem>>
          %dma_wait3A_323 = tpu.memref_squeeze %dma_wait3A_322 : memref<1x80xi32, #tpu.memory_space<vmem>> -> memref<80xi32, #tpu.memory_space<vmem>>
          %dma_wait3A_324 = arith.constant 0 : i32
          %dma_wait3A_325 = arith.constant 0 : i32
          %dma_wait3A_326 = tpu.memref_slice %arg10[%dma_wait3A_324, %dma_wait3A_325] : memref<10240x64xf32, #tpu.memory_space<vmem_shared>> -> memref<10240x64xf32, #tpu.memory_space<vmem_shared>>
          tpu.wait_indirect_dma semaphore(%arg16 : memref<!tpu.dma_semaphore, #tpu.memory_space<semaphore_mem>>) src(%dma_wait3A_320 : memref<80x64xf32, #tpu.memory_space<vmem>>) dst(%dma_wait3A_326 : memref<10240x64xf32, #tpu.memory_space<vmem_shared>>)
        } else {
        }
        %dma_start3A_303 = arith.constant 0 : i32
        %dma_start3A_304 = arith.constant 0 : i32
        %dma_start3A_305 = arith.constant 0 : i32
        %dma_start3A_306 = tpu.memref_slice %arg8[%dma_start3A_303, %dma_start3A_304, %dma_start3A_305] : memref<5x80x64xf32, #tpu.memory_space<vmem>> -> memref<1x80x64xf32, #tpu.memory_space<vmem>>
        %dma_start3A_307 = tpu.memref_squeeze %dma_start3A_306 : memref<1x80x64xf32, #tpu.memory_space<vmem>> -> memref<80x64xf32, #tpu.memory_space<vmem>>
        %dma_start3A_308 = arith.constant 0 : i32
        %dma_start3A_309 = tpu.memref_slice %arg6[%add3A_192, %dma_start3A_308] : memref<250x80xi32, #tpu.memory_space<vmem>> -> memref<1x80xi32, #tpu.memory_space<vmem>>
        %dma_start3A_310 = tpu.memref_squeeze %dma_start3A_309 : memref<1x80xi32, #tpu.memory_space<vmem>> -> memref<80xi32, #tpu.memory_space<vmem>>
        %dma_start3A_311 = arith.constant 0 : i32
        %dma_start3A_312 = arith.constant 0 : i32
        %dma_start3A_313 = tpu.memref_slice %arg4[%dma_start3A_311, %dma_start3A_312] : memref<20000x64xf32, #tpu.memory_space<hbm>> -> memref<20000x64xf32, #tpu.memory_space<hbm>>
        tpu.enqueue_indirect_dma source(%dma_start3A_313 : memref<20000x64xf32, #tpu.memory_space<hbm>>) target(%dma_start3A_307 : memref<80x64xf32, #tpu.memory_space<vmem>>) offsets(%dma_start3A_310 : memref<80xi32, #tpu.memory_space<vmem>>) semaphore(%arg11 : memref<!tpu.dma_semaphore, #tpu.memory_space<semaphore_mem>>)
      } else {
      }
      %mul3A_198 = arith.constant 5 : i32
      %mul3A_199 = arith.muli %scan3A_133, %mul3A_198 : i32
      %add3A_200 = arith.constant 2 : i32
      %add3A_201 = arith.addi %mul3A_199, %add3A_200 : i32
      %dma_wait3A_202 = arith.constant 2 : i32
      %dma_wait3A_203 = arith.constant 0 : i32
      %dma_wait3A_204 = arith.constant 0 : i32
      %dma_wait3A_205 = tpu.memref_slice %arg8[%dma_wait3A_202, %dma_wait3A_203, %dma_wait3A_204] : memref<5x80x64xf32, #tpu.memory_space<vmem>> -> memref<1x80x64xf32, #tpu.memory_space<vmem>>
      %dma_wait3A_206 = tpu.memref_squeeze %dma_wait3A_205 : memref<1x80x64xf32, #tpu.memory_space<vmem>> -> memref<80x64xf32, #tpu.memory_space<vmem>>
      %dma_wait3A_207 = arith.constant 0 : i32
      %dma_wait3A_208 = tpu.memref_slice %arg6[%add3A_201, %dma_wait3A_207] : memref<250x80xi32, #tpu.memory_space<vmem>> -> memref<1x80xi32, #tpu.memory_space<vmem>>
      %dma_wait3A_209 = tpu.memref_squeeze %dma_wait3A_208 : memref<1x80xi32, #tpu.memory_space<vmem>> -> memref<80xi32, #tpu.memory_space<vmem>>
      %dma_wait3A_210 = arith.constant 0 : i32
      %dma_wait3A_211 = arith.constant 0 : i32
      %dma_wait3A_212 = tpu.memref_slice %arg4[%dma_wait3A_210, %dma_wait3A_211] : memref<20000x64xf32, #tpu.memory_space<hbm>> -> memref<20000x64xf32, #tpu.memory_space<hbm>>
      tpu.wait_indirect_dma semaphore(%arg13 : memref<!tpu.dma_semaphore, #tpu.memory_space<semaphore_mem>>) src(%dma_wait3A_212 : memref<20000x64xf32, #tpu.memory_space<hbm>>) dst(%dma_wait3A_206 : memref<80x64xf32, #tpu.memory_space<vmem>>)
      %dma_start3A_213 = arith.constant 2 : i32
      %dma_start3A_214 = arith.constant 0 : i32
      %dma_start3A_215 = arith.constant 0 : i32
      %dma_start3A_216 = tpu.memref_slice %arg8[%dma_start3A_213, %dma_start3A_214, %dma_start3A_215] : memref<5x80x64xf32, #tpu.memory_space<vmem>> -> memref<1x80x64xf32, #tpu.memory_space<vmem>>
      %dma_start3A_217 = tpu.memref_squeeze %dma_start3A_216 : memref<1x80x64xf32, #tpu.memory_space<vmem>> -> memref<80x64xf32, #tpu.memory_space<vmem>>
      %dma_start3A_218 = arith.constant 0 : i32
      %dma_start3A_219 = tpu.memref_slice %arg7[%add3A_201, %dma_start3A_218] : memref<250x80xi32, #tpu.memory_space<vmem>> -> memref<1x80xi32, #tpu.memory_space<vmem>>
      %dma_start3A_220 = tpu.memref_squeeze %dma_start3A_219 : memref<1x80xi32, #tpu.memory_space<vmem>> -> memref<80xi32, #tpu.memory_space<vmem>>
      %dma_start3A_221 = arith.constant 0 : i32
      %dma_start3A_222 = arith.constant 0 : i32
      %dma_start3A_223 = tpu.memref_slice %arg10[%dma_start3A_221, %dma_start3A_222] : memref<10240x64xf32, #tpu.memory_space<vmem_shared>> -> memref<10240x64xf32, #tpu.memory_space<vmem_shared>>
      tpu.enqueue_indirect_dma source(%dma_start3A_217 : memref<80x64xf32, #tpu.memory_space<vmem>>) target(%dma_start3A_223 : memref<10240x64xf32, #tpu.memory_space<vmem_shared>>) offsets(%dma_start3A_220 : memref<80xi32, #tpu.memory_space<vmem>>) semaphore(%arg18 : memref<!tpu.dma_semaphore, #tpu.memory_space<semaphore_mem>>) {add = true}
      %add3A_224 = arith.constant 4 : i32
      %add3A_225 = arith.addi %add3A_201, %add3A_224 : i32
      %lt3A_226 = arith.constant 250 : i32
      %lt3A_227 = arith.cmpi slt, %add3A_225, %lt3A_226 : i32
      %convert_element_type3A_228 = arith.extui %lt3A_227 : i1 to i32
      %cond3A_229 = arith.constant 0 : i32
      %cond3A_230 = arith.cmpi ne, %convert_element_type3A_228, %cond3A_229 : i32
      scf.if %cond3A_230 {
        %sub3A = arith.constant 5 : i32
        %sub3A_298 = arith.subi %add3A_225, %sub3A : i32
        %ge3A = arith.constant 0 : i32
        %ge3A_299 = arith.cmpi sge, %sub3A_298, %ge3A : i32
        %convert_element_type3A_300 = arith.extui %ge3A_299 : i1 to i32
        %cond3A_301 = arith.constant 0 : i32
        %cond3A_302 = arith.cmpi ne, %convert_element_type3A_300, %cond3A_301 : i32
        scf.if %cond3A_302 {
          %sub3A_314 = arith.constant 5 : i32
          %sub3A_315 = arith.subi %add3A_225, %sub3A_314 : i32
          %dma_wait3A_316 = arith.constant 1 : i32
          %dma_wait3A_317 = arith.constant 0 : i32
          %dma_wait3A_318 = arith.constant 0 : i32
          %dma_wait3A_319 = tpu.memref_slice %arg8[%dma_wait3A_316, %dma_wait3A_317, %dma_wait3A_318] : memref<5x80x64xf32, #tpu.memory_space<vmem>> -> memref<1x80x64xf32, #tpu.memory_space<vmem>>
          %dma_wait3A_320 = tpu.memref_squeeze %dma_wait3A_319 : memref<1x80x64xf32, #tpu.memory_space<vmem>> -> memref<80x64xf32, #tpu.memory_space<vmem>>
          %dma_wait3A_321 = arith.constant 0 : i32
          %dma_wait3A_322 = tpu.memref_slice %arg7[%sub3A_315, %dma_wait3A_321] : memref<250x80xi32, #tpu.memory_space<vmem>> -> memref<1x80xi32, #tpu.memory_space<vmem>>
          %dma_wait3A_323 = tpu.memref_squeeze %dma_wait3A_322 : memref<1x80xi32, #tpu.memory_space<vmem>> -> memref<80xi32, #tpu.memory_space<vmem>>
          %dma_wait3A_324 = arith.constant 0 : i32
          %dma_wait3A_325 = arith.constant 0 : i32
          %dma_wait3A_326 = tpu.memref_slice %arg10[%dma_wait3A_324, %dma_wait3A_325] : memref<10240x64xf32, #tpu.memory_space<vmem_shared>> -> memref<10240x64xf32, #tpu.memory_space<vmem_shared>>
          tpu.wait_indirect_dma semaphore(%arg17 : memref<!tpu.dma_semaphore, #tpu.memory_space<semaphore_mem>>) src(%dma_wait3A_320 : memref<80x64xf32, #tpu.memory_space<vmem>>) dst(%dma_wait3A_326 : memref<10240x64xf32, #tpu.memory_space<vmem_shared>>)
        } else {
        }
        %dma_start3A_303 = arith.constant 1 : i32
        %dma_start3A_304 = arith.constant 0 : i32
        %dma_start3A_305 = arith.constant 0 : i32
        %dma_start3A_306 = tpu.memref_slice %arg8[%dma_start3A_303, %dma_start3A_304, %dma_start3A_305] : memref<5x80x64xf32, #tpu.memory_space<vmem>> -> memref<1x80x64xf32, #tpu.memory_space<vmem>>
        %dma_start3A_307 = tpu.memref_squeeze %dma_start3A_306 : memref<1x80x64xf32, #tpu.memory_space<vmem>> -> memref<80x64xf32, #tpu.memory_space<vmem>>
        %dma_start3A_308 = arith.constant 0 : i32
        %dma_start3A_309 = tpu.memref_slice %arg6[%add3A_225, %dma_start3A_308] : memref<250x80xi32, #tpu.memory_space<vmem>> -> memref<1x80xi32, #tpu.memory_space<vmem>>
        %dma_start3A_310 = tpu.memref_squeeze %dma_start3A_309 : memref<1x80xi32, #tpu.memory_space<vmem>> -> memref<80xi32, #tpu.memory_space<vmem>>
        %dma_start3A_311 = arith.constant 0 : i32
        %dma_start3A_312 = arith.constant 0 : i32
        %dma_start3A_313 = tpu.memref_slice %arg4[%dma_start3A_311, %dma_start3A_312] : memref<20000x64xf32, #tpu.memory_space<hbm>> -> memref<20000x64xf32, #tpu.memory_space<hbm>>
        tpu.enqueue_indirect_dma source(%dma_start3A_313 : memref<20000x64xf32, #tpu.memory_space<hbm>>) target(%dma_start3A_307 : memref<80x64xf32, #tpu.memory_space<vmem>>) offsets(%dma_start3A_310 : memref<80xi32, #tpu.memory_space<vmem>>) semaphore(%arg12 : memref<!tpu.dma_semaphore, #tpu.memory_space<semaphore_mem>>)
      } else {
      }
      %mul3A_231 = arith.constant 5 : i32
      %mul3A_232 = arith.muli %scan3A_133, %mul3A_231 : i32
      %add3A_233 = arith.constant 3 : i32
      %add3A_234 = arith.addi %mul3A_232, %add3A_233 : i32
      %dma_wait3A_235 = arith.constant 3 : i32
      %dma_wait3A_236 = arith.constant 0 : i32
      %dma_wait3A_237 = arith.constant 0 : i32
      %dma_wait3A_238 = tpu.memref_slice %arg8[%dma_wait3A_235, %dma_wait3A_236, %dma_wait3A_237] : memref<5x80x64xf32, #tpu.memory_space<vmem>> -> memref<1x80x64xf32, #tpu.memory_space<vmem>>
      %dma_wait3A_239 = tpu.memref_squeeze %dma_wait3A_238 : memref<1x80x64xf32, #tpu.memory_space<vmem>> -> memref<80x64xf32, #tpu.memory_space<vmem>>
      %dma_wait3A_240 = arith.constant 0 : i32
      %dma_wait3A_241 = tpu.memref_slice %arg6[%add3A_234, %dma_wait3A_240] : memref<250x80xi32, #tpu.memory_space<vmem>> -> memref<1x80xi32, #tpu.memory_space<vmem>>
      %dma_wait3A_242 = tpu.memref_squeeze %dma_wait3A_241 : memref<1x80xi32, #tpu.memory_space<vmem>> -> memref<80xi32, #tpu.memory_space<vmem>>
      %dma_wait3A_243 = arith.constant 0 : i32
      %dma_wait3A_244 = arith.constant 0 : i32
      %dma_wait3A_245 = tpu.memref_slice %arg4[%dma_wait3A_243, %dma_wait3A_244] : memref<20000x64xf32, #tpu.memory_space<hbm>> -> memref<20000x64xf32, #tpu.memory_space<hbm>>
      tpu.wait_indirect_dma semaphore(%arg14 : memref<!tpu.dma_semaphore, #tpu.memory_space<semaphore_mem>>) src(%dma_wait3A_245 : memref<20000x64xf32, #tpu.memory_space<hbm>>) dst(%dma_wait3A_239 : memref<80x64xf32, #tpu.memory_space<vmem>>)
      %dma_start3A_246 = arith.constant 3 : i32
      %dma_start3A_247 = arith.constant 0 : i32
      %dma_start3A_248 = arith.constant 0 : i32
      %dma_start3A_249 = tpu.memref_slice %arg8[%dma_start3A_246, %dma_start3A_247, %dma_start3A_248] : memref<5x80x64xf32, #tpu.memory_space<vmem>> -> memref<1x80x64xf32, #tpu.memory_space<vmem>>
      %dma_start3A_250 = tpu.memref_squeeze %dma_start3A_249 : memref<1x80x64xf32, #tpu.memory_space<vmem>> -> memref<80x64xf32, #tpu.memory_space<vmem>>
      %dma_start3A_251 = arith.constant 0 : i32
      %dma_start3A_252 = tpu.memref_slice %arg7[%add3A_234, %dma_start3A_251] : memref<250x80xi32, #tpu.memory_space<vmem>> -> memref<1x80xi32, #tpu.memory_space<vmem>>
      %dma_start3A_253 = tpu.memref_squeeze %dma_start3A_252 : memref<1x80xi32, #tpu.memory_space<vmem>> -> memref<80xi32, #tpu.memory_space<vmem>>
      %dma_start3A_254 = arith.constant 0 : i32
      %dma_start3A_255 = arith.constant 0 : i32
      %dma_start3A_256 = tpu.memref_slice %arg10[%dma_start3A_254, %dma_start3A_255] : memref<10240x64xf32, #tpu.memory_space<vmem_shared>> -> memref<10240x64xf32, #tpu.memory_space<vmem_shared>>
      tpu.enqueue_indirect_dma source(%dma_start3A_250 : memref<80x64xf32, #tpu.memory_space<vmem>>) target(%dma_start3A_256 : memref<10240x64xf32, #tpu.memory_space<vmem_shared>>) offsets(%dma_start3A_253 : memref<80xi32, #tpu.memory_space<vmem>>) semaphore(%arg19 : memref<!tpu.dma_semaphore, #tpu.memory_space<semaphore_mem>>) {add = true}
      %add3A_257 = arith.constant 4 : i32
      %add3A_258 = arith.addi %add3A_234, %add3A_257 : i32
      %lt3A_259 = arith.constant 250 : i32
      %lt3A_260 = arith.cmpi slt, %add3A_258, %lt3A_259 : i32
      %convert_element_type3A_261 = arith.extui %lt3A_260 : i1 to i32
      %cond3A_262 = arith.constant 0 : i32
      %cond3A_263 = arith.cmpi ne, %convert_element_type3A_261, %cond3A_262 : i32
      scf.if %cond3A_263 {
        %sub3A = arith.constant 5 : i32
        %sub3A_298 = arith.subi %add3A_258, %sub3A : i32
        %ge3A = arith.constant 0 : i32
        %ge3A_299 = arith.cmpi sge, %sub3A_298, %ge3A : i32
        %convert_element_type3A_300 = arith.extui %ge3A_299 : i1 to i32
        %cond3A_301 = arith.constant 0 : i32
        %cond3A_302 = arith.cmpi ne, %convert_element_type3A_300, %cond3A_301 : i32
        scf.if %cond3A_302 {
          %sub3A_314 = arith.constant 5 : i32
          %sub3A_315 = arith.subi %add3A_258, %sub3A_314 : i32
          %dma_wait3A_316 = arith.constant 2 : i32
          %dma_wait3A_317 = arith.constant 0 : i32
          %dma_wait3A_318 = arith.constant 0 : i32
          %dma_wait3A_319 = tpu.memref_slice %arg8[%dma_wait3A_316, %dma_wait3A_317, %dma_wait3A_318] : memref<5x80x64xf32, #tpu.memory_space<vmem>> -> memref<1x80x64xf32, #tpu.memory_space<vmem>>
          %dma_wait3A_320 = tpu.memref_squeeze %dma_wait3A_319 : memref<1x80x64xf32, #tpu.memory_space<vmem>> -> memref<80x64xf32, #tpu.memory_space<vmem>>
          %dma_wait3A_321 = arith.constant 0 : i32
          %dma_wait3A_322 = tpu.memref_slice %arg7[%sub3A_315, %dma_wait3A_321] : memref<250x80xi32, #tpu.memory_space<vmem>> -> memref<1x80xi32, #tpu.memory_space<vmem>>
          %dma_wait3A_323 = tpu.memref_squeeze %dma_wait3A_322 : memref<1x80xi32, #tpu.memory_space<vmem>> -> memref<80xi32, #tpu.memory_space<vmem>>
          %dma_wait3A_324 = arith.constant 0 : i32
          %dma_wait3A_325 = arith.constant 0 : i32
          %dma_wait3A_326 = tpu.memref_slice %arg10[%dma_wait3A_324, %dma_wait3A_325] : memref<10240x64xf32, #tpu.memory_space<vmem_shared>> -> memref<10240x64xf32, #tpu.memory_space<vmem_shared>>
          tpu.wait_indirect_dma semaphore(%arg18 : memref<!tpu.dma_semaphore, #tpu.memory_space<semaphore_mem>>) src(%dma_wait3A_320 : memref<80x64xf32, #tpu.memory_space<vmem>>) dst(%dma_wait3A_326 : memref<10240x64xf32, #tpu.memory_space<vmem_shared>>)
        } else {
        }
        %dma_start3A_303 = arith.constant 2 : i32
        %dma_start3A_304 = arith.constant 0 : i32
        %dma_start3A_305 = arith.constant 0 : i32
        %dma_start3A_306 = tpu.memref_slice %arg8[%dma_start3A_303, %dma_start3A_304, %dma_start3A_305] : memref<5x80x64xf32, #tpu.memory_space<vmem>> -> memref<1x80x64xf32, #tpu.memory_space<vmem>>
        %dma_start3A_307 = tpu.memref_squeeze %dma_start3A_306 : memref<1x80x64xf32, #tpu.memory_space<vmem>> -> memref<80x64xf32, #tpu.memory_space<vmem>>
        %dma_start3A_308 = arith.constant 0 : i32
        %dma_start3A_309 = tpu.memref_slice %arg6[%add3A_258, %dma_start3A_308] : memref<250x80xi32, #tpu.memory_space<vmem>> -> memref<1x80xi32, #tpu.memory_space<vmem>>
        %dma_start3A_310 = tpu.memref_squeeze %dma_start3A_309 : memref<1x80xi32, #tpu.memory_space<vmem>> -> memref<80xi32, #tpu.memory_space<vmem>>
        %dma_start3A_311 = arith.constant 0 : i32
        %dma_start3A_312 = arith.constant 0 : i32
        %dma_start3A_313 = tpu.memref_slice %arg4[%dma_start3A_311, %dma_start3A_312] : memref<20000x64xf32, #tpu.memory_space<hbm>> -> memref<20000x64xf32, #tpu.memory_space<hbm>>
        tpu.enqueue_indirect_dma source(%dma_start3A_313 : memref<20000x64xf32, #tpu.memory_space<hbm>>) target(%dma_start3A_307 : memref<80x64xf32, #tpu.memory_space<vmem>>) offsets(%dma_start3A_310 : memref<80xi32, #tpu.memory_space<vmem>>) semaphore(%arg13 : memref<!tpu.dma_semaphore, #tpu.memory_space<semaphore_mem>>)
      } else {
      }
      %mul3A_264 = arith.constant 5 : i32
      %mul3A_265 = arith.muli %scan3A_133, %mul3A_264 : i32
      %add3A_266 = arith.constant 4 : i32
      %add3A_267 = arith.addi %mul3A_265, %add3A_266 : i32
      %dma_wait3A_268 = arith.constant 4 : i32
      %dma_wait3A_269 = arith.constant 0 : i32
      %dma_wait3A_270 = arith.constant 0 : i32
      %dma_wait3A_271 = tpu.memref_slice %arg8[%dma_wait3A_268, %dma_wait3A_269, %dma_wait3A_270] : memref<5x80x64xf32, #tpu.memory_space<vmem>> -> memref<1x80x64xf32, #tpu.memory_space<vmem>>
      %dma_wait3A_272 = tpu.memref_squeeze %dma_wait3A_271 : memref<1x80x64xf32, #tpu.memory_space<vmem>> -> memref<80x64xf32, #tpu.memory_space<vmem>>
      %dma_wait3A_273 = arith.constant 0 : i32
      %dma_wait3A_274 = tpu.memref_slice %arg6[%add3A_267, %dma_wait3A_273] : memref<250x80xi32, #tpu.memory_space<vmem>> -> memref<1x80xi32, #tpu.memory_space<vmem>>
      %dma_wait3A_275 = tpu.memref_squeeze %dma_wait3A_274 : memref<1x80xi32, #tpu.memory_space<vmem>> -> memref<80xi32, #tpu.memory_space<vmem>>
      %dma_wait3A_276 = arith.constant 0 : i32
      %dma_wait3A_277 = arith.constant 0 : i32
      %dma_wait3A_278 = tpu.memref_slice %arg4[%dma_wait3A_276, %dma_wait3A_277] : memref<20000x64xf32, #tpu.memory_space<hbm>> -> memref<20000x64xf32, #tpu.memory_space<hbm>>
      tpu.wait_indirect_dma semaphore(%arg15 : memref<!tpu.dma_semaphore, #tpu.memory_space<semaphore_mem>>) src(%dma_wait3A_278 : memref<20000x64xf32, #tpu.memory_space<hbm>>) dst(%dma_wait3A_272 : memref<80x64xf32, #tpu.memory_space<vmem>>)
      %dma_start3A_279 = arith.constant 4 : i32
      %dma_start3A_280 = arith.constant 0 : i32
      %dma_start3A_281 = arith.constant 0 : i32
      %dma_start3A_282 = tpu.memref_slice %arg8[%dma_start3A_279, %dma_start3A_280, %dma_start3A_281] : memref<5x80x64xf32, #tpu.memory_space<vmem>> -> memref<1x80x64xf32, #tpu.memory_space<vmem>>
      %dma_start3A_283 = tpu.memref_squeeze %dma_start3A_282 : memref<1x80x64xf32, #tpu.memory_space<vmem>> -> memref<80x64xf32, #tpu.memory_space<vmem>>
      %dma_start3A_284 = arith.constant 0 : i32
      %dma_start3A_285 = tpu.memref_slice %arg7[%add3A_267, %dma_start3A_284] : memref<250x80xi32, #tpu.memory_space<vmem>> -> memref<1x80xi32, #tpu.memory_space<vmem>>
      %dma_start3A_286 = tpu.memref_squeeze %dma_start3A_285 : memref<1x80xi32, #tpu.memory_space<vmem>> -> memref<80xi32, #tpu.memory_space<vmem>>
      %dma_start3A_287 = arith.constant 0 : i32
      %dma_start3A_288 = arith.constant 0 : i32
      %dma_start3A_289 = tpu.memref_slice %arg10[%dma_start3A_287, %dma_start3A_288] : memref<10240x64xf32, #tpu.memory_space<vmem_shared>> -> memref<10240x64xf32, #tpu.memory_space<vmem_shared>>
      tpu.enqueue_indirect_dma source(%dma_start3A_283 : memref<80x64xf32, #tpu.memory_space<vmem>>) target(%dma_start3A_289 : memref<10240x64xf32, #tpu.memory_space<vmem_shared>>) offsets(%dma_start3A_286 : memref<80xi32, #tpu.memory_space<vmem>>) semaphore(%arg20 : memref<!tpu.dma_semaphore, #tpu.memory_space<semaphore_mem>>) {add = true}
      %add3A_290 = arith.constant 4 : i32
      %add3A_291 = arith.addi %add3A_267, %add3A_290 : i32
      %lt3A_292 = arith.constant 250 : i32
      %lt3A_293 = arith.cmpi slt, %add3A_291, %lt3A_292 : i32
      %convert_element_type3A_294 = arith.extui %lt3A_293 : i1 to i32
      %cond3A_295 = arith.constant 0 : i32
      %cond3A_296 = arith.cmpi ne, %convert_element_type3A_294, %cond3A_295 : i32
      scf.if %cond3A_296 {
        %sub3A = arith.constant 5 : i32
        %sub3A_298 = arith.subi %add3A_291, %sub3A : i32
        %ge3A = arith.constant 0 : i32
        %ge3A_299 = arith.cmpi sge, %sub3A_298, %ge3A : i32
        %convert_element_type3A_300 = arith.extui %ge3A_299 : i1 to i32
        %cond3A_301 = arith.constant 0 : i32
        %cond3A_302 = arith.cmpi ne, %convert_element_type3A_300, %cond3A_301 : i32
        scf.if %cond3A_302 {
          %sub3A_314 = arith.constant 5 : i32
          %sub3A_315 = arith.subi %add3A_291, %sub3A_314 : i32
          %dma_wait3A_316 = arith.constant 3 : i32
          %dma_wait3A_317 = arith.constant 0 : i32
          %dma_wait3A_318 = arith.constant 0 : i32
          %dma_wait3A_319 = tpu.memref_slice %arg8[%dma_wait3A_316, %dma_wait3A_317, %dma_wait3A_318] : memref<5x80x64xf32, #tpu.memory_space<vmem>> -> memref<1x80x64xf32, #tpu.memory_space<vmem>>
          %dma_wait3A_320 = tpu.memref_squeeze %dma_wait3A_319 : memref<1x80x64xf32, #tpu.memory_space<vmem>> -> memref<80x64xf32, #tpu.memory_space<vmem>>
          %dma_wait3A_321 = arith.constant 0 : i32
          %dma_wait3A_322 = tpu.memref_slice %arg7[%sub3A_315, %dma_wait3A_321] : memref<250x80xi32, #tpu.memory_space<vmem>> -> memref<1x80xi32, #tpu.memory_space<vmem>>
          %dma_wait3A_323 = tpu.memref_squeeze %dma_wait3A_322 : memref<1x80xi32, #tpu.memory_space<vmem>> -> memref<80xi32, #tpu.memory_space<vmem>>
          %dma_wait3A_324 = arith.constant 0 : i32
          %dma_wait3A_325 = arith.constant 0 : i32
          %dma_wait3A_326 = tpu.memref_slice %arg10[%dma_wait3A_324, %dma_wait3A_325] : memref<10240x64xf32, #tpu.memory_space<vmem_shared>> -> memref<10240x64xf32, #tpu.memory_space<vmem_shared>>
          tpu.wait_indirect_dma semaphore(%arg19 : memref<!tpu.dma_semaphore, #tpu.memory_space<semaphore_mem>>) src(%dma_wait3A_320 : memref<80x64xf32, #tpu.memory_space<vmem>>) dst(%dma_wait3A_326 : memref<10240x64xf32, #tpu.memory_space<vmem_shared>>)
        } else {
        }
        %dma_start3A_303 = arith.constant 3 : i32
        %dma_start3A_304 = arith.constant 0 : i32
        %dma_start3A_305 = arith.constant 0 : i32
        %dma_start3A_306 = tpu.memref_slice %arg8[%dma_start3A_303, %dma_start3A_304, %dma_start3A_305] : memref<5x80x64xf32, #tpu.memory_space<vmem>> -> memref<1x80x64xf32, #tpu.memory_space<vmem>>
        %dma_start3A_307 = tpu.memref_squeeze %dma_start3A_306 : memref<1x80x64xf32, #tpu.memory_space<vmem>> -> memref<80x64xf32, #tpu.memory_space<vmem>>
        %dma_start3A_308 = arith.constant 0 : i32
        %dma_start3A_309 = tpu.memref_slice %arg6[%add3A_291, %dma_start3A_308] : memref<250x80xi32, #tpu.memory_space<vmem>> -> memref<1x80xi32, #tpu.memory_space<vmem>>
        %dma_start3A_310 = tpu.memref_squeeze %dma_start3A_309 : memref<1x80xi32, #tpu.memory_space<vmem>> -> memref<80xi32, #tpu.memory_space<vmem>>
        %dma_start3A_311 = arith.constant 0 : i32
        %dma_start3A_312 = arith.constant 0 : i32
        %dma_start3A_313 = tpu.memref_slice %arg4[%dma_start3A_311, %dma_start3A_312] : memref<20000x64xf32, #tpu.memory_space<hbm>> -> memref<20000x64xf32, #tpu.memory_space<hbm>>
        tpu.enqueue_indirect_dma source(%dma_start3A_313 : memref<20000x64xf32, #tpu.memory_space<hbm>>) target(%dma_start3A_307 : memref<80x64xf32, #tpu.memory_space<vmem>>) offsets(%dma_start3A_310 : memref<80xi32, #tpu.memory_space<vmem>>) semaphore(%arg14 : memref<!tpu.dma_semaphore, #tpu.memory_space<semaphore_mem>>)
      } else {
      }
      %scan3A_297 = arith.constant 0 : i32
      scf.yield %scan3A_297 : i32
    }
    %scan3A_70 = arith.constant 50 : i32
    %dma_wait3A = arith.constant 0 : i32
    %dma_wait3A_71 = arith.constant 0 : i32
    %dma_wait3A_72 = arith.constant 0 : i32
    %dma_wait3A_73 = arith.constant 0 : i32
    %dma_wait3A_74 = tpu.memref_slice %arg8[%dma_wait3A, %dma_wait3A_72, %dma_wait3A_73] : memref<5x80x64xf32, #tpu.memory_space<vmem>> -> memref<1x80x64xf32, #tpu.memory_space<vmem>>
    %dma_wait3A_75 = tpu.memref_squeeze %dma_wait3A_74 : memref<1x80x64xf32, #tpu.memory_space<vmem>> -> memref<80x64xf32, #tpu.memory_space<vmem>>
    %dma_wait3A_76 = arith.constant 0 : i32
    %dma_wait3A_77 = tpu.memref_slice %arg7[%dma_wait3A_71, %dma_wait3A_76] : memref<250x80xi32, #tpu.memory_space<vmem>> -> memref<1x80xi32, #tpu.memory_space<vmem>>
    %dma_wait3A_78 = tpu.memref_squeeze %dma_wait3A_77 : memref<1x80xi32, #tpu.memory_space<vmem>> -> memref<80xi32, #tpu.memory_space<vmem>>
    %dma_wait3A_79 = arith.constant 0 : i32
    %dma_wait3A_80 = arith.constant 0 : i32
    %dma_wait3A_81 = tpu.memref_slice %arg10[%dma_wait3A_79, %dma_wait3A_80] : memref<10240x64xf32, #tpu.memory_space<vmem_shared>> -> memref<10240x64xf32, #tpu.memory_space<vmem_shared>>
    tpu.wait_indirect_dma semaphore(%arg16 : memref<!tpu.dma_semaphore, #tpu.memory_space<semaphore_mem>>) src(%dma_wait3A_75 : memref<80x64xf32, #tpu.memory_space<vmem>>) dst(%dma_wait3A_81 : memref<10240x64xf32, #tpu.memory_space<vmem_shared>>)
    %dma_wait3A_82 = arith.constant 1 : i32
    %dma_wait3A_83 = arith.constant 0 : i32
    %dma_wait3A_84 = arith.constant 0 : i32
    %dma_wait3A_85 = arith.constant 0 : i32
    %dma_wait3A_86 = tpu.memref_slice %arg8[%dma_wait3A_82, %dma_wait3A_84, %dma_wait3A_85] : memref<5x80x64xf32, #tpu.memory_space<vmem>> -> memref<1x80x64xf32, #tpu.memory_space<vmem>>
    %dma_wait3A_87 = tpu.memref_squeeze %dma_wait3A_86 : memref<1x80x64xf32, #tpu.memory_space<vmem>> -> memref<80x64xf32, #tpu.memory_space<vmem>>
    %dma_wait3A_88 = arith.constant 0 : i32
    %dma_wait3A_89 = tpu.memref_slice %arg7[%dma_wait3A_83, %dma_wait3A_88] : memref<250x80xi32, #tpu.memory_space<vmem>> -> memref<1x80xi32, #tpu.memory_space<vmem>>
    %dma_wait3A_90 = tpu.memref_squeeze %dma_wait3A_89 : memref<1x80xi32, #tpu.memory_space<vmem>> -> memref<80xi32, #tpu.memory_space<vmem>>
    %dma_wait3A_91 = arith.constant 0 : i32
    %dma_wait3A_92 = arith.constant 0 : i32
    %dma_wait3A_93 = tpu.memref_slice %arg10[%dma_wait3A_91, %dma_wait3A_92] : memref<10240x64xf32, #tpu.memory_space<vmem_shared>> -> memref<10240x64xf32, #tpu.memory_space<vmem_shared>>
    tpu.wait_indirect_dma semaphore(%arg17 : memref<!tpu.dma_semaphore, #tpu.memory_space<semaphore_mem>>) src(%dma_wait3A_87 : memref<80x64xf32, #tpu.memory_space<vmem>>) dst(%dma_wait3A_93 : memref<10240x64xf32, #tpu.memory_space<vmem_shared>>)
    %dma_wait3A_94 = arith.constant 2 : i32
    %dma_wait3A_95 = arith.constant 0 : i32
    %dma_wait3A_96 = arith.constant 0 : i32
    %dma_wait3A_97 = arith.constant 0 : i32
    %dma_wait3A_98 = tpu.memref_slice %arg8[%dma_wait3A_94, %dma_wait3A_96, %dma_wait3A_97] : memref<5x80x64xf32, #tpu.memory_space<vmem>> -> memref<1x80x64xf32, #tpu.memory_space<vmem>>
    %dma_wait3A_99 = tpu.memref_squeeze %dma_wait3A_98 : memref<1x80x64xf32, #tpu.memory_space<vmem>> -> memref<80x64xf32, #tpu.memory_space<vmem>>
    %dma_wait3A_100 = arith.constant 0 : i32
    %dma_wait3A_101 = tpu.memref_slice %arg7[%dma_wait3A_95, %dma_wait3A_100] : memref<250x80xi32, #tpu.memory_space<vmem>> -> memref<1x80xi32, #tpu.memory_space<vmem>>
    %dma_wait3A_102 = tpu.memref_squeeze %dma_wait3A_101 : memref<1x80xi32, #tpu.memory_space<vmem>> -> memref<80xi32, #tpu.memory_space<vmem>>
    %dma_wait3A_103 = arith.constant 0 : i32
    %dma_wait3A_104 = arith.constant 0 : i32
    %dma_wait3A_105 = tpu.memref_slice %arg10[%dma_wait3A_103, %dma_wait3A_104] : memref<10240x64xf32, #tpu.memory_space<vmem_shared>> -> memref<10240x64xf32, #tpu.memory_space<vmem_shared>>
    tpu.wait_indirect_dma semaphore(%arg18 : memref<!tpu.dma_semaphore, #tpu.memory_space<semaphore_mem>>) src(%dma_wait3A_99 : memref<80x64xf32, #tpu.memory_space<vmem>>) dst(%dma_wait3A_105 : memref<10240x64xf32, #tpu.memory_space<vmem_shared>>)
    %dma_wait3A_106 = arith.constant 3 : i32
    %dma_wait3A_107 = arith.constant 0 : i32
    %dma_wait3A_108 = arith.constant 0 : i32
    %dma_wait3A_109 = arith.constant 0 : i32
    %dma_wait3A_110 = tpu.memref_slice %arg8[%dma_wait3A_106, %dma_wait3A_108, %dma_wait3A_109] : memref<5x80x64xf32, #tpu.memory_space<vmem>> -> memref<1x80x64xf32, #tpu.memory_space<vmem>>
    %dma_wait3A_111 = tpu.memref_squeeze %dma_wait3A_110 : memref<1x80x64xf32, #tpu.memory_space<vmem>> -> memref<80x64xf32, #tpu.memory_space<vmem>>
    %dma_wait3A_112 = arith.constant 0 : i32
    %dma_wait3A_113 = tpu.memref_slice %arg7[%dma_wait3A_107, %dma_wait3A_112] : memref<250x80xi32, #tpu.memory_space<vmem>> -> memref<1x80xi32, #tpu.memory_space<vmem>>
    %dma_wait3A_114 = tpu.memref_squeeze %dma_wait3A_113 : memref<1x80xi32, #tpu.memory_space<vmem>> -> memref<80xi32, #tpu.memory_space<vmem>>
    %dma_wait3A_115 = arith.constant 0 : i32
    %dma_wait3A_116 = arith.constant 0 : i32
    %dma_wait3A_117 = tpu.memref_slice %arg10[%dma_wait3A_115, %dma_wait3A_116] : memref<10240x64xf32, #tpu.memory_space<vmem_shared>> -> memref<10240x64xf32, #tpu.memory_space<vmem_shared>>
    tpu.wait_indirect_dma semaphore(%arg19 : memref<!tpu.dma_semaphore, #tpu.memory_space<semaphore_mem>>) src(%dma_wait3A_111 : memref<80x64xf32, #tpu.memory_space<vmem>>) dst(%dma_wait3A_117 : memref<10240x64xf32, #tpu.memory_space<vmem_shared>>)
    %dma_wait3A_118 = arith.constant 4 : i32
    %dma_wait3A_119 = arith.constant 0 : i32
    %dma_wait3A_120 = arith.constant 0 : i32
    %dma_wait3A_121 = arith.constant 0 : i32
    %dma_wait3A_122 = tpu.memref_slice %arg8[%dma_wait3A_118, %dma_wait3A_120, %dma_wait3A_121] : memref<5x80x64xf32, #tpu.memory_space<vmem>> -> memref<1x80x64xf32, #tpu.memory_space<vmem>>
    %dma_wait3A_123 = tpu.memref_squeeze %dma_wait3A_122 : memref<1x80x64xf32, #tpu.memory_space<vmem>> -> memref<80x64xf32, #tpu.memory_space<vmem>>
    %dma_wait3A_124 = arith.constant 0 : i32
    %dma_wait3A_125 = tpu.memref_slice %arg7[%dma_wait3A_119, %dma_wait3A_124] : memref<250x80xi32, #tpu.memory_space<vmem>> -> memref<1x80xi32, #tpu.memory_space<vmem>>
    %dma_wait3A_126 = tpu.memref_squeeze %dma_wait3A_125 : memref<1x80xi32, #tpu.memory_space<vmem>> -> memref<80xi32, #tpu.memory_space<vmem>>
    %dma_wait3A_127 = arith.constant 0 : i32
    %dma_wait3A_128 = arith.constant 0 : i32
    %dma_wait3A_129 = tpu.memref_slice %arg10[%dma_wait3A_127, %dma_wait3A_128] : memref<10240x64xf32, #tpu.memory_space<vmem_shared>> -> memref<10240x64xf32, #tpu.memory_space<vmem_shared>>
    tpu.wait_indirect_dma semaphore(%arg20 : memref<!tpu.dma_semaphore, #tpu.memory_space<semaphore_mem>>) src(%dma_wait3A_123 : memref<80x64xf32, #tpu.memory_space<vmem>>) dst(%dma_wait3A_129 : memref<10240x64xf32, #tpu.memory_space<vmem_shared>>)
    %barrier3A_130 = arith.constant 0 : index
    tpu.barrier barrier_id(%barrier3A_130)
    %mul3A_131 = arith.constant 64 : i32
    %mul3A_132 = arith.muli %arg0, %mul3A_131 : i32
    "tpu.region"() ({
      %run_scoped3A = tpu.sem_alloc : memref<!tpu.dma_semaphore, #tpu.memory_space<semaphore_mem>>
      %dma_start3A_133 = tpu.memref_slice %arg5[%mul3A_7, %mul3A_132] : memref<10240x128xf32, #tpu.memory_space<hbm>> -> memref<640x64xf32, #tpu.memory_space<hbm>>
      %dma_start3A_134 = arith.constant 0 : i32
      %dma_start3A_135 = tpu.memref_slice %arg10[%mul3A_7, %dma_start3A_134] : memref<10240x64xf32, #tpu.memory_space<vmem_shared>> -> memref<640x64xf32, #tpu.memory_space<vmem_shared>>
      tpu.enqueue_dma source(%dma_start3A_135 : memref<640x64xf32, #tpu.memory_space<vmem_shared>>) target(%dma_start3A_133 : memref<640x64xf32, #tpu.memory_space<hbm>>) target_semaphore(%run_scoped3A : memref<!tpu.dma_semaphore, #tpu.memory_space<semaphore_mem>>)
      %dma_wait3A_136 = tpu.memref_slice %arg5[%mul3A_7, %mul3A_132] : memref<10240x128xf32, #tpu.memory_space<hbm>> -> memref<640x64xf32, #tpu.memory_space<hbm>>
      %dma_wait3A_137 = arith.constant 0 : i32
      %dma_wait3A_138 = tpu.memref_slice %arg10[%mul3A_7, %dma_wait3A_137] : memref<10240x64xf32, #tpu.memory_space<vmem_shared>> -> memref<640x64xf32, #tpu.memory_space<vmem_shared>>
      tpu.wait_dma2 semaphore(%run_scoped3A : memref<!tpu.dma_semaphore, #tpu.memory_space<semaphore_mem>>) src(%dma_wait3A_138 : memref<640x64xf32, #tpu.memory_space<vmem_shared>>) dst(%dma_wait3A_136 : memref<640x64xf32, #tpu.memory_space<hbm>>)
      tpu.yield
    }) : () -> ()
    return
  }
}

module attributes {stable_mosaic.version = 14 : i64} {
  func.func @_pre_body(%arg0: i32, %arg1: memref<2000x128xf32, #tpu.memory_space<vmem>>, %arg2: memref<2x128x64xf32, #tpu.memory_space<vmem>>, %arg3: memref<128x128xf32, #tpu.memory_space<vmem>>, %arg4: memref<1x128xf32, #tpu.memory_space<vmem>>, %arg5: memref<2x2000x64xf32, #tpu.memory_space<vmem>>, %arg6: memref<2000x128xf32, #tpu.memory_space<vmem>>) attributes {dimension_semantics = [#tpu.dimension_semantics<arbitrary>], iteration_bounds = array<i64: 5>, scalar_prefetch = 0 : i64, scratch_operands = 0 : i64, tpu.core_type = #tpu.core_type<tc>, window_params = [{transform_indices = @transform_0, window_bounds = array<i64: 2000, 128>}, {pipeline_mode = #tpu.pipeline_mode<synchronous>, transform_indices = @transform_1, window_bounds = array<i64: 2, 128, 64>}, {pipeline_mode = #tpu.pipeline_mode<synchronous>, transform_indices = @transform_2, window_bounds = array<i64: 128, 128>}, {pipeline_mode = #tpu.pipeline_mode<synchronous>, transform_indices = @transform_3, window_bounds = array<i64: 1, 128>}, {transform_indices = @transform_4, window_bounds = array<i64: 2, 2000, 64>}, {transform_indices = @transform_5, window_bounds = array<i64: 2000, 128>}]} {
    %get3A = arith.constant 0 : index
    %get3A_0 = arith.constant 0 : index
    %get3A_1 = vector.load %arg1[%get3A, %get3A_0] : memref<2000x128xf32, #tpu.memory_space<vmem>>, vector<2000x128xf32>
    %get3A_2 = arith.constant 0 : index
    %get3A_3 = arith.constant 0 : index
    %get3A_4 = arith.constant 0 : index
    %get3A_5 = vector.load %arg2[%get3A_2, %get3A_3, %get3A_4] : memref<2x128x64xf32, #tpu.memory_space<vmem>>, vector<1x128x64xf32>
    %get3A_6 = vector.shape_cast %get3A_5 : vector<1x128x64xf32> to vector<128x64xf32>
    %dot_general3A = arith.constant dense<0.000000e+00> : vector<2000x64xf32>
    %dot_general3A_7 = tpu.matmul %get3A_1, %get3A_6, %dot_general3A {dimension_numbers = #tpu.dot_dimension_numbers<[1], [0], [0], [1], [0, 0, 1, 1], [], []>, transpose_lhs_hint = false} : vector<2000x128xf32>, vector<128x64xf32>, vector<2000x64xf32> -> vector<2000x64xf32>
    %swap3A = arith.constant 0 : index
    %swap3A_8 = arith.constant 0 : index
    %swap3A_9 = arith.constant 0 : index
    %swap3A_10 = vector.load %arg5[%swap3A, %swap3A_8, %swap3A_9] : memref<2x2000x64xf32, #tpu.memory_space<vmem>>, vector<1x2000x64xf32>
    %swap3A_11 = vector.shape_cast %swap3A_10 : vector<1x2000x64xf32> to vector<2000x64xf32>
    %swap3A_12 = vector.shape_cast %dot_general3A_7 : vector<2000x64xf32> to vector<1x2000x64xf32>
    tpu.vector_store %arg5[%swap3A, %swap3A_8, %swap3A_9], %swap3A_12 {strides = array<i32>} : memref<2x2000x64xf32, #tpu.memory_space<vmem>>, vector<1x2000x64xf32>,
    %get3A_13 = arith.constant 1 : index
    %get3A_14 = arith.constant 0 : index
    %get3A_15 = arith.constant 0 : index
    %get3A_16 = vector.load %arg2[%get3A_13, %get3A_14, %get3A_15] : memref<2x128x64xf32, #tpu.memory_space<vmem>>, vector<1x128x64xf32>
    %get3A_17 = vector.shape_cast %get3A_16 : vector<1x128x64xf32> to vector<128x64xf32>
    %dot_general3A_18 = arith.constant dense<0.000000e+00> : vector<2000x64xf32>
    %dot_general3A_19 = tpu.matmul %get3A_1, %get3A_17, %dot_general3A_18 {dimension_numbers = #tpu.dot_dimension_numbers<[1], [0], [0], [1], [0, 0, 1, 1], [], []>, transpose_lhs_hint = false} : vector<2000x128xf32>, vector<128x64xf32>, vector<2000x64xf32> -> vector<2000x64xf32>
    %swap3A_20 = arith.constant 1 : index
    %swap3A_21 = arith.constant 0 : index
    %swap3A_22 = arith.constant 0 : index
    %swap3A_23 = vector.load %arg5[%swap3A_20, %swap3A_21, %swap3A_22] : memref<2x2000x64xf32, #tpu.memory_space<vmem>>, vector<1x2000x64xf32>
    %swap3A_24 = vector.shape_cast %swap3A_23 : vector<1x2000x64xf32> to vector<2000x64xf32>
    %swap3A_25 = vector.shape_cast %dot_general3A_19 : vector<2000x64xf32> to vector<1x2000x64xf32>
    tpu.vector_store %arg5[%swap3A_20, %swap3A_21, %swap3A_22], %swap3A_25 {strides = array<i32>} : memref<2x2000x64xf32, #tpu.memory_space<vmem>>, vector<1x2000x64xf32>,
    %get3A_26 = arith.constant 0 : index
    %get3A_27 = arith.constant 0 : index
    %get3A_28 = vector.load %arg3[%get3A_26, %get3A_27] : memref<128x128xf32, #tpu.memory_space<vmem>>, vector<128x128xf32>
    %dot_general3A_29 = arith.constant dense<0.000000e+00> : vector<2000x128xf32>
    %dot_general3A_30 = tpu.matmul %get3A_1, %get3A_28, %dot_general3A_29 {dimension_numbers = #tpu.dot_dimension_numbers<[1], [0], [0], [1], [0, 0, 1, 1], [], []>, transpose_lhs_hint = false} : vector<2000x128xf32>, vector<128x128xf32>, vector<2000x128xf32> -> vector<2000x128xf32>
    %get3A_31 = arith.constant 0 : index
    %get3A_32 = arith.constant 0 : index
    %get3A_33 = vector.load %arg4[%get3A_31, %get3A_32] : memref<1x128xf32, #tpu.memory_space<vmem>>, vector<1x128xf32>
    %add3A = vector.broadcast %get3A_33 : vector<1x128xf32> to vector<2000x128xf32>
    %add3A_34 = arith.addf %dot_general3A_30, %add3A : vector<2000x128xf32>
    %swap3A_35 = arith.constant 0 : index
    %swap3A_36 = arith.constant 0 : index
    %swap3A_37 = vector.load %arg6[%swap3A_35, %swap3A_36] : memref<2000x128xf32, #tpu.memory_space<vmem>>, vector<2000x128xf32>
    tpu.vector_store %arg6[%swap3A_35, %swap3A_36], %add3A_34 {strides = array<i32>} : memref<2000x128xf32, #tpu.memory_space<vmem>>, vector<2000x128xf32>,
    return
  }
  func.func @transform_0(%arg0: i32) -> (i32, i32) {
    %c0_i32 = arith.constant 0 : i32
    %c0_i32_0 = arith.constant 0 : i32
    return %arg0, %c0_i32 : i32, i32
  }
  func.func @transform_1(%arg0: i32) -> (i32, i32, i32) {
    %c0_i32 = arith.constant 0 : i32
    %c0_i32_0 = arith.constant 0 : i32
    %c0_i32_1 = arith.constant 0 : i32
    %c0_i32_2 = arith.constant 0 : i32
    return %c0_i32, %c0_i32_0, %c0_i32_1 : i32, i32, i32
  }
  func.func @transform_2(%arg0: i32) -> (i32, i32) {
    %c0_i32 = arith.constant 0 : i32
    %c0_i32_0 = arith.constant 0 : i32
    %c0_i32_1 = arith.constant 0 : i32
    return %c0_i32, %c0_i32_0 : i32, i32
  }
  func.func @transform_3(%arg0: i32) -> (i32, i32) {
    %c0_i32 = arith.constant 0 : i32
    %c0_i32_0 = arith.constant 0 : i32
    %c0_i32_1 = arith.constant 0 : i32
    return %c0_i32, %c0_i32_0 : i32, i32
  }
  func.func @transform_4(%arg0: i32) -> (i32, i32, i32) {
    %c0_i32 = arith.constant 0 : i32
    %c0_i32_0 = arith.constant 0 : i32
    %c0_i32_1 = arith.constant 0 : i32
    return %c0_i32, %arg0, %c0_i32_0 : i32, i32, i32
  }
  func.func @transform_5(%arg0: i32) -> (i32, i32) {
    %c0_i32 = arith.constant 0 : i32
    %c0_i32_0 = arith.constant 0 : i32
    return %arg0, %c0_i32 : i32, i32
  }
}

module attributes {stable_mosaic.version = 14 : i64} {
  func.func @_mid_body(%arg0: i32, %arg1: memref<2000x128xf32, #tpu.memory_space<vmem>>, %arg2: memref<2x2000x16xf32, #tpu.memory_space<vmem>>, %arg3: memref<2000x128xf32, #tpu.memory_space<vmem>>, %arg4: memref<1x128xf32, #tpu.memory_space<vmem>>, %arg5: memref<1x128xf32, #tpu.memory_space<vmem>>, %arg6: memref<1x128xf32, #tpu.memory_space<vmem>>, %arg7: memref<1x128xf32, #tpu.memory_space<vmem>>, %arg8: memref<2x128x64xf32, #tpu.memory_space<vmem>>, %arg9: memref<128x128xf32, #tpu.memory_space<vmem>>, %arg10: memref<1x128xf32, #tpu.memory_space<vmem>>, %arg11: memref<2x2000x64xf32, #tpu.memory_space<vmem>>, %arg12: memref<2000x128xf32, #tpu.memory_space<vmem>>) attributes {dimension_semantics = [#tpu.dimension_semantics<arbitrary>], iteration_bounds = array<i64: 5>, scalar_prefetch = 0 : i64, scratch_operands = 0 : i64, tpu.core_type = #tpu.core_type<tc>, window_params = [{transform_indices = @transform_0, window_bounds = array<i64: 2000, 128>}, {transform_indices = @transform_1, window_bounds = array<i64: 2, 2000, 16>}, {transform_indices = @transform_2, window_bounds = array<i64: 2000, 128>}, {pipeline_mode = #tpu.pipeline_mode<synchronous>, transform_indices = @transform_3, window_bounds = array<i64: 1, 128>}, {pipeline_mode = #tpu.pipeline_mode<synchronous>, transform_indices = @transform_4, window_bounds = array<i64: 1, 128>}, {pipeline_mode = #tpu.pipeline_mode<synchronous>, transform_indices = @transform_5, window_bounds = array<i64: 1, 128>}, {pipeline_mode = #tpu.pipeline_mode<synchronous>, transform_indices = @transform_6, window_bounds = array<i64: 1, 128>}, {pipeline_mode = #tpu.pipeline_mode<synchronous>, transform_indices = @transform_7, window_bounds = array<i64: 2, 128, 64>}, {pipeline_mode = #tpu.pipeline_mode<synchronous>, transform_indices = @transform_8, window_bounds = array<i64: 128, 128>}, {pipeline_mode = #tpu.pipeline_mode<synchronous>, transform_indices = @transform_9, window_bounds = array<i64: 1, 128>}, {transform_indices = @transform_10, window_bounds = array<i64: 2, 2000, 64>}, {transform_indices = @transform_11, window_bounds = array<i64: 2000, 128>}]} {
    %get3A = arith.constant 0 : index
    %get3A_0 = arith.constant 0 : index
    %get3A_1 = arith.constant 0 : index
    %get3A_2 = vector.load %arg2[%get3A, %get3A_0, %get3A_1] : memref<2x2000x16xf32, #tpu.memory_space<vmem>>, vector<1x2000x1xf32>
    %get3A_3 = vector.shape_cast %get3A_2 : vector<1x2000x1xf32> to vector<2000x1xf32>
    %get3A_4 = arith.constant 1 : index
    %get3A_5 = arith.constant 0 : index
    %get3A_6 = arith.constant 0 : index
    %get3A_7 = vector.load %arg2[%get3A_4, %get3A_5, %get3A_6] : memref<2x2000x16xf32, #tpu.memory_space<vmem>>, vector<1x2000x1xf32>
    %get3A_8 = vector.shape_cast %get3A_7 : vector<1x2000x1xf32> to vector<2000x1xf32>
    %add3A = arith.addf %get3A_3, %get3A_8 : vector<2000x1xf32>
    %max3A = arith.constant 1.000000e+00 : f32
    %max3A_9 = vector.broadcast %max3A : f32 to vector<2000x1xf32>
    %max3A_10 = arith.maximumf %add3A, %max3A_9 : vector<2000x1xf32>
    %div3A = arith.constant 1.000000e+00 : f32
    %div3A_11 = vector.broadcast %div3A : f32 to vector<2000x1xf32>
    %div3A_12 = arith.divf %div3A_11, %max3A_10 : vector<2000x1xf32>
    %get3A_13 = arith.constant 0 : index
    %get3A_14 = arith.constant 0 : index
    %get3A_15 = vector.load %arg1[%get3A_13, %get3A_14] : memref<2000x128xf32, #tpu.memory_space<vmem>>, vector<2000x128xf32>
    %mul3A = vector.broadcast %div3A_12 : vector<2000x1xf32> to vector<2000x128xf32>
    %mul3A_16 = arith.mulf %get3A_15, %mul3A : vector<2000x128xf32>
    %get3A_17 = arith.constant 0 : index
    %get3A_18 = arith.constant 0 : index
    %get3A_19 = vector.load %arg3[%get3A_17, %get3A_18] : memref<2000x128xf32, #tpu.memory_space<vmem>>, vector<2000x128xf32>
    %add3A_20 = arith.addf %mul3A_16, %get3A_19 : vector<2000x128xf32>
    %get3A_21 = arith.constant 0 : index
    %get3A_22 = arith.constant 0 : index
    %get3A_23 = vector.load %arg7[%get3A_21, %get3A_22] : memref<1x128xf32, #tpu.memory_space<vmem>>, vector<1x128xf32>
    %add3A_24 = arith.constant 9.99999974E-6 : f32
    %add3A_25 = vector.broadcast %add3A_24 : f32 to vector<1x128xf32>
    %add3A_26 = arith.addf %get3A_23, %add3A_25 : vector<1x128xf32>
    %rsqrt3A = math.rsqrt %add3A_26 : vector<1x128xf32>
    %get3A_27 = arith.constant 0 : index
    %get3A_28 = arith.constant 0 : index
    %get3A_29 = vector.load %arg6[%get3A_27, %get3A_28] : memref<1x128xf32, #tpu.memory_space<vmem>>, vector<1x128xf32>
    %sub3A = vector.broadcast %get3A_29 : vector<1x128xf32> to vector<2000x128xf32>
    %sub3A_30 = arith.subf %add3A_20, %sub3A : vector<2000x128xf32>
    %mul3A_31 = vector.broadcast %rsqrt3A : vector<1x128xf32> to vector<2000x128xf32>
    %mul3A_32 = arith.mulf %sub3A_30, %mul3A_31 : vector<2000x128xf32>
    %get3A_33 = arith.constant 0 : index
    %get3A_34 = arith.constant 0 : index
    %get3A_35 = vector.load %arg4[%get3A_33, %get3A_34] : memref<1x128xf32, #tpu.memory_space<vmem>>, vector<1x128xf32>
    %mul3A_36 = vector.broadcast %get3A_35 : vector<1x128xf32> to vector<2000x128xf32>
    %mul3A_37 = arith.mulf %mul3A_32, %mul3A_36 : vector<2000x128xf32>
    %get3A_38 = arith.constant 0 : index
    %get3A_39 = arith.constant 0 : index
    %get3A_40 = vector.load %arg5[%get3A_38, %get3A_39] : memref<1x128xf32, #tpu.memory_space<vmem>>, vector<1x128xf32>
    %add3A_41 = vector.broadcast %get3A_40 : vector<1x128xf32> to vector<2000x128xf32>
    %add3A_42 = arith.addf %mul3A_37, %add3A_41 : vector<2000x128xf32>
    %max3A_43 = arith.constant 0.000000e+00 : f32
    %max3A_44 = vector.broadcast %max3A_43 : f32 to vector<2000x128xf32>
    %max3A_45 = arith.maximumf %add3A_42, %max3A_44 : vector<2000x128xf32>
    %get3A_46 = arith.constant 0 : index
    %get3A_47 = arith.constant 0 : index
    %get3A_48 = arith.constant 0 : index
    %get3A_49 = vector.load %arg8[%get3A_46, %get3A_47, %get3A_48] : memref<2x128x64xf32, #tpu.memory_space<vmem>>, vector<1x128x64xf32>
    %get3A_50 = vector.shape_cast %get3A_49 : vector<1x128x64xf32> to vector<128x64xf32>
    %dot_general3A = arith.constant dense<0.000000e+00> : vector<2000x64xf32>
    %dot_general3A_51 = tpu.matmul %max3A_45, %get3A_50, %dot_general3A {dimension_numbers = #tpu.dot_dimension_numbers<[1], [0], [0], [1], [0, 0, 1, 1], [], []>, transpose_lhs_hint = false} : vector<2000x128xf32>, vector<128x64xf32>, vector<2000x64xf32> -> vector<2000x64xf32>
    %swap3A = arith.constant 0 : index
    %swap3A_52 = arith.constant 0 : index
    %swap3A_53 = arith.constant 0 : index
    %swap3A_54 = vector.load %arg11[%swap3A, %swap3A_52, %swap3A_53] : memref<2x2000x64xf32, #tpu.memory_space<vmem>>, vector<1x2000x64xf32>
    %swap3A_55 = vector.shape_cast %swap3A_54 : vector<1x2000x64xf32> to vector<2000x64xf32>
    %swap3A_56 = vector.shape_cast %dot_general3A_51 : vector<2000x64xf32> to vector<1x2000x64xf32>
    tpu.vector_store %arg11[%swap3A, %swap3A_52, %swap3A_53], %swap3A_56 {strides = array<i32>} : memref<2x2000x64xf32, #tpu.memory_space<vmem>>, vector<1x2000x64xf32>,
    %get3A_57 = arith.constant 1 : index
    %get3A_58 = arith.constant 0 : index
    %get3A_59 = arith.constant 0 : index
    %get3A_60 = vector.load %arg8[%get3A_57, %get3A_58, %get3A_59] : memref<2x128x64xf32, #tpu.memory_space<vmem>>, vector<1x128x64xf32>
    %get3A_61 = vector.shape_cast %get3A_60 : vector<1x128x64xf32> to vector<128x64xf32>
    %dot_general3A_62 = arith.constant dense<0.000000e+00> : vector<2000x64xf32>
    %dot_general3A_63 = tpu.matmul %max3A_45, %get3A_61, %dot_general3A_62 {dimension_numbers = #tpu.dot_dimension_numbers<[1], [0], [0], [1], [0, 0, 1, 1], [], []>, transpose_lhs_hint = false} : vector<2000x128xf32>, vector<128x64xf32>, vector<2000x64xf32> -> vector<2000x64xf32>
    %swap3A_64 = arith.constant 1 : index
    %swap3A_65 = arith.constant 0 : index
    %swap3A_66 = arith.constant 0 : index
    %swap3A_67 = vector.load %arg11[%swap3A_64, %swap3A_65, %swap3A_66] : memref<2x2000x64xf32, #tpu.memory_space<vmem>>, vector<1x2000x64xf32>
    %swap3A_68 = vector.shape_cast %swap3A_67 : vector<1x2000x64xf32> to vector<2000x64xf32>
    %swap3A_69 = vector.shape_cast %dot_general3A_63 : vector<2000x64xf32> to vector<1x2000x64xf32>
    tpu.vector_store %arg11[%swap3A_64, %swap3A_65, %swap3A_66], %swap3A_69 {strides = array<i32>} : memref<2x2000x64xf32, #tpu.memory_space<vmem>>, vector<1x2000x64xf32>,
    %get3A_70 = arith.constant 0 : index
    %get3A_71 = arith.constant 0 : index
    %get3A_72 = vector.load %arg9[%get3A_70, %get3A_71] : memref<128x128xf32, #tpu.memory_space<vmem>>, vector<128x128xf32>
    %dot_general3A_73 = arith.constant dense<0.000000e+00> : vector<2000x128xf32>
    %dot_general3A_74 = tpu.matmul %max3A_45, %get3A_72, %dot_general3A_73 {dimension_numbers = #tpu.dot_dimension_numbers<[1], [0], [0], [1], [0, 0, 1, 1], [], []>, transpose_lhs_hint = false} : vector<2000x128xf32>, vector<128x128xf32>, vector<2000x128xf32> -> vector<2000x128xf32>
    %get3A_75 = arith.constant 0 : index
    %get3A_76 = arith.constant 0 : index
    %get3A_77 = vector.load %arg10[%get3A_75, %get3A_76] : memref<1x128xf32, #tpu.memory_space<vmem>>, vector<1x128xf32>
    %add3A_78 = vector.broadcast %get3A_77 : vector<1x128xf32> to vector<2000x128xf32>
    %add3A_79 = arith.addf %dot_general3A_74, %add3A_78 : vector<2000x128xf32>
    %swap3A_80 = arith.constant 0 : index
    %swap3A_81 = arith.constant 0 : index
    %swap3A_82 = vector.load %arg12[%swap3A_80, %swap3A_81] : memref<2000x128xf32, #tpu.memory_space<vmem>>, vector<2000x128xf32>
    tpu.vector_store %arg12[%swap3A_80, %swap3A_81], %add3A_79 {strides = array<i32>} : memref<2000x128xf32, #tpu.memory_space<vmem>>, vector<2000x128xf32>,
    return
  }
  func.func @transform_0(%arg0: i32) -> (i32, i32) {
    %c0_i32 = arith.constant 0 : i32
    %c0_i32_0 = arith.constant 0 : i32
    return %arg0, %c0_i32 : i32, i32
  }
  func.func @transform_1(%arg0: i32) -> (i32, i32, i32) {
    %c0_i32 = arith.constant 0 : i32
    %c0_i32_0 = arith.constant 0 : i32
    %c0_i32_1 = arith.constant 0 : i32
    return %c0_i32, %arg0, %c0_i32_0 : i32, i32, i32
  }
  func.func @transform_2(%arg0: i32) -> (i32, i32) {
    %c0_i32 = arith.constant 0 : i32
    %c0_i32_0 = arith.constant 0 : i32
    return %arg0, %c0_i32 : i32, i32
  }
  func.func @transform_3(%arg0: i32) -> (i32, i32) {
    %c0_i32 = arith.constant 0 : i32
    %c0_i32_0 = arith.constant 0 : i32
    %c0_i32_1 = arith.constant 0 : i32
    return %c0_i32, %c0_i32_0 : i32, i32
  }
  func.func @transform_4(%arg0: i32) -> (i32, i32) {
    %c0_i32 = arith.constant 0 : i32
    %c0_i32_0 = arith.constant 0 : i32
    %c0_i32_1 = arith.constant 0 : i32
    return %c0_i32, %c0_i32_0 : i32, i32
  }
  func.func @transform_5(%arg0: i32) -> (i32, i32) {
    %c0_i32 = arith.constant 0 : i32
    %c0_i32_0 = arith.constant 0 : i32
    %c0_i32_1 = arith.constant 0 : i32
    return %c0_i32, %c0_i32_0 : i32, i32
  }
  func.func @transform_6(%arg0: i32) -> (i32, i32) {
    %c0_i32 = arith.constant 0 : i32
    %c0_i32_0 = arith.constant 0 : i32
    %c0_i32_1 = arith.constant 0 : i32
    return %c0_i32, %c0_i32_0 : i32, i32
  }
  func.func @transform_7(%arg0: i32) -> (i32, i32, i32) {
    %c0_i32 = arith.constant 0 : i32
    %c0_i32_0 = arith.constant 0 : i32
    %c0_i32_1 = arith.constant 0 : i32
    %c0_i32_2 = arith.constant 0 : i32
    return %c0_i32, %c0_i32_0, %c0_i32_1 : i32, i32, i32
  }
  func.func @transform_8(%arg0: i32) -> (i32, i32) {
    %c0_i32 = arith.constant 0 : i32
    %c0_i32_0 = arith.constant 0 : i32
    %c0_i32_1 = arith.constant 0 : i32
    return %c0_i32, %c0_i32_0 : i32, i32
  }
  func.func @transform_9(%arg0: i32) -> (i32, i32) {
    %c0_i32 = arith.constant 0 : i32
    %c0_i32_0 = arith.constant 0 : i32
    %c0_i32_1 = arith.constant 0 : i32
    return %c0_i32, %c0_i32_0 : i32, i32
  }
  func.func @transform_10(%arg0: i32) -> (i32, i32, i32) {
    %c0_i32 = arith.constant 0 : i32
    %c0_i32_0 = arith.constant 0 : i32
    %c0_i32_1 = arith.constant 0 : i32
    return %c0_i32, %arg0, %c0_i32_0 : i32, i32, i32
  }
  func.func @transform_11(%arg0: i32) -> (i32, i32) {
    %c0_i32 = arith.constant 0 : i32
    %c0_i32_0 = arith.constant 0 : i32
    return %arg0, %c0_i32 : i32, i32
  }
}

module attributes {stable_mosaic.version = 14 : i64} {
  func.func @_fin_body(%arg0: i32, %arg1: memref<2000x128xf32, #tpu.memory_space<vmem>>, %arg2: memref<2x2000x16xf32, #tpu.memory_space<vmem>>, %arg3: memref<2000x128xf32, #tpu.memory_space<vmem>>, %arg4: memref<128x128xf32, #tpu.memory_space<vmem>>, %arg5: memref<1x128xf32, #tpu.memory_space<vmem>>, %arg6: memref<2000x128xf32, #tpu.memory_space<vmem>>) attributes {dimension_semantics = [#tpu.dimension_semantics<arbitrary>], iteration_bounds = array<i64: 5>, scalar_prefetch = 0 : i64, scratch_operands = 0 : i64, tpu.core_type = #tpu.core_type<tc>, window_params = [{transform_indices = @transform_0, window_bounds = array<i64: 2000, 128>}, {transform_indices = @transform_1, window_bounds = array<i64: 2, 2000, 16>}, {transform_indices = @transform_2, window_bounds = array<i64: 2000, 128>}, {pipeline_mode = #tpu.pipeline_mode<synchronous>, transform_indices = @transform_3, window_bounds = array<i64: 128, 128>}, {pipeline_mode = #tpu.pipeline_mode<synchronous>, transform_indices = @transform_4, window_bounds = array<i64: 1, 128>}, {transform_indices = @transform_5, window_bounds = array<i64: 2000, 128>}]} {
    %get3A = arith.constant 0 : index
    %get3A_0 = arith.constant 0 : index
    %get3A_1 = arith.constant 0 : index
    %get3A_2 = vector.load %arg2[%get3A, %get3A_0, %get3A_1] : memref<2x2000x16xf32, #tpu.memory_space<vmem>>, vector<1x2000x1xf32>
    %get3A_3 = vector.shape_cast %get3A_2 : vector<1x2000x1xf32> to vector<2000x1xf32>
    %get3A_4 = arith.constant 1 : index
    %get3A_5 = arith.constant 0 : index
    %get3A_6 = arith.constant 0 : index
    %get3A_7 = vector.load %arg2[%get3A_4, %get3A_5, %get3A_6] : memref<2x2000x16xf32, #tpu.memory_space<vmem>>, vector<1x2000x1xf32>
    %get3A_8 = vector.shape_cast %get3A_7 : vector<1x2000x1xf32> to vector<2000x1xf32>
    %add3A = arith.addf %get3A_3, %get3A_8 : vector<2000x1xf32>
    %max3A = arith.constant 1.000000e+00 : f32
    %max3A_9 = vector.broadcast %max3A : f32 to vector<2000x1xf32>
    %max3A_10 = arith.maximumf %add3A, %max3A_9 : vector<2000x1xf32>
    %div3A = arith.constant 1.000000e+00 : f32
    %div3A_11 = vector.broadcast %div3A : f32 to vector<2000x1xf32>
    %div3A_12 = arith.divf %div3A_11, %max3A_10 : vector<2000x1xf32>
    %get3A_13 = arith.constant 0 : index
    %get3A_14 = arith.constant 0 : index
    %get3A_15 = vector.load %arg1[%get3A_13, %get3A_14] : memref<2000x128xf32, #tpu.memory_space<vmem>>, vector<2000x128xf32>
    %mul3A = vector.broadcast %div3A_12 : vector<2000x1xf32> to vector<2000x128xf32>
    %mul3A_16 = arith.mulf %get3A_15, %mul3A : vector<2000x128xf32>
    %get3A_17 = arith.constant 0 : index
    %get3A_18 = arith.constant 0 : index
    %get3A_19 = vector.load %arg3[%get3A_17, %get3A_18] : memref<2000x128xf32, #tpu.memory_space<vmem>>, vector<2000x128xf32>
    %add3A_20 = arith.addf %mul3A_16, %get3A_19 : vector<2000x128xf32>
    %get3A_21 = arith.constant 0 : index
    %get3A_22 = arith.constant 0 : index
    %get3A_23 = vector.load %arg4[%get3A_21, %get3A_22] : memref<128x128xf32, #tpu.memory_space<vmem>>, vector<128x128xf32>
    %dot_general3A = arith.constant dense<0.000000e+00> : vector<2000x128xf32>
    %dot_general3A_24 = tpu.matmul %add3A_20, %get3A_23, %dot_general3A {dimension_numbers = #tpu.dot_dimension_numbers<[1], [0], [0], [1], [0, 0, 1, 1], [], []>, transpose_lhs_hint = false} : vector<2000x128xf32>, vector<128x128xf32>, vector<2000x128xf32> -> vector<2000x128xf32>
    %get3A_25 = arith.constant 0 : index
    %get3A_26 = arith.constant 0 : index
    %get3A_27 = vector.load %arg5[%get3A_25, %get3A_26] : memref<1x128xf32, #tpu.memory_space<vmem>>, vector<1x128xf32>
    %add3A_28 = vector.broadcast %get3A_27 : vector<1x128xf32> to vector<2000x128xf32>
    %add3A_29 = arith.addf %dot_general3A_24, %add3A_28 : vector<2000x128xf32>
    %swap3A = arith.constant 0 : index
    %swap3A_30 = arith.constant 0 : index
    %swap3A_31 = vector.load %arg6[%swap3A, %swap3A_30] : memref<2000x128xf32, #tpu.memory_space<vmem>>, vector<2000x128xf32>
    tpu.vector_store %arg6[%swap3A, %swap3A_30], %add3A_29 {strides = array<i32>} : memref<2000x128xf32, #tpu.memory_space<vmem>>, vector<2000x128xf32>,
    return
  }
  func.func @transform_0(%arg0: i32) -> (i32, i32) {
    %c0_i32 = arith.constant 0 : i32
    %c0_i32_0 = arith.constant 0 : i32
    return %arg0, %c0_i32 : i32, i32
  }
  func.func @transform_1(%arg0: i32) -> (i32, i32, i32) {
    %c0_i32 = arith.constant 0 : i32
    %c0_i32_0 = arith.constant 0 : i32
    %c0_i32_1 = arith.constant 0 : i32
    return %c0_i32, %arg0, %c0_i32_0 : i32, i32, i32
  }
  func.func @transform_2(%arg0: i32) -> (i32, i32) {
    %c0_i32 = arith.constant 0 : i32
    %c0_i32_0 = arith.constant 0 : i32
    return %arg0, %c0_i32 : i32, i32
  }
  func.func @transform_3(%arg0: i32) -> (i32, i32) {
    %c0_i32 = arith.constant 0 : i32
    %c0_i32_0 = arith.constant 0 : i32
    %c0_i32_1 = arith.constant 0 : i32
    return %c0_i32, %c0_i32_0 : i32, i32
  }
  func.func @transform_4(%arg0: i32) -> (i32, i32) {
    %c0_i32 = arith.constant 0 : i32
    %c0_i32_0 = arith.constant 0 : i32
    %c0_i32_1 = arith.constant 0 : i32
    return %c0_i32, %c0_i32_0 : i32, i32
  }
  func.func @transform_5(%arg0: i32) -> (i32, i32) {
    %c0_i32 = arith.constant 0 : i32
    %c0_i32_0 = arith.constant 0 : i32
    return %arg0, %c0_i32 : i32, i32
  }
}

</mosaic_0001>

<sc_bundles>
// kernel: kernel.11.cloned.1.call-start
scs
__scs_entry_jumppad:
0x0: {  	(pc) =	sbr.rel $0x88, $3  }
0x1: {  	(tag) =	ssettag $0x0;
	lr =	simm.s32 $0x1  }
0x2: {  	[smem:$0x3F93] =	sst lr;
	_ =	strace $0xD0000000  }
0x3: {  	_ = 	snop  }
0x4: {  	_ = 	snop  }
0x5: {  	_ = 	snop  }
0x6: {  	_ = 	snop  }
0x7: {  	_ = 	snop  }
__scs_overlays_trampoline_lowered:
0x8: {  	[smem:$0x3FA2] =	sst s0  }
0x9: {  	[smem:$0x3FA3] =	sst s1  }
0xa: {  	[smem:$0x3FA4] =	sst s2  }
0xb: {  	[smem:$0x3FA5] =	sst s3  }
0xc: {  	[smem:$0x3FA6] =	sst s4  }
0xd: {  	[smem:$0x3FA7] =	sst s5  }
0xe: {  	[smem:$0x3FA8] =	sst s6  }
0xf: {  	[smem:$0x3FA9] =	sst s7  }
0x10: {  	[smem:$0x3FAA] =	sst s8  }
0x11: {  	[smem:$0x3FAB] =	sst s9;
	s0 =	simm.s32 @!p0 $0x0  }
0x12: {  	s1 =	sld [smem:$0x3F91];
	s0 =	simm.s32 @p0 $0x1  }
0x13: {  	[smem:$0x3FAC] =	sst s0;
	s0 =	simm.s32 @!p1 $0x0  }
0x14: {  	s2 =	sld [smem:$0x3F90];
	s0 =	simm.s32 @p1 $0x1  }
0x15: {  	[smem:$0x3FAD] =	sst s0;
	s0 =	simm.s32 @!p2 $0x0  }
0x16: {  	s3 =	sld [smem:$0x3FDB];
	s0 =	simm.s32 @p2 $0x1  }
0x17: {  	s4 =	simm.s32 $0x1BF5;
	[smem:$0x3FAF] =	sst s0  }
0x18: {  	s0 =	sld [smem:$0x3F92];
	_ =	swait.ge [sflag:s4], $0x0  }
0x19: {  	s7 =	sld [smem:$0x3F93]  }
0x1a: {  	s8 =	sadd.s32 $0xFFFFE003, lr  }
0x1b: {  	s9 =	sadd.s32 $0xFFFFFEF7, lr;
	s5 =	simm.s32 $0xFFFFFFFF;
	p2 =	slt.u32 s8, $0xFFFFF086  }
0x1c: {  	p1 =	slt.u32 s9, $0xF7A;
	s5 =	simm.s32 @!p2 $0x0  }
0x1d: {  	s5 =	simm.s32 @p1 $0x1;
	p0 =	seq.s32 s7, s2  }
0x1e: {  	s7 =	smul.u32 @!p0 $0xF7A, s2;
	p2 =	seq.s32 @!p0 s5, $0x0  }
0x1f: {  	s9 =	smul.u32 $0xF7A, s1;
	s8 =	simm.s32 @!p0 $0x1BF5;
	p2 =	por !p2, p0  }
0x20: {  	[sflag:s8] =	ssyncset.s32 @!p0 $0xFFFFF086;
	s6 =	sadd.s32 @!p0 s3, s7;
	s7 =	simm.s32 @!p0 $0x108  }
0x21: {  	s3 =	sadd.s32 s3, s9;
	s6 =	sadd.s32 @!p0 $0x88, s6;
	s7 =	simm.s32 @p2 $0x1082  }
0x22: {  	[simem:s7], [sflag:s8] =	dma.local @!p0 [hbm:s6], $0xF7A  }
0x23: {  	s9 =	sor.u32 $0xD0000000, s2;
	s6 =	simm.s32 $0x108;
	_ =	swait.ge @!p0 [sflag:s8], $0x0  }
0x24: {  	s3 =	sadd.s32 $0x88, s3;
	s6 =	simm.s32 @!p1 $0x1082;
	[sflag:s4] =	ssyncset.s32 $0xFFFFF086  }
0x25: {  	[simem:s6], [sflag:s4] =	dma.local [hbm:s3], $0xF7A  }
0x26: {  	[smem:$0x3F93] =	sst s1;
	(tag) =	ssettag s2;
	_ =	strace s9  }
0x27: {  	s1 =	sld [smem:$0x3FA3]  }
0x28: {  	s2 =	sld [smem:$0x3FA4]  }
0x29: {  	s4 =	sld [smem:$0x3FA6]  }
0x2a: {  	p0 =	seq.s32 s5, $0x0;
	s5 =	sld [smem:$0x3FA7]  }
0x2b: {  	s6 =	sld [smem:$0x3FA8]  }
0x2c: {  	s7 =	sld [smem:$0x3FA9]  }
0x2d: {  	s3 =	simm.s32 $0x108;
	s8 =	sld [smem:$0x3FAA]  }
0x2e: {  	s3 =	simm.s32 @!p0 $0x1082;
	s9 =	sld [smem:$0x3FAB]  }
0x2f: {  	lr =	sadd.s32 s0, s3;
	s0 =	sld [smem:$0x3FA2]  }
0x30: {  	s3 =	sld [smem:$0x3FA5]  }
0x31: {  	[smem:$0x3FAE] =	sst s10  }
0x32: {  	s10 =	sld [smem:$0x3FAC];
	_ =	sdelay $0x3  }
0x33: {  	p0 =	seq.s32 s10, $0x1;
	s10 =	sld [smem:$0x3FAE];
	_ =	sdelay $0x3  }
0x34: {  	[smem:$0x3FAE] =	sst s10  }
0x35: {  	s10 =	sld [smem:$0x3FAD];
	_ =	sdelay $0x3  }
0x36: {  	p1 =	seq.s32 s10, $0x1;
	s10 =	sld [smem:$0x3FAE];
	_ =	sdelay $0x3  }
0x37: {  	[smem:$0x3FAE] =	sst s10  }
0x38: {  	s10 =	sld [smem:$0x3FAF]  }
0x39: {  	_ = 	snop;
	(pc) =	sbr.ind lr, $3  }
0x3a: {  	_ = 	snop  }
0x3b: {  	_ = 	snop  }
0x3c: {  	p2 =	seq.s32 s10, $0x1;
	s10 =	sld [smem:$0x3FAE]  }
0x3d: {  	_ =	shalt  }
0x3e: {  	_ =	shalt  }
0x3f: {  	_ =	shalt  }
0x40: {  	_ =	shalt  }
0x41: {  	_ =	shalt  }
0x42: {  	_ =	shalt  }
0x43: {  	_ =	shalt  }
0x44: {  	_ =	shalt  }
0x45: {  	_ =	shalt  }
0x46: {  	_ =	shalt  }
0x47: {  	_ =	shalt  }
0x48: {  	_ =	shalt  }
0x49: {  	_ =	shalt  }
0x4a: {  	_ =	shalt  }
0x4b: {  	_ =	shalt  }
0x4c: {  	_ =	shalt  }
0x4d: {  	_ =	shalt  }
0x4e: {  	_ =	shalt  }
0x4f: {  	_ =	shalt  }
0x50: {  	_ =	shalt  }
0x51: {  	_ =	shalt  }
0x52: {  	_ =	shalt  }
0x53: {  	_ =	shalt  }
0x54: {  	_ =	shalt  }
0x55: {  	_ =	shalt  }
0x56: {  	_ =	shalt  }
0x57: {  	_ =	shalt  }
0x58: {  	_ =	shalt  }
0x59: {  	_ =	shalt  }
0x5a: {  	_ =	shalt  }
0x5b: {  	_ =	shalt  }
0x5c: {  	_ =	shalt  }
0x5d: {  	_ =	shalt  }
0x5e: {  	_ =	shalt  }
0x5f: {  	_ =	shalt  }
0x60: {  	_ =	shalt  }
0x61: {  	_ =	shalt  }
0x62: {  	_ =	shalt  }
0x63: {  	_ =	shalt  }
0x64: {  	_ =	shalt  }
0x65: {  	_ =	shalt  }
0x66: {  	_ =	shalt  }
0x67: {  	_ =	shalt  }
0x68: {  	_ =	shalt  }
0x69: {  	_ =	shalt  }
0x6a: {  	_ =	shalt  }
0x6b: {  	_ =	shalt  }
0x6c: {  	_ =	shalt  }
0x6d: {  	_ =	shalt  }
0x6e: {  	_ =	shalt  }
0x6f: {  	_ =	shalt  }
0x70: {  	_ =	shalt  }
0x71: {  	_ =	shalt  }
0x72: {  	_ =	shalt  }
0x73: {  	_ =	shalt  }
0x74: {  	_ =	shalt  }
0x75: {  	_ =	shalt  }
0x76: {  	_ =	shalt  }
0x77: {  	_ =	shalt  }
0x78: {  	_ =	shalt  }
0x79: {  	_ =	shalt  }
0x7a: {  	_ =	shalt  }
0x7b: {  	_ =	shalt  }
0x7c: {  	_ =	shalt  }
0x7d: {  	_ =	shalt  }
0x7e: {  	_ =	shalt  }
0x7f: {  	_ =	shalt  }
0x80: {  	_ =	shalt  }
0x81: {  	_ =	shalt  }
0x82: {  	_ =	shalt  }
0x83: {  	_ =	shalt  }
0x84: {  	_ =	shalt  }
0x85: {  	_ =	shalt  }
0x86: {  	_ =	shalt  }
0x87: {  	_ =	shalt  }
.Lfunc_end0:
.L_simem_size_0:
called_computation.1_lowered:
.L_overlay_start_0:
0x88: {  	s2 =	sld [smem:$0x3FD9]  }
0x89: {  	s3 =	sld [smem:$0x3FFE];
	_ =	sdelay $0x1  }
0x8a: {  	s1 =	srdreg.scid  }
0x8b: {  	s0 =	sand.u32 $0x1, s1  }
0x8c: {  	s17 =	sshll.u32 s0, $0xA;
	s2 =	sadd.s32 s3, s2  }
0x8d: {  	s2 =	sadd.s32 s2, s17  }
0x8e: {  	[smem:$0x3FBA] =	sst s2  }
0x8f: {  	_ = 	snop  }
0x90: {  	s18 =	sld [smem:$0x3FD0];
	(tm) =	ssettm $0x1  }
0x91: {  	s19 =	sld [smem:$0x3FFB];
	_ =	sdelay $0x3  }
0x92: {  	_ =	strace s19  }
0x93: {  	s2 =	sld [smem:$0x3FFC];
	_ =	sdelay $0x3  }
0x94: {  	_ =	strace s2  }
0x95: {  	s2 =	sld [smem:$0x3FFD];
	_ =	sdelay $0x3  }
0x96: {  	_ =	strace s2  }
0x97: {  	_ =	strace $0x8FFFFFFF  }
0x98: {  	s20 =	sld [smem:$0x3FDB];
	_ =	sdelay $0x1  }
0x99: {  	s4 =	simm.s32 $_scs_section_size  }
0x9a: {  	s5 =	simm.s32 $_size__tile_overlayer_lowered;
	s6 =	simm.s32 $_tile_overlayer_lowered  }
0x9b: {  	s7 =	simm.s32 $0x1BFF;
	s21 =	sshll.u32 s6, $0x1;
	s4 =	sadd.s32 s4, s20  }
0x9c: {  	s22 =	simm.s32 $0x0;
	s5 =	sshll.u32 s5, $0x1;
	s6 =	sadd.s32 s21, s4  }
0x9d: {  	[timem:s22], [sflag:s7] =	dma.local [hbm:s6], s5  }
0x9e: {  	_ =	swait.ge [sflag:s7], s5  }
0x9f: {  	s5 =	ssub.s32 $0x0, s5;
	[sflag:s7] =	ssyncset.done $0x0  }
0xa0: {  	[sflag:s7] =	ssyncadd.s32 s5;
	_ =	sdelay $0x1  }
0xa1: {  	s23 =	simm.s32 $0x1B8B  }
0xa2: {  	_ =	swait.ge [sflag:s23], $0x1  }
0xa3: {  	[sflag:s23] =	ssyncset.done $0x0  }
0xa4: {  	[sflag:s23] =	ssyncadd.s32 $0xFFFFFFFF  }
0xa5: {  	s5 =	sld [smem:$0x0]  }
0xa6: {  	s6 =	sand.u32 $0xFFFFFFFE, s1  }
0xa7: {  	p0 =	sne.s32 s1, s6  }
0xa8: {  	s6 =	sshll.u32 @p0 s6, $0xE  }
0xa9: {  	s6 =	sadd.s32 @p0 $0x11B8D, s6;
	s7 =	sshll.u32 @p0 s5, $0x11  }
0xaa: {  	s6 =	sor.u32 @p0 s7, s6  }
0xab: {  	[sflag:s6] =	ssyncadd.remote.s32 @p0 $0x1;
	_ =	sdelay $0x1  }
0xac: {  	s6 =	simm.s32 @p0 $0x1B8D  }
0xad: {  	_ =	swait.eq @p0 [sflag:s6], $0x1  }
0xae: {  	[sflag:s6] =	ssyncadd.s32 @p0 $0xFFFFFFFF  }
0xaf: {  	s7 =	sshll.u32 @!p0 s1, $0xE  }
0xb0: {  	s7 =	sor.u32 @!p0 $0x4000, s7;
	s6 =	simm.s32 @!p0 $0x1B8D  }
0xb1: {  	s5 =	sshll.u32 @!p0 s5, $0x11;
	s7 =	sadd.s32 @!p0 $0x11B8D, s7;
	_ =	swait.eq @!p0 [sflag:s6], $0x1  }
0xb2: {  	s5 =	sor.u32 @!p0 s5, s7;
	[sflag:s6] =	ssyncadd.s32 @!p0 $0xFFFFFFFF  }
0xb3: {  	s25 =	simm.s32 $0x1B8E;
	s24 =	sld [smem:$0x3FFE];
	[sflag:s5] =	ssyncadd.remote.s32 @!p0 $0x1  }
0xb4: {  	s26 =	simm.s32 $execute0_lowered;
	[smem:$0x3FD2] =	sst s25  }
0xb5: {  	s6 =	sshll.u32 s26, $0x1;
	_ =	strace $0x80000049;
	[dreg:$0x1] =	wrdreg $0xFFFFFFFF  }
0xb6: {  	s28 =	simm.s32 $_size_execute0_lowered;
	s4 =	sadd.s32 s4, s6;
	[dreg:$0x0] =	wrdreg $0x0  }
0xb7: {  	s6 =	sshll.u32 s28, $0x1;
	[dreg:$0x2] =	wrdreg s4  }
0xb8: {  	[dreg:$0x3] =	wrdreg s6  }
0xb9: {  	[dreg:$0x4] =	wrdreg $0xC0  }
0xba: {  	_ =	task [dreg:s22], $0x5FFFF  }
0xbb: {  	[dreg:$0x1] =	wrdreg $0xFFFFFFFF  }
0xbc: {  	[dreg:$0x0] =	wrdreg $0x60  }
0xbd: {  	[dreg:$0x2] =	wrdreg s24  }
0xbe: {  	[dreg:$0x3] =	wrdreg s18  }
0xbf: {  	[dreg:$0x4] =	wrdreg $0x120400  }
0xc0: {  	[dreg:$0x5] =	wrdreg $0xA  }
0xc1: {  	_ =	task.clear_ibuf [dreg:s22], $0x6FFFF;
	_ =	strace $0x90000049  }
0xc2: {  	s29 =	simm.s32 $0xA;
	_ =	strace $0x8000004B  }
0xc3: {  	_ =	swait.ge [sflag:s29], $0x1  }
0xc4: {  	[sflag:s29] =	ssyncadd.s32 $0xFFFFFFFF  }
0xc5: {  	_ =	strace $0x9000004B  }
0xc6: {  	_ =	sfence  }
0xc7: {  	s30 =	sld [smem:$0x0];
	_ =	sdelay $0x2  }
0xc8: {  	s31 =	sshll.u32 s1, $0xD;
	s1 =	sshrl.u32 s1, $0x2  }
0xc9: {  	s4 =	sand.u32 $0x4000, s31;
	s1 =	sadd.s32 s1, s30  }
0xca: {  	s0 =	sor.u32 s4, s0;
	s1 =	sshll.u32 s1, $0x11  }
0xcb: {  	s0 =	sor.u32 s1, s0  }
0xcc: {  	s0 =	sadd.s32 $0x8F2B, s0  }
0xcd: {  	[sflag:s0] =	ssyncadd.remote.s32 $0x1  }
0xce: {  	_ =	sfence.sel $0xFFFF  }
0xcf: {  	[dreg:$0x0] =	wrdreg $0xFFFFFFFF;
	(pc) =	sbr.abs _section_cstart, $3  }
0xd0: {  	[dreg:$0x1] =	wrdreg $0xFFFFFFFF  }
0xd1: {  	_ =	task.clear_ibuf [dreg:s22], $0x2FFFF;
	_ =	strace $0x9FFFFFFF  }
0xd2: {  	(tm) =	ssettm $0x7FFFFFFF  }
0xd3: {  	_ =	shalt  }
tec
execute0_lowered:
.L_overlay_start_1:
0x0: {  	(tag) =	ssettag $0x1  }
0x1: {  	s1 =	rddreg [dreg:$0x0]  }
0x2: {  	s0 =	srdreg.scid;
	s2 =	rddreg [dreg:$0x1]  }
0x3: {  	s8 =	stileid.u32;
	s3 =	rddreg [dreg:$0x2]  }
0x4: {  	s6 =	simm.s32 $0x0;
	s14 =	simm.s32 $0xB;
	s15 =	simm.s32 $0x4E20  }
0x5: {  	s16 =	simm.s32 $0x10040;
	s17 =	simm.s32 $0x50;
	s18 =	simm.s32 $0x9C40  }
0x6: {  	s19 =	simm.s32 $0xB040;
	s28 =	simm.s32 $0x2;
	s4 =	smul.u32 $0x4E20, s8  }
0x7: {  	s30 =	simm.s32 $0x6;
	s31 =	simm.s32 $0x8;
	s20 =	smul.u32 $0x14000, s8  }
0x8: {  	s29 =	simm.s32 $0xA;
	s0 =	sand.u32 $0x1, s0;
	s21 =	smul.u32 $0x28000, s8  }
0x9: {  	[smem:$0x7FF] =	sst s6;
	s5 =	smul.u32 $0x4E200, s0;
	s7 =	sshll.u32 s0, $0x6  }
0xa: {  	_ =	strace $0x8000004A;
	s0 =	ssub.s32 $0x2, s0;
	s6 =	sor.u32 s7, s20  }
0xb: {  	s22 =	sshrl.u32 s0, $0x1;
	s7 =	sshrl.u32 s21, $0x2;
	s21 =	simm.s32 $0xC440  }
0xc: {  	s20 =	simm.s32 $0x7;
	s5 =	sadd.s32 s4, s5;
	s4 =	sshrl.u32 s4, $0x3  }
0xd: {  	s6 =	sshrl.u32 s6, $0x3;
	s0 =	ssub.s32 s0, s22;
	s22 =	simm.s32 $0x5  }
0xe: {  	s5 =	sshrl.u32 s5, $0x3;
	s4 =	sadd.s32 s4, s1;
	s13 =	smax.u32 s0, $0x1  }
0xf: {  	s5 =	sadd.s32 s5, s1;
	s1 =	sadd.s32 s6, s1;
	s4 =	sadd.s32 $0x3800, s4  }
0x10: {  	s6 =	sadd.s32 s7, s3;
	s5 =	sadd.s32 $0x17600, s5;
	[dreg:$0x5] =	wrdreg s4  }
0x11: {  	s0 =	simm.s32 $0x9;
	s23 =	sadd.s32 $0x2000, s6;
	[dreg:$0x4] =	wrdreg s5  }
.Ltmp0:
0x12: {  	s24 =	sadd.s32 $0x4000, s6;
	[dreg:$0x6] =	wrdreg s23;
	(pc) =	sbr.rel .LBB2_1-.Ltmp0, $4  }
0x13: {  	s25 =	sadd.s32 $0x6000, s6;
	s26 =	sadd.s32 $0x8000, s6;
	[dreg:$0x7] =	wrdreg s24  }
0x14: {  	s12 =	sadd.s32 $0x2B000, s1;
	s1 =	simm.s32 $0x3;
	[dreg:$0x8] =	wrdreg s25  }
0x15: {  	s4 =	simm.s32 $0x0;
	[dreg:$0x9] =	wrdreg s26;
	s23 =	simm.s32 $0xD840  }
0x16: {  	v0 =	vimm.f32 $0.0e+00;
	s24 =	simm.s32 $0x1;
	s26 =	simm.s32 $0xEC40;
	s25 =	simm.s32 $0x4  }
.LBB2_6:
0x17: {  	_ =	swait.ge [sflag:s22], $0x1400  }
0x18: {  	[sflag:s22] =	ssyncset.done $0x0  }
0x19: {  	[sflag:s22] =	ssyncadd.s32 $0xFFFFEC00  }
0x1a: {  	[spmem:s3] =	stream.indirect.scatter.add.f32 [tilespmem:s26], [sflag:$0xA], $0x40, s8, s17, $0xb8;
	[tilespmem:$0x1C040] =	vst v63  }
0x1b: {  	_ =	swait.ge [sflag:s30], $0x1400  }
0x1c: {  	[sflag:s30] =	ssyncset.done $0x0  }
0x1d: {  	[sflag:s30] =	ssyncadd.s32 $0xFFFFEC00  }
0x1e: {  	_ =	swait.ge [sflag:s20], $0x1400  }
0x1f: {  	[sflag:s20] =	ssyncset.done $0x0  }
0x20: {  	[sflag:s20] =	ssyncadd.s32 $0xFFFFEC00  }
0x21: {  	_ =	swait.ge [sflag:s31], $0x1400  }
0x22: {  	[sflag:s31] =	ssyncset.done $0x0  }
0x23: {  	[sflag:s31] =	ssyncadd.s32 $0xFFFFEC00  }
0x24: {  	_ =	swait.ge [sflag:s0], $0x1400  }
0x25: {  	[sflag:s0] =	ssyncset.done $0x0  }
0x26: {  	[sflag:s0] =	ssyncadd.s32 $0xFFFFEC00  }
0x27: {  	s5 =	stileid.u32;
	s7 =	sshrl.u32 s6, $0x3;
	_ =	swait.ge [sflag:s29], $0x1400  }
0x28: {  	s11 =	simm.s32 $0x10;
	s4 =	sadd.s32 $0x1, s4;
	[sflag:s29] =	ssyncset.done $0x0  }
0x29: {  	s5 =	sshll.u32 s5, $0x6;
	p0 =	sne.s32 s4, s13;
	[sflag:s29] =	ssyncadd.s32 $0xFFFFEC00  }
.Ltmp1:
0x2a: {  	s5 =	sor.u32 $0x1C0B, s5;
	[bflag:$0x0] =	sbarrier.arrive $0xFFFF;
	(pc) =	sbr.rel @!p0 .LBB2_7-.Ltmp1, $4  }
0x2b: {  	[hbm:s12@s11], [sflag:s5] =	dma.strided [spmem:s7@s31], $0x1400, s24, $0x8   }
0x2c: {  	_ =	swait.ge [sflag:s14], $0x1400  }
0x2d: {  	[sflag:s14] =	ssyncset.done $0x0  }
0x2e: {  	[sflag:s14] =	ssyncadd.s32 $0xFFFFEC00  }
.LBB2_1:
0x2f: {  	s5 =	simm.s32 $0x0;
	s7 =	rddreg [dreg:$0x4]  }
0x30: {  	[tilespmem:s5], [sflag:$0xB] =	stream.linear.gather [hbm4b:s7+s5], $0x4E20, $0x38;
	[tilespmem:$0x1C040] =	vst v63  }
0x31: {  	_ =	swait.ge [sflag:s14], $0x4E20  }
0x32: {  	[sflag:s14] =	ssyncset.done $0x0  }
0x33: {  	s11 =	rddreg [dreg:$0x5];
	[sflag:s14] =	ssyncadd.s32 $0xFFFFB1E0  }
0x34: {  	[tilespmem:s15], [sflag:$0xB] =	stream.linear.gather [hbm4b:s11+s5], $0x4E20, $0x38;
	[tilespmem:$0x1C040] =	vst v63  }
0x35: {  	_ =	swait.ge [sflag:s14], $0x4E20  }
0x36: {  	[sflag:s14] =	ssyncset.done $0x0  }
0x37: {  	s7 =	simm.s32 $0x100;
	s5 =	simm.s32 $0x0;
	[sflag:s14] =	ssyncadd.s32 $0xFFFFB1E0  }
.LBB2_2:
0x38: {  	p0 =	sne.s32 s7, $0x7F00;
	[tilespmem:s5+$0x10070] =	vst v0;
	s8 =	smov.u32 s7;
	s7 =	sadd.s32 $0x100, s7  }
.Ltmp2:
0x39: {  	[tilespmem:s5+$0x10060] =	vst v0;
	(pc) =	sbr.rel @p0 .LBB2_2-.Ltmp2, $3  }
0x3a: {  	[tilespmem:s5+$0x10040] =	vst v0  }
0x3b: {  	[tilespmem:s5+$0x10050] =	vst v0;
	_ =	sdelay $0x1  }
0x3c: {  	s5 =	sshra.s32 s8, $0x2  }
0x3d: {  	[tilespmem:s5+$0x10070] =	vst v0  }
0x3e: {  	[tilespmem:s5+$0x10060] =	vst v0  }
0x3f: {  	[tilespmem:s5+$0x10040] =	vst v0  }
0x40: {  	[tilespmem:s5+$0x10050] =	vst v0  }
0x41: {  	[spmem:s6] =	stream.linear.scatter [tilespmem:s16], [sflag:$0xB], $0x2000, $0x38;
	[tilespmem:$0x1C040] =	vst v63  }
0x42: {  	_ =	swait.ge [sflag:s14], $0x2000  }
0x43: {  	[sflag:s14] =	ssyncset.done $0x0  }
0x44: {  	s11 =	rddreg [dreg:$0x6];
	[sflag:s14] =	ssyncadd.s32 $0xFFFFE000  }
0x45: {  	[spmem:s11] =	stream.linear.scatter [tilespmem:s16], [sflag:$0xB], $0x2000, $0x38;
	[tilespmem:$0x1C040] =	vst v63  }
0x46: {  	_ =	swait.ge [sflag:s14], $0x2000  }
0x47: {  	[sflag:s14] =	ssyncset.done $0x0  }
0x48: {  	s7 =	rddreg [dreg:$0x7];
	[sflag:s14] =	ssyncadd.s32 $0xFFFFE000  }
0x49: {  	[spmem:s7] =	stream.linear.scatter [tilespmem:s16], [sflag:$0xB], $0x2000, $0x38;
	[tilespmem:$0x1C040] =	vst v63  }
0x4a: {  	_ =	swait.ge [sflag:s14], $0x2000  }
0x4b: {  	[sflag:s14] =	ssyncset.done $0x0  }
0x4c: {  	s8 =	rddreg [dreg:$0x8];
	[sflag:s14] =	ssyncadd.s32 $0xFFFFE000  }
0x4d: {  	[spmem:s8] =	stream.linear.scatter [tilespmem:s16], [sflag:$0xB], $0x2000, $0x38;
	[tilespmem:$0x1C040] =	vst v63  }
0x4e: {  	_ =	swait.ge [sflag:s14], $0x2000  }
0x4f: {  	[sflag:s14] =	ssyncset.done $0x0  }
0x50: {  	s9 =	rddreg [dreg:$0x9];
	[sflag:s14] =	ssyncadd.s32 $0xFFFFE000  }
0x51: {  	[spmem:s9] =	stream.linear.scatter [tilespmem:s16], [sflag:$0xB], $0x2000, $0x38;
	[tilespmem:$0x1C040] =	vst v63  }
0x52: {  	_ =	swait.ge [sflag:s14], $0x2000  }
0x53: {  	[sflag:s14] =	ssyncset.done $0x0  }
0x54: {  	[sflag:s14] =	ssyncadd.s32 $0xFFFFE000  }
0x55: {  	s5 =	simm.s32 $0x0;
	[bflag:$0x0] =	sbarrier.arrive $0xFFFF  }
0x56: {  	[tilespmem:s18], [sflag:$0x1] =	stream.indirect.gather [hbm4b:s2+s17], $0x40, s5, s17, $0xb8;
	[tilespmem:$0x1C040] =	vst v63  }
0x57: {  	_ = 	snop  }
0x58: {  	[tilespmem:s19], [sflag:$0x2] =	stream.indirect.gather [hbm4b:s2+s17], $0x40, s17, s17, $0xb8;
	[tilespmem:$0x1C040] =	vst v63  }
0x59: {  	s7 =	simm.s32 $0xA0  }
0x5a: {  	[tilespmem:s21], [sflag:$0x3] =	stream.indirect.gather [hbm4b:s2+s17], $0x40, s7, s17, $0xb8;
	[tilespmem:$0x1C040] =	vst v63  }
0x5b: {  	s10 =	simm.s32 $0xF0  }
0x5c: {  	[tilespmem:s23], [sflag:$0x4] =	stream.indirect.gather [hbm4b:s2+s17], $0x40, s10, s17, $0xb8;
	[tilespmem:$0x1C040] =	vst v63  }
0x5d: {  	_ =	swait.ge [sflag:s24], $0x1400  }
0x5e: {  	[sflag:s24] =	ssyncset.done $0x0  }
0x5f: {  	[sflag:s24] =	ssyncadd.s32 $0xFFFFEC00  }
0x60: {  	[spmem:s3] =	stream.indirect.scatter.add.f32 [tilespmem:s18], [sflag:$0x6], $0x40, s15, s17, $0xb8;
	[tilespmem:$0x1C040] =	vst v63  }
0x61: {  	s11 =	simm.s32 $0x140  }
0x62: {  	[tilespmem:s26], [sflag:$0x5] =	stream.indirect.gather [hbm4b:s2+s17], $0x40, s11, s17, $0xb8;
	[tilespmem:$0x1C040] =	vst v63  }
0x63: {  	_ =	swait.ge [sflag:s28], $0x1400  }
0x64: {  	[sflag:s28] =	ssyncset.done $0x0  }
0x65: {  	s8 =	simm.s32 $0x4E70;
	[sflag:s28] =	ssyncadd.s32 $0xFFFFEC00  }
0x66: {  	[spmem:s3] =	stream.indirect.scatter.add.f32 [tilespmem:s19], [sflag:$0x7], $0x40, s8, s17, $0xb8;
	[tilespmem:$0x1C040] =	vst v63  }
0x67: {  	_ =	swait.ge [sflag:s30], $0x1400  }
0x68: {  	[sflag:s30] =	ssyncset.done $0x0  }
0x69: {  	s9 =	simm.s32 $0x190;
	[sflag:s30] =	ssyncadd.s32 $0xFFFFEC00  }
0x6a: {  	[tilespmem:s18], [sflag:$0x1] =	stream.indirect.gather [hbm4b:s2+s17], $0x40, s9, s17, $0xb8;
	[tilespmem:$0x1C040] =	vst v63  }
0x6b: {  	_ =	swait.ge [sflag:s1], $0x1400  }
0x6c: {  	[sflag:s1] =	ssyncset.done $0x0  }
0x6d: {  	s10 =	simm.s32 $0x4EC0;
	[sflag:s1] =	ssyncadd.s32 $0xFFFFEC00  }
0x6e: {  	[spmem:s3] =	stream.indirect.scatter.add.f32 [tilespmem:s21], [sflag:$0x8], $0x40, s10, s17, $0xb8;
	[tilespmem:$0x1C040] =	vst v63  }
0x6f: {  	_ =	swait.ge [sflag:s20], $0x1400  }
0x70: {  	[sflag:s20] =	ssyncset.done $0x0  }
0x71: {  	s11 =	simm.s32 $0x1E0;
	[sflag:s20] =	ssyncadd.s32 $0xFFFFEC00  }
0x72: {  	[tilespmem:s19], [sflag:$0x2] =	stream.indirect.gather [hbm4b:s2+s17], $0x40, s11, s17, $0xb8;
	[tilespmem:$0x1C040] =	vst v63  }
0x73: {  	_ =	swait.ge [sflag:s25], $0x1400  }
0x74: {  	[sflag:s25] =	ssyncset.done $0x0  }
0x75: {  	s8 =	simm.s32 $0x4F10;
	[sflag:s25] =	ssyncadd.s32 $0xFFFFEC00  }
0x76: {  	[spmem:s3] =	stream.indirect.scatter.add.f32 [tilespmem:s23], [sflag:$0x9], $0x40, s8, s17, $0xb8;
	[tilespmem:$0x1C040] =	vst v63  }
0x77: {  	_ =	swait.ge [sflag:s31], $0x1400  }
0x78: {  	[sflag:s31] =	ssyncset.done $0x0  }
0x79: {  	s9 =	simm.s32 $0x230;
	[sflag:s31] =	ssyncadd.s32 $0xFFFFEC00  }
0x7a: {  	[tilespmem:s21], [sflag:$0x3] =	stream.indirect.gather [hbm4b:s2+s17], $0x40, s9, s17, $0xb8;
	[tilespmem:$0x1C040] =	vst v63  }
0x7b: {  	_ =	swait.ge [sflag:s22], $0x1400  }
0x7c: {  	[sflag:s22] =	ssyncset.done $0x0  }
0x7d: {  	s10 =	simm.s32 $0x4F60;
	[sflag:s22] =	ssyncadd.s32 $0xFFFFEC00  }
0x7e: {  	[spmem:s3] =	stream.indirect.scatter.add.f32 [tilespmem:s26], [sflag:$0xA], $0x40, s10, s17, $0xb8;
	[tilespmem:$0x1C040] =	vst v63  }
0x7f: {  	_ =	swait.ge [sflag:s0], $0x1400  }
0x80: {  	[sflag:s0] =	ssyncset.done $0x0  }
0x81: {  	s11 =	simm.s32 $0x280;
	[sflag:s0] =	ssyncadd.s32 $0xFFFFEC00  }
0x82: {  	[tilespmem:s23], [sflag:$0x4] =	stream.indirect.gather [hbm4b:s2+s17], $0x40, s11, s17, $0xb8;
	[tilespmem:$0x1C040] =	vst v63  }
.LBB2_4:
0x83: {  	_ =	swait.ge [sflag:s24], $0x1400  }
0x84: {  	s7 =	sshra.s32 s5, $0x2;
	[sflag:s24] =	ssyncset.done $0x0  }
0x85: {  	s8 =	sadd.s32 $0x4FB0, s7;
	[sflag:s24] =	ssyncadd.s32 $0xFFFFEC00  }
0x86: {  	[spmem:s3] =	stream.indirect.scatter.add.f32 [tilespmem:s18], [sflag:$0x6], $0x40, s8, s17, $0xb8;
	[tilespmem:$0x1C040] =	vst v63  }
0x87: {  	_ =	swait.ge [sflag:s29], $0x1400  }
0x88: {  	[sflag:s29] =	ssyncset.done $0x0  }
0x89: {  	s9 =	sadd.s32 $0x2D0, s7;
	[sflag:s29] =	ssyncadd.s32 $0xFFFFEC00  }
0x8a: {  	[tilespmem:s26], [sflag:$0x5] =	stream.indirect.gather [hbm4b:s2+s17], $0x40, s9, s17, $0xb8;
	[tilespmem:$0x1C040] =	vst v63  }
0x8b: {  	_ =	swait.ge [sflag:s28], $0x1400  }
0x8c: {  	p0 =	seq.s32 s5, $0x12C00;
	[sflag:s28] =	ssyncset.done $0x0  }
0x8d: {  	s10 =	sadd.s32 $0x5000, s7;
	s8 =	simm.s32 @p0 $0x3;
	[sflag:s28] =	ssyncadd.s32 $0xFFFFEC00  }
0x8e: {  	[spmem:s3] =	stream.indirect.scatter.add.f32 [tilespmem:s19], [sflag:$0x7], $0x40, s10, s17, $0xb8;
	[tilespmem:$0x1C040] =	vst v63  }
0x8f: {  	_ =	swait.ge @p0 [sflag:s8], $0x1400  }
0x90: {  	[sflag:s8] =	ssyncset.done @p0 $0x0  }
0x91: {  	[sflag:s8] =	ssyncadd.s32 @p0 $0xFFFFEC00;
	s8 =	sshra.s32 @p0 s5, $0x2  }
0x92: {  	s9 =	simm.s32 @p0 $0x50;
	s10 =	simm.s32 @p0 $0xC440;
	s8 =	sadd.s32 @p0 $0x5050, s8  }
0x93: {  	[spmem:s3] =	stream.indirect.scatter.add.f32 @p0 [tilespmem:s10], [sflag:$0x8], $0x40, s8, s9, $0xb8;
	[tilespmem:$0x1C040] =	vst v63  }
0x94: {  	s8 =	simm.s32 @!p0 $0x6  }
0x95: {  	_ =	swait.ge @!p0 [sflag:s8], $0x1400  }
0x96: {  	[sflag:s8] =	ssyncset.done @!p0 $0x0  }
0x97: {  	[sflag:s8] =	ssyncadd.s32 @!p0 $0xFFFFEC00;
	s8 =	sshra.s32 @!p0 s5, $0x2  }
0x98: {  	s11 =	simm.s32 @!p0 $0x9C40;
	s10 =	simm.s32 @!p0 $0x50;
	s9 =	sadd.s32 @!p0 $0x320, s8  }
0x99: {  	[tilespmem:s11], [sflag:$0x1] =	stream.indirect.gather @!p0 [hbm4b:s2+s10], $0x40, s9, s10, $0xb8;
	[tilespmem:$0x1C040] =	vst v63  }
0x9a: {  	s9 =	simm.s32 @!p0 $0x3  }
0x9b: {  	_ =	swait.ge @!p0 [sflag:s9], $0x1400  }
0x9c: {  	[sflag:s9] =	ssyncset.done @!p0 $0x0  }
0x9d: {  	s11 =	simm.s32 @!p0 $0xC440;
	[sflag:s9] =	ssyncadd.s32 @!p0 $0xFFFFEC00;
	s9 =	sadd.s32 @!p0 $0x5050, s8  }
0x9e: {  	[spmem:s3] =	stream.indirect.scatter.add.f32 @!p0 [tilespmem:s11], [sflag:$0x8], $0x40, s9, s10, $0xb8;
	[tilespmem:$0x1C040] =	vst v63  }
0x9f: {  	s9 =	simm.s32 @!p0 $0x7  }
0xa0: {  	_ =	swait.ge @!p0 [sflag:s9], $0x1400  }
0xa1: {  	[sflag:s9] =	ssyncset.done @!p0 $0x0  }
0xa2: {  	s8 =	sadd.s32 @!p0 $0x370, s8;
	[sflag:s9] =	ssyncadd.s32 @!p0 $0xFFFFEC00;
	s9 =	simm.s32 @!p0 $0xB040  }
0xa3: {  	[tilespmem:s9], [sflag:$0x2] =	stream.indirect.gather @!p0 [hbm4b:s2+s10], $0x40, s8, s10, $0xb8;
	[tilespmem:$0x1C040] =	vst v63  }
.Ltmp3:
0xa4: {  	_ = 	snop;
	(pc) =	sbr.rel @p0 .LBB2_6-.Ltmp3, $4  }
0xa5: {  	_ =	swait.ge [sflag:s25], $0x1400  }
0xa6: {  	[sflag:s25] =	ssyncset.done $0x0  }
0xa7: {  	s11 =	sadd.s32 $0x50A0, s7;
	s8 =	sadd.s32 $0x50F0, s7;
	[sflag:s25] =	ssyncadd.s32 $0xFFFFEC00  }
0xa8: {  	[spmem:s3] =	stream.indirect.scatter.add.f32 [tilespmem:s23], [sflag:$0x9], $0x40, s11, s17, $0xb8;
	[tilespmem:$0x1C040] =	vst v63  }
0xa9: {  	_ =	swait.ge [sflag:s31], $0x1400  }
0xaa: {  	[sflag:s31] =	ssyncset.done $0x0  }
0xab: {  	s9 =	sadd.s32 $0x3C0, s7;
	[sflag:s31] =	ssyncadd.s32 $0xFFFFEC00  }
0xac: {  	[tilespmem:s21], [sflag:$0x3] =	stream.indirect.gather [hbm4b:s2+s17], $0x40, s9, s17, $0xb8;
	[tilespmem:$0x1C040] =	vst v63  }
0xad: {  	_ =	swait.ge [sflag:s22], $0x1400  }
0xae: {  	[sflag:s22] =	ssyncset.done $0x0  }
0xaf: {  	[sflag:s22] =	ssyncadd.s32 $0xFFFFEC00  }
0xb0: {  	[spmem:s3] =	stream.indirect.scatter.add.f32 [tilespmem:s26], [sflag:$0xA], $0x40, s8, s17, $0xb8;
	[tilespmem:$0x1C040] =	vst v63  }
.Ltmp4:
0xb1: {  	_ = 	snop;
	(pc) =	sbr.rel .LBB2_4-.Ltmp4, $4  }
0xb2: {  	_ =	swait.ge [sflag:s0], $0x1400  }
0xb3: {  	[sflag:s0] =	ssyncset.done $0x0  }
0xb4: {  	s11 =	sadd.s32 $0x410, s7;
	s5 =	sadd.s32 $0x640, s5;
	[sflag:s0] =	ssyncadd.s32 $0xFFFFEC00  }
0xb5: {  	[tilespmem:s23], [sflag:$0x4] =	stream.indirect.gather [hbm4b:s2+s17], $0x40, s11, s17, $0xb8;
	[tilespmem:$0x1C040] =	vst v63  }
.LBB2_7:
0xb6: {  	_ =	sfence.sel $0x180000  }
0xb7: {  	[bflag:$0x0] =	sbarrier.arrive $0xFFFF  }
0xb8: {  	_ =	strace $0x9000004A  }
0xb9: {  	s0 =	stileid.u32;
	[bflag:$0x2] =	sbarrier.arrive $0xFFFF  }
0xba: {  	p0 =	sne.s32 s0, $0x0;
	s0 =	rddreg [dreg:$0x3]  }
0xbb: {  	s0 =	sadd.s32 @!p0 $0x100000, s0  }
0xbc: {  	[sflag:s0] =	ssyncadd.tile.s32 @!p0 $0x1;
	_ =	shalt  }
.Lfunc_end2:
_tile_overlayer_lowered:
.L_overlay_start_2:
0xbd: {  	(tag) =	ssettag $0x2  }
0xbe: {  	s0 =	rddreg [dreg:$0x0];
	s2 =	stileid.u32  }
0xbf: {  	s1 =	rddreg [dreg:$0x1];
	p0 =	sne.s32 s2, $0x0  }
0xc0: {  	s3 =	rddreg [dreg:$0x2];
	[bflag:$0x3] =	sbarrier.arrive $0xFFFF;
	s2 =	simm.s32 @!p0 $0x1C0B  }
0xc1: {  	[timem:s3], [sflag:s2] =	dma.local @!p0 [hbm:s0], s1  }
0xc2: {  	s0 =	simm.s32 @!p0 $0xB  }
0xc3: {  	_ =	swait.ge @!p0 [sflag:s0], s1  }
0xc4: {  	s1 =	ssub.s32 @!p0 $0x0, s1;
	[sflag:s0] =	ssyncset.done @!p0 $0x0  }
0xc5: {  	[sflag:s0] =	ssyncadd.s32 @!p0 s1  }
0xc6: {  	[bflag:$0x3] =	sbarrier.arrive $0xFFFF  }
0xc7: {  	_ =	shalt  }

// kernel: kernel.14.cloned.1.call-start
scs
__scs_entry_jumppad:
0x0: {  	(pc) =	sbr.rel $0x88, $3  }
0x1: {  	(tag) =	ssettag $0x0;
	lr =	simm.s32 $0x1  }
0x2: {  	[smem:$0x3F93] =	sst lr;
	_ =	strace $0xD0000000  }
0x3: {  	_ = 	snop  }
0x4: {  	_ = 	snop  }
0x5: {  	_ = 	snop  }
0x6: {  	_ = 	snop  }
0x7: {  	_ = 	snop  }
__scs_overlays_trampoline_lowered:
0x8: {  	[smem:$0x3FA2] =	sst s0  }
0x9: {  	[smem:$0x3FA3] =	sst s1  }
0xa: {  	[smem:$0x3FA4] =	sst s2  }
0xb: {  	[smem:$0x3FA5] =	sst s3  }
0xc: {  	[smem:$0x3FA6] =	sst s4  }
0xd: {  	[smem:$0x3FA7] =	sst s5  }
0xe: {  	[smem:$0x3FA8] =	sst s6  }
0xf: {  	[smem:$0x3FA9] =	sst s7  }
0x10: {  	[smem:$0x3FAA] =	sst s8  }
0x11: {  	[smem:$0x3FAB] =	sst s9;
	s0 =	simm.s32 @!p0 $0x0  }
0x12: {  	s1 =	sld [smem:$0x3F91];
	s0 =	simm.s32 @p0 $0x1  }
0x13: {  	[smem:$0x3FAC] =	sst s0;
	s0 =	simm.s32 @!p1 $0x0  }
0x14: {  	s2 =	sld [smem:$0x3F90];
	s0 =	simm.s32 @p1 $0x1  }
0x15: {  	[smem:$0x3FAD] =	sst s0;
	s0 =	simm.s32 @!p2 $0x0  }
0x16: {  	s3 =	sld [smem:$0x3FDB];
	s0 =	simm.s32 @p2 $0x1  }
0x17: {  	s4 =	simm.s32 $0x1BF5;
	[smem:$0x3FAF] =	sst s0  }
0x18: {  	s0 =	sld [smem:$0x3F92];
	_ =	swait.ge [sflag:s4], $0x0  }
0x19: {  	s7 =	sld [smem:$0x3F93]  }
0x1a: {  	s8 =	sadd.s32 $0xFFFFE003, lr  }
0x1b: {  	s9 =	sadd.s32 $0xFFFFFEF7, lr;
	s5 =	simm.s32 $0xFFFFFFFF;
	p2 =	slt.u32 s8, $0xFFFFF086  }
0x1c: {  	p1 =	slt.u32 s9, $0xF7A;
	s5 =	simm.s32 @!p2 $0x0  }
0x1d: {  	s5 =	simm.s32 @p1 $0x1;
	p0 =	seq.s32 s7, s2  }
0x1e: {  	s7 =	smul.u32 @!p0 $0xF7A, s2;
	p2 =	seq.s32 @!p0 s5, $0x0  }
0x1f: {  	s9 =	smul.u32 $0xF7A, s1;
	s8 =	simm.s32 @!p0 $0x1BF5;
	p2 =	por !p2, p0  }
0x20: {  	[sflag:s8] =	ssyncset.s32 @!p0 $0xFFFFF086;
	s6 =	sadd.s32 @!p0 s3, s7;
	s7 =	simm.s32 @!p0 $0x108  }
0x21: {  	s3 =	sadd.s32 s3, s9;
	s6 =	sadd.s32 @!p0 $0x88, s6;
	s7 =	simm.s32 @p2 $0x1082  }
0x22: {  	[simem:s7], [sflag:s8] =	dma.local @!p0 [hbm:s6], $0xF7A  }
0x23: {  	s9 =	sor.u32 $0xD0000000, s2;
	s6 =	simm.s32 $0x108;
	_ =	swait.ge @!p0 [sflag:s8], $0x0  }
0x24: {  	s3 =	sadd.s32 $0x88, s3;
	s6 =	simm.s32 @!p1 $0x1082;
	[sflag:s4] =	ssyncset.s32 $0xFFFFF086  }
0x25: {  	[simem:s6], [sflag:s4] =	dma.local [hbm:s3], $0xF7A  }
0x26: {  	[smem:$0x3F93] =	sst s1;
	(tag) =	ssettag s2;
	_ =	strace s9  }
0x27: {  	s1 =	sld [smem:$0x3FA3]  }
0x28: {  	s2 =	sld [smem:$0x3FA4]  }
0x29: {  	s4 =	sld [smem:$0x3FA6]  }
0x2a: {  	p0 =	seq.s32 s5, $0x0;
	s5 =	sld [smem:$0x3FA7]  }
0x2b: {  	s6 =	sld [smem:$0x3FA8]  }
0x2c: {  	s7 =	sld [smem:$0x3FA9]  }
0x2d: {  	s3 =	simm.s32 $0x108;
	s8 =	sld [smem:$0x3FAA]  }
0x2e: {  	s3 =	simm.s32 @!p0 $0x1082;
	s9 =	sld [smem:$0x3FAB]  }
0x2f: {  	lr =	sadd.s32 s0, s3;
	s0 =	sld [smem:$0x3FA2]  }
0x30: {  	s3 =	sld [smem:$0x3FA5]  }
0x31: {  	[smem:$0x3FAE] =	sst s10  }
0x32: {  	s10 =	sld [smem:$0x3FAC];
	_ =	sdelay $0x3  }
0x33: {  	p0 =	seq.s32 s10, $0x1;
	s10 =	sld [smem:$0x3FAE];
	_ =	sdelay $0x3  }
0x34: {  	[smem:$0x3FAE] =	sst s10  }
0x35: {  	s10 =	sld [smem:$0x3FAD];
	_ =	sdelay $0x3  }
0x36: {  	p1 =	seq.s32 s10, $0x1;
	s10 =	sld [smem:$0x3FAE];
	_ =	sdelay $0x3  }
0x37: {  	[smem:$0x3FAE] =	sst s10  }
0x38: {  	s10 =	sld [smem:$0x3FAF]  }
0x39: {  	_ = 	snop;
	(pc) =	sbr.ind lr, $3  }
0x3a: {  	_ = 	snop  }
0x3b: {  	_ = 	snop  }
0x3c: {  	p2 =	seq.s32 s10, $0x1;
	s10 =	sld [smem:$0x3FAE]  }
0x3d: {  	_ =	shalt  }
0x3e: {  	_ =	shalt  }
0x3f: {  	_ =	shalt  }
0x40: {  	_ =	shalt  }
0x41: {  	_ =	shalt  }
0x42: {  	_ =	shalt  }
0x43: {  	_ =	shalt  }
0x44: {  	_ =	shalt  }
0x45: {  	_ =	shalt  }
0x46: {  	_ =	shalt  }
0x47: {  	_ =	shalt  }
0x48: {  	_ =	shalt  }
0x49: {  	_ =	shalt  }
0x4a: {  	_ =	shalt  }
0x4b: {  	_ =	shalt  }
0x4c: {  	_ =	shalt  }
0x4d: {  	_ =	shalt  }
0x4e: {  	_ =	shalt  }
0x4f: {  	_ =	shalt  }
0x50: {  	_ =	shalt  }
0x51: {  	_ =	shalt  }
0x52: {  	_ =	shalt  }
0x53: {  	_ =	shalt  }
0x54: {  	_ =	shalt  }
0x55: {  	_ =	shalt  }
0x56: {  	_ =	shalt  }
0x57: {  	_ =	shalt  }
0x58: {  	_ =	shalt  }
0x59: {  	_ =	shalt  }
0x5a: {  	_ =	shalt  }
0x5b: {  	_ =	shalt  }
0x5c: {  	_ =	shalt  }
0x5d: {  	_ =	shalt  }
0x5e: {  	_ =	shalt  }
0x5f: {  	_ =	shalt  }
0x60: {  	_ =	shalt  }
0x61: {  	_ =	shalt  }
0x62: {  	_ =	shalt  }
0x63: {  	_ =	shalt  }
0x64: {  	_ =	shalt  }
0x65: {  	_ =	shalt  }
0x66: {  	_ =	shalt  }
0x67: {  	_ =	shalt  }
0x68: {  	_ =	shalt  }
0x69: {  	_ =	shalt  }
0x6a: {  	_ =	shalt  }
0x6b: {  	_ =	shalt  }
0x6c: {  	_ =	shalt  }
0x6d: {  	_ =	shalt  }
0x6e: {  	_ =	shalt  }
0x6f: {  	_ =	shalt  }
0x70: {  	_ =	shalt  }
0x71: {  	_ =	shalt  }
0x72: {  	_ =	shalt  }
0x73: {  	_ =	shalt  }
0x74: {  	_ =	shalt  }
0x75: {  	_ =	shalt  }
0x76: {  	_ =	shalt  }
0x77: {  	_ =	shalt  }
0x78: {  	_ =	shalt  }
0x79: {  	_ =	shalt  }
0x7a: {  	_ =	shalt  }
0x7b: {  	_ =	shalt  }
0x7c: {  	_ =	shalt  }
0x7d: {  	_ =	shalt  }
0x7e: {  	_ =	shalt  }
0x7f: {  	_ =	shalt  }
0x80: {  	_ =	shalt  }
0x81: {  	_ =	shalt  }
0x82: {  	_ =	shalt  }
0x83: {  	_ =	shalt  }
0x84: {  	_ =	shalt  }
0x85: {  	_ =	shalt  }
0x86: {  	_ =	shalt  }
0x87: {  	_ =	shalt  }
.Lfunc_end0:
.L_simem_size_0:
called_computation.2_lowered:
.L_overlay_start_0:
0x88: {  	s2 =	sld [smem:$0x3FD9]  }
0x89: {  	s3 =	sld [smem:$0x3FFE];
	_ =	sdelay $0x1  }
0x8a: {  	s1 =	srdreg.scid  }
0x8b: {  	s0 =	sand.u32 $0x1, s1  }
0x8c: {  	s17 =	sshll.u32 s0, $0xA;
	s2 =	sadd.s32 s3, s2  }
0x8d: {  	s2 =	sadd.s32 s2, s17  }
0x8e: {  	[smem:$0x3FBA] =	sst s2  }
0x8f: {  	_ = 	snop  }
0x90: {  	s2 =	sld [smem:$0x3FD0];
	(tm) =	ssettm $0x1  }
0x91: {  	s18 =	sld [smem:$0x3FFB];
	_ =	sdelay $0x3  }
0x92: {  	_ =	strace s18  }
0x93: {  	s3 =	sld [smem:$0x3FFC];
	_ =	sdelay $0x3  }
0x94: {  	_ =	strace s3  }
0x95: {  	s3 =	sld [smem:$0x3FFD];
	_ =	sdelay $0x3  }
0x96: {  	_ =	strace s3  }
0x97: {  	_ =	strace $0x8FFFFFFF  }
0x98: {  	s19 =	sld [smem:$0x3FDB];
	_ =	sdelay $0x1  }
0x99: {  	s4 =	simm.s32 $_scs_section_size  }
0x9a: {  	s5 =	simm.s32 $_size__tile_overlayer_lowered;
	s6 =	simm.s32 $_tile_overlayer_lowered  }
0x9b: {  	s22 =	simm.s32 $0x1BFF;
	s21 =	sshll.u32 s6, $0x1;
	s3 =	sadd.s32 s4, s19  }
0x9c: {  	s7 =	simm.s32 $0x0;
	s20 =	sshll.u32 s5, $0x1;
	s5 =	sadd.s32 s21, s3  }
0x9d: {  	[timem:s7], [sflag:s22] =	dma.local [hbm:s5], s20  }
0x9e: {  	_ =	swait.ge [sflag:s22], s20  }
0x9f: {  	s4 =	ssub.s32 $0x0, s20;
	[sflag:s22] =	ssyncset.done $0x0  }
0xa0: {  	[sflag:s22] =	ssyncadd.s32 s4;
	_ =	sdelay $0x1  }
0xa1: {  	s23 =	simm.s32 $0x1B8B  }
0xa2: {  	_ =	swait.ge [sflag:s23], $0x1  }
0xa3: {  	[sflag:s23] =	ssyncset.done $0x0  }
0xa4: {  	s25 =	simm.s32 $0x1B8E;
	s24 =	sld [smem:$0x3FFE];
	[sflag:s23] =	ssyncadd.s32 $0xFFFFFFFF  }
0xa5: {  	s26 =	simm.s32 $execute0_lowered;
	[smem:$0x3FD2] =	sst s25  }
0xa6: {  	s5 =	sshll.u32 s26, $0x1;
	_ =	strace $0x8000004C;
	[dreg:$0x1] =	wrdreg $0xFFFFFFFF  }
0xa7: {  	s28 =	simm.s32 $_size_execute0_lowered;
	s3 =	sadd.s32 s3, s5;
	[dreg:$0x0] =	wrdreg $0x0  }
0xa8: {  	s5 =	sshll.u32 s28, $0x1;
	[dreg:$0x2] =	wrdreg s3  }
0xa9: {  	[dreg:$0x3] =	wrdreg s5  }
0xaa: {  	[dreg:$0x4] =	wrdreg $0xC0  }
0xab: {  	_ =	task [dreg:s7], $0x5FFFF  }
0xac: {  	[dreg:$0x1] =	wrdreg $0xFFFFFFFF  }
0xad: {  	[dreg:$0x0] =	wrdreg $0x60  }
0xae: {  	[dreg:$0x2] =	wrdreg s24  }
0xaf: {  	[dreg:$0x3] =	wrdreg s2  }
0xb0: {  	[dreg:$0x4] =	wrdreg $0x120400  }
0xb1: {  	[dreg:$0x5] =	wrdreg $0x9  }
0xb2: {  	_ =	task.clear_ibuf [dreg:s7], $0x6FFFF;
	_ =	strace $0x9000004C  }
0xb3: {  	s29 =	simm.s32 $0x9;
	_ =	strace $0x8000004E  }
0xb4: {  	_ =	swait.ge [sflag:s29], $0x1  }
0xb5: {  	[sflag:s29] =	ssyncadd.s32 $0xFFFFFFFF  }
0xb6: {  	_ =	strace $0x9000004E  }
0xb7: {  	_ =	sfence  }
0xb8: {  	s30 =	sld [smem:$0x0];
	_ =	sdelay $0x2  }
0xb9: {  	s31 =	sshll.u32 s1, $0xD;
	s1 =	sshrl.u32 s1, $0x2  }
0xba: {  	s3 =	sand.u32 $0x4000, s31;
	s1 =	sadd.s32 s1, s30  }
0xbb: {  	s0 =	sor.u32 s3, s0;
	s1 =	sshll.u32 s1, $0x11  }
0xbc: {  	s0 =	sor.u32 s1, s0  }
0xbd: {  	s0 =	sadd.s32 $0x8F2B, s0  }
0xbe: {  	[sflag:s0] =	ssyncadd.remote.s32 $0x1  }
0xbf: {  	_ =	sfence.sel $0xFFFF  }
0xc0: {  	[dreg:$0x0] =	wrdreg $0xFFFFFFFF;
	(pc) =	sbr.abs _section_cstart, $3  }
0xc1: {  	[dreg:$0x1] =	wrdreg $0xFFFFFFFF  }
0xc2: {  	_ =	task.clear_ibuf [dreg:s7], $0x2FFFF;
	_ =	strace $0x9FFFFFFF  }
0xc3: {  	(tm) =	ssettm $0x7FFFFFFF  }
tec
execute0_lowered:
.L_overlay_start_1:
0x0: {  	(tag) =	ssettag $0x1  }
0x1: {  	s1 =	rddreg [dreg:$0x0]  }
0x2: {  	s0 =	srdreg.scid;
	s2 =	rddreg [dreg:$0x1]  }
0x3: {  	s8 =	stileid.u32;
	s3 =	rddreg [dreg:$0x2]  }
0x4: {  	s6 =	simm.s32 $0x0;
	s14 =	simm.s32 $0xB;
	s15 =	simm.s32 $0x4E20  }
0x5: {  	s16 =	simm.s32 $0x10040;
	s17 =	simm.s32 $0x50;
	s18 =	simm.s32 $0x9C40  }
0x6: {  	s19 =	simm.s32 $0xB040;
	s28 =	simm.s32 $0x2;
	s4 =	smul.u32 $0x4E20, s8  }
0x7: {  	s30 =	simm.s32 $0x6;
	s31 =	simm.s32 $0x8;
	s20 =	smul.u32 $0x14000, s8  }
0x8: {  	s29 =	simm.s32 $0xA;
	s0 =	sand.u32 $0x1, s0;
	s21 =	smul.u32 $0x28000, s8  }
0x9: {  	[smem:$0x7FF] =	sst s6;
	s5 =	smul.u32 $0x4E200, s0;
	s7 =	sshll.u32 s0, $0x6  }
0xa: {  	_ =	strace $0x8000004D;
	s0 =	ssub.s32 $0x2, s0;
	s6 =	sor.u32 s7, s20  }
0xb: {  	s22 =	sshrl.u32 s0, $0x1;
	s7 =	sshrl.u32 s21, $0x2;
	s21 =	simm.s32 $0xC440  }
0xc: {  	s20 =	simm.s32 $0x7;
	s5 =	sadd.s32 s4, s5;
	s4 =	sshrl.u32 s4, $0x3  }
0xd: {  	s6 =	sshrl.u32 s6, $0x3;
	s0 =	ssub.s32 s0, s22;
	s22 =	simm.s32 $0x5  }
0xe: {  	s5 =	sshrl.u32 s5, $0x3;
	s4 =	sadd.s32 s4, s1;
	s13 =	smax.u32 s0, $0x1  }
0xf: {  	s5 =	sadd.s32 s5, s1;
	s1 =	sadd.s32 s6, s1;
	s4 =	sadd.s32 $0x3800, s4  }
0x10: {  	s6 =	sadd.s32 s7, s3;
	s5 =	sadd.s32 $0x17600, s5;
	[dreg:$0x5] =	wrdreg s4  }
0x11: {  	s0 =	simm.s32 $0x9;
	s23 =	sadd.s32 $0x2000, s6;
	[dreg:$0x4] =	wrdreg s5  }
.Ltmp0:
0x12: {  	s24 =	sadd.s32 $0x4000, s6;
	[dreg:$0x6] =	wrdreg s23;
	(pc) =	sbr.rel .LBB2_1-.Ltmp0, $4  }
0x13: {  	s25 =	sadd.s32 $0x6000, s6;
	s26 =	sadd.s32 $0x8000, s6;
	[dreg:$0x7] =	wrdreg s24  }
0x14: {  	s12 =	sadd.s32 $0x2B000, s1;
	s1 =	simm.s32 $0x3;
	[dreg:$0x8] =	wrdreg s25  }
0x15: {  	s4 =	simm.s32 $0x0;
	[dreg:$0x9] =	wrdreg s26;
	s23 =	simm.s32 $0xD840  }
0x16: {  	v0 =	vimm.f32 $0.0e+00;
	s24 =	simm.s32 $0x1;
	s26 =	simm.s32 $0xEC40;
	s25 =	simm.s32 $0x4  }
.LBB2_6:
0x17: {  	_ =	swait.ge [sflag:s22], $0x1400  }
0x18: {  	[sflag:s22] =	ssyncset.done $0x0  }
0x19: {  	[sflag:s22] =	ssyncadd.s32 $0xFFFFEC00  }
0x1a: {  	[spmem:s3] =	stream.indirect.scatter.add.f32 [tilespmem:s26], [sflag:$0xA], $0x40, s8, s17, $0xb8;
	[tilespmem:$0x1C040] =	vst v63  }
0x1b: {  	_ =	swait.ge [sflag:s30], $0x1400  }
0x1c: {  	[sflag:s30] =	ssyncset.done $0x0  }
0x1d: {  	[sflag:s30] =	ssyncadd.s32 $0xFFFFEC00  }
0x1e: {  	_ =	swait.ge [sflag:s20], $0x1400  }
0x1f: {  	[sflag:s20] =	ssyncset.done $0x0  }
0x20: {  	[sflag:s20] =	ssyncadd.s32 $0xFFFFEC00  }
0x21: {  	_ =	swait.ge [sflag:s31], $0x1400  }
0x22: {  	[sflag:s31] =	ssyncset.done $0x0  }
0x23: {  	[sflag:s31] =	ssyncadd.s32 $0xFFFFEC00  }
0x24: {  	_ =	swait.ge [sflag:s0], $0x1400  }
0x25: {  	[sflag:s0] =	ssyncset.done $0x0  }
0x26: {  	[sflag:s0] =	ssyncadd.s32 $0xFFFFEC00  }
0x27: {  	s5 =	stileid.u32;
	s7 =	sshrl.u32 s6, $0x3;
	_ =	swait.ge [sflag:s29], $0x1400  }
0x28: {  	s11 =	simm.s32 $0x10;
	s4 =	sadd.s32 $0x1, s4;
	[sflag:s29] =	ssyncset.done $0x0  }
0x29: {  	s5 =	sshll.u32 s5, $0x6;
	p0 =	sne.s32 s4, s13;
	[sflag:s29] =	ssyncadd.s32 $0xFFFFEC00  }
.Ltmp1:
0x2a: {  	s5 =	sor.u32 $0x1C0B, s5;
	[bflag:$0x0] =	sbarrier.arrive $0xFFFF;
	(pc) =	sbr.rel @!p0 .LBB2_7-.Ltmp1, $4  }
0x2b: {  	[hbm:s12@s11], [sflag:s5] =	dma.strided [spmem:s7@s31], $0x1400, s24, $0x8   }
0x2c: {  	_ =	swait.ge [sflag:s14], $0x1400  }
0x2d: {  	[sflag:s14] =	ssyncset.done $0x0  }
0x2e: {  	[sflag:s14] =	ssyncadd.s32 $0xFFFFEC00  }
.LBB2_1:
0x2f: {  	s5 =	simm.s32 $0x0;
	s7 =	rddreg [dreg:$0x4]  }
0x30: {  	[tilespmem:s5], [sflag:$0xB] =	stream.linear.gather [hbm4b:s7+s5], $0x4E20, $0x38;
	[tilespmem:$0x1C040] =	vst v63  }
0x31: {  	_ =	swait.ge [sflag:s14], $0x4E20  }
0x32: {  	[sflag:s14] =	ssyncset.done $0x0  }
0x33: {  	s11 =	rddreg [dreg:$0x5];
	[sflag:s14] =	ssyncadd.s32 $0xFFFFB1E0  }
0x34: {  	[tilespmem:s15], [sflag:$0xB] =	stream.linear.gather [hbm4b:s11+s5], $0x4E20, $0x38;
	[tilespmem:$0x1C040] =	vst v63  }
0x35: {  	_ =	swait.ge [sflag:s14], $0x4E20  }
0x36: {  	[sflag:s14] =	ssyncset.done $0x0  }
0x37: {  	s7 =	simm.s32 $0x100;
	s5 =	simm.s32 $0x0;
	[sflag:s14] =	ssyncadd.s32 $0xFFFFB1E0  }
.LBB2_2:
0x38: {  	p0 =	sne.s32 s7, $0x7F00;
	[tilespmem:s5+$0x10070] =	vst v0;
	s8 =	smov.u32 s7;
	s7 =	sadd.s32 $0x100, s7  }
.Ltmp2:
0x39: {  	[tilespmem:s5+$0x10060] =	vst v0;
	(pc) =	sbr.rel @p0 .LBB2_2-.Ltmp2, $3  }
0x3a: {  	[tilespmem:s5+$0x10040] =	vst v0  }
0x3b: {  	[tilespmem:s5+$0x10050] =	vst v0;
	_ =	sdelay $0x1  }
0x3c: {  	s5 =	sshra.s32 s8, $0x2  }
0x3d: {  	[tilespmem:s5+$0x10070] =	vst v0  }
0x3e: {  	[tilespmem:s5+$0x10060] =	vst v0  }
0x3f: {  	[tilespmem:s5+$0x10040] =	vst v0  }
0x40: {  	[tilespmem:s5+$0x10050] =	vst v0  }
0x41: {  	[spmem:s6] =	stream.linear.scatter [tilespmem:s16], [sflag:$0xB], $0x2000, $0x38;
	[tilespmem:$0x1C040] =	vst v63  }
0x42: {  	_ =	swait.ge [sflag:s14], $0x2000  }
0x43: {  	[sflag:s14] =	ssyncset.done $0x0  }
0x44: {  	s11 =	rddreg [dreg:$0x6];
	[sflag:s14] =	ssyncadd.s32 $0xFFFFE000  }
0x45: {  	[spmem:s11] =	stream.linear.scatter [tilespmem:s16], [sflag:$0xB], $0x2000, $0x38;
	[tilespmem:$0x1C040] =	vst v63  }
0x46: {  	_ =	swait.ge [sflag:s14], $0x2000  }
0x47: {  	[sflag:s14] =	ssyncset.done $0x0  }
0x48: {  	s7 =	rddreg [dreg:$0x7];
	[sflag:s14] =	ssyncadd.s32 $0xFFFFE000  }
0x49: {  	[spmem:s7] =	stream.linear.scatter [tilespmem:s16], [sflag:$0xB], $0x2000, $0x38;
	[tilespmem:$0x1C040] =	vst v63  }
0x4a: {  	_ =	swait.ge [sflag:s14], $0x2000  }
0x4b: {  	[sflag:s14] =	ssyncset.done $0x0  }
0x4c: {  	s8 =	rddreg [dreg:$0x8];
	[sflag:s14] =	ssyncadd.s32 $0xFFFFE000  }
0x4d: {  	[spmem:s8] =	stream.linear.scatter [tilespmem:s16], [sflag:$0xB], $0x2000, $0x38;
	[tilespmem:$0x1C040] =	vst v63  }
0x4e: {  	_ =	swait.ge [sflag:s14], $0x2000  }
0x4f: {  	[sflag:s14] =	ssyncset.done $0x0  }
0x50: {  	s9 =	rddreg [dreg:$0x9];
	[sflag:s14] =	ssyncadd.s32 $0xFFFFE000  }
0x51: {  	[spmem:s9] =	stream.linear.scatter [tilespmem:s16], [sflag:$0xB], $0x2000, $0x38;
	[tilespmem:$0x1C040] =	vst v63  }
0x52: {  	_ =	swait.ge [sflag:s14], $0x2000  }
0x53: {  	[sflag:s14] =	ssyncset.done $0x0  }
0x54: {  	[sflag:s14] =	ssyncadd.s32 $0xFFFFE000  }
0x55: {  	s5 =	simm.s32 $0x0;
	[bflag:$0x0] =	sbarrier.arrive $0xFFFF  }
0x56: {  	[tilespmem:s18], [sflag:$0x1] =	stream.indirect.gather [hbm4b:s2+s17], $0x40, s5, s17, $0xb8;
	[tilespmem:$0x1C040] =	vst v63  }
0x57: {  	_ = 	snop  }
0x58: {  	[tilespmem:s19], [sflag:$0x2] =	stream.indirect.gather [hbm4b:s2+s17], $0x40, s17, s17, $0xb8;
	[tilespmem:$0x1C040] =	vst v63  }
0x59: {  	s7 =	simm.s32 $0xA0  }
0x5a: {  	[tilespmem:s21], [sflag:$0x3] =	stream.indirect.gather [hbm4b:s2+s17], $0x40, s7, s17, $0xb8;
	[tilespmem:$0x1C040] =	vst v63  }
0x5b: {  	s10 =	simm.s32 $0xF0  }
0x5c: {  	[tilespmem:s23], [sflag:$0x4] =	stream.indirect.gather [hbm4b:s2+s17], $0x40, s10, s17, $0xb8;
	[tilespmem:$0x1C040] =	vst v63  }
0x5d: {  	_ =	swait.ge [sflag:s24], $0x1400  }
0x5e: {  	[sflag:s24] =	ssyncset.done $0x0  }
0x5f: {  	[sflag:s24] =	ssyncadd.s32 $0xFFFFEC00  }
0x60: {  	[spmem:s3] =	stream.indirect.scatter.add.f32 [tilespmem:s18], [sflag:$0x6], $0x40, s15, s17, $0xb8;
	[tilespmem:$0x1C040] =	vst v63  }
0x61: {  	s11 =	simm.s32 $0x140  }
0x62: {  	[tilespmem:s26], [sflag:$0x5] =	stream.indirect.gather [hbm4b:s2+s17], $0x40, s11, s17, $0xb8;
	[tilespmem:$0x1C040] =	vst v63  }
0x63: {  	_ =	swait.ge [sflag:s28], $0x1400  }
0x64: {  	[sflag:s28] =	ssyncset.done $0x0  }
0x65: {  	s8 =	simm.s32 $0x4E70;
	[sflag:s28] =	ssyncadd.s32 $0xFFFFEC00  }
0x66: {  	[spmem:s3] =	stream.indirect.scatter.add.f32 [tilespmem:s19], [sflag:$0x7], $0x40, s8, s17, $0xb8;
	[tilespmem:$0x1C040] =	vst v63  }
0x67: {  	_ =	swait.ge [sflag:s30], $0x1400  }
0x68: {  	[sflag:s30] =	ssyncset.done $0x0  }
0x69: {  	s9 =	simm.s32 $0x190;
	[sflag:s30] =	ssyncadd.s32 $0xFFFFEC00  }
0x6a: {  	[tilespmem:s18], [sflag:$0x1] =	stream.indirect.gather [hbm4b:s2+s17], $0x40, s9, s17, $0xb8;
	[tilespmem:$0x1C040] =	vst v63  }
0x6b: {  	_ =	swait.ge [sflag:s1], $0x1400  }
0x6c: {  	[sflag:s1] =	ssyncset.done $0x0  }
0x6d: {  	s10 =	simm.s32 $0x4EC0;
	[sflag:s1] =	ssyncadd.s32 $0xFFFFEC00  }
0x6e: {  	[spmem:s3] =	stream.indirect.scatter.add.f32 [tilespmem:s21], [sflag:$0x8], $0x40, s10, s17, $0xb8;
	[tilespmem:$0x1C040] =	vst v63  }
0x6f: {  	_ =	swait.ge [sflag:s20], $0x1400  }
0x70: {  	[sflag:s20] =	ssyncset.done $0x0  }
0x71: {  	s11 =	simm.s32 $0x1E0;
	[sflag:s20] =	ssyncadd.s32 $0xFFFFEC00  }
0x72: {  	[tilespmem:s19], [sflag:$0x2] =	stream.indirect.gather [hbm4b:s2+s17], $0x40, s11, s17, $0xb8;
	[tilespmem:$0x1C040] =	vst v63  }
0x73: {  	_ =	swait.ge [sflag:s25], $0x1400  }
0x74: {  	[sflag:s25] =	ssyncset.done $0x0  }
0x75: {  	s8 =	simm.s32 $0x4F10;
	[sflag:s25] =	ssyncadd.s32 $0xFFFFEC00  }
0x76: {  	[spmem:s3] =	stream.indirect.scatter.add.f32 [tilespmem:s23], [sflag:$0x9], $0x40, s8, s17, $0xb8;
	[tilespmem:$0x1C040] =	vst v63  }
0x77: {  	_ =	swait.ge [sflag:s31], $0x1400  }
0x78: {  	[sflag:s31] =	ssyncset.done $0x0  }
0x79: {  	s9 =	simm.s32 $0x230;
	[sflag:s31] =	ssyncadd.s32 $0xFFFFEC00  }
0x7a: {  	[tilespmem:s21], [sflag:$0x3] =	stream.indirect.gather [hbm4b:s2+s17], $0x40, s9, s17, $0xb8;
	[tilespmem:$0x1C040] =	vst v63  }
0x7b: {  	_ =	swait.ge [sflag:s22], $0x1400  }
0x7c: {  	[sflag:s22] =	ssyncset.done $0x0  }
0x7d: {  	s10 =	simm.s32 $0x4F60;
	[sflag:s22] =	ssyncadd.s32 $0xFFFFEC00  }
0x7e: {  	[spmem:s3] =	stream.indirect.scatter.add.f32 [tilespmem:s26], [sflag:$0xA], $0x40, s10, s17, $0xb8;
	[tilespmem:$0x1C040] =	vst v63  }
0x7f: {  	_ =	swait.ge [sflag:s0], $0x1400  }
0x80: {  	[sflag:s0] =	ssyncset.done $0x0  }
0x81: {  	s11 =	simm.s32 $0x280;
	[sflag:s0] =	ssyncadd.s32 $0xFFFFEC00  }
0x82: {  	[tilespmem:s23], [sflag:$0x4] =	stream.indirect.gather [hbm4b:s2+s17], $0x40, s11, s17, $0xb8;
	[tilespmem:$0x1C040] =	vst v63  }
.LBB2_4:
0x83: {  	_ =	swait.ge [sflag:s24], $0x1400  }
0x84: {  	s7 =	sshra.s32 s5, $0x2;
	[sflag:s24] =	ssyncset.done $0x0  }
0x85: {  	s8 =	sadd.s32 $0x4FB0, s7;
	[sflag:s24] =	ssyncadd.s32 $0xFFFFEC00  }
0x86: {  	[spmem:s3] =	stream.indirect.scatter.add.f32 [tilespmem:s18], [sflag:$0x6], $0x40, s8, s17, $0xb8;
	[tilespmem:$0x1C040] =	vst v63  }
0x87: {  	_ =	swait.ge [sflag:s29], $0x1400  }
0x88: {  	[sflag:s29] =	ssyncset.done $0x0  }
0x89: {  	s9 =	sadd.s32 $0x2D0, s7;
	[sflag:s29] =	ssyncadd.s32 $0xFFFFEC00  }
0x8a: {  	[tilespmem:s26], [sflag:$0x5] =	stream.indirect.gather [hbm4b:s2+s17], $0x40, s9, s17, $0xb8;
	[tilespmem:$0x1C040] =	vst v63  }
0x8b: {  	_ =	swait.ge [sflag:s28], $0x1400  }
0x8c: {  	p0 =	seq.s32 s5, $0x12C00;
	[sflag:s28] =	ssyncset.done $0x0  }
0x8d: {  	s10 =	sadd.s32 $0x5000, s7;
	s8 =	simm.s32 @p0 $0x3;
	[sflag:s28] =	ssyncadd.s32 $0xFFFFEC00  }
0x8e: {  	[spmem:s3] =	stream.indirect.scatter.add.f32 [tilespmem:s19], [sflag:$0x7], $0x40, s10, s17, $0xb8;
	[tilespmem:$0x1C040] =	vst v63  }
0x8f: {  	_ =	swait.ge @p0 [sflag:s8], $0x1400  }
0x90: {  	[sflag:s8] =	ssyncset.done @p0 $0x0  }
0x91: {  	[sflag:s8] =	ssyncadd.s32 @p0 $0xFFFFEC00;
	s8 =	sshra.s32 @p0 s5, $0x2  }
0x92: {  	s9 =	simm.s32 @p0 $0x50;
	s10 =	simm.s32 @p0 $0xC440;
	s8 =	sadd.s32 @p0 $0x5050, s8  }
0x93: {  	[spmem:s3] =	stream.indirect.scatter.add.f32 @p0 [tilespmem:s10], [sflag:$0x8], $0x40, s8, s9, $0xb8;
	[tilespmem:$0x1C040] =	vst v63  }
0x94: {  	s8 =	simm.s32 @!p0 $0x6  }
0x95: {  	_ =	swait.ge @!p0 [sflag:s8], $0x1400  }
0x96: {  	[sflag:s8] =	ssyncset.done @!p0 $0x0  }
0x97: {  	[sflag:s8] =	ssyncadd.s32 @!p0 $0xFFFFEC00;
	s8 =	sshra.s32 @!p0 s5, $0x2  }
0x98: {  	s11 =	simm.s32 @!p0 $0x9C40;
	s10 =	simm.s32 @!p0 $0x50;
	s9 =	sadd.s32 @!p0 $0x320, s8  }
0x99: {  	[tilespmem:s11], [sflag:$0x1] =	stream.indirect.gather @!p0 [hbm4b:s2+s10], $0x40, s9, s10, $0xb8;
	[tilespmem:$0x1C040] =	vst v63  }
0x9a: {  	s9 =	simm.s32 @!p0 $0x3  }
0x9b: {  	_ =	swait.ge @!p0 [sflag:s9], $0x1400  }
0x9c: {  	[sflag:s9] =	ssyncset.done @!p0 $0x0  }
0x9d: {  	s11 =	simm.s32 @!p0 $0xC440;
	[sflag:s9] =	ssyncadd.s32 @!p0 $0xFFFFEC00;
	s9 =	sadd.s32 @!p0 $0x5050, s8  }
0x9e: {  	[spmem:s3] =	stream.indirect.scatter.add.f32 @!p0 [tilespmem:s11], [sflag:$0x8], $0x40, s9, s10, $0xb8;
	[tilespmem:$0x1C040] =	vst v63  }
0x9f: {  	s9 =	simm.s32 @!p0 $0x7  }
0xa0: {  	_ =	swait.ge @!p0 [sflag:s9], $0x1400  }
0xa1: {  	[sflag:s9] =	ssyncset.done @!p0 $0x0  }
0xa2: {  	s8 =	sadd.s32 @!p0 $0x370, s8;
	[sflag:s9] =	ssyncadd.s32 @!p0 $0xFFFFEC00;
	s9 =	simm.s32 @!p0 $0xB040  }
0xa3: {  	[tilespmem:s9], [sflag:$0x2] =	stream.indirect.gather @!p0 [hbm4b:s2+s10], $0x40, s8, s10, $0xb8;
	[tilespmem:$0x1C040] =	vst v63  }
.Ltmp3:
0xa4: {  	_ = 	snop;
	(pc) =	sbr.rel @p0 .LBB2_6-.Ltmp3, $4  }
0xa5: {  	_ =	swait.ge [sflag:s25], $0x1400  }
0xa6: {  	[sflag:s25] =	ssyncset.done $0x0  }
0xa7: {  	s11 =	sadd.s32 $0x50A0, s7;
	s8 =	sadd.s32 $0x50F0, s7;
	[sflag:s25] =	ssyncadd.s32 $0xFFFFEC00  }
0xa8: {  	[spmem:s3] =	stream.indirect.scatter.add.f32 [tilespmem:s23], [sflag:$0x9], $0x40, s11, s17, $0xb8;
	[tilespmem:$0x1C040] =	vst v63  }
0xa9: {  	_ =	swait.ge [sflag:s31], $0x1400  }
0xaa: {  	[sflag:s31] =	ssyncset.done $0x0  }
0xab: {  	s9 =	sadd.s32 $0x3C0, s7;
	[sflag:s31] =	ssyncadd.s32 $0xFFFFEC00  }
0xac: {  	[tilespmem:s21], [sflag:$0x3] =	stream.indirect.gather [hbm4b:s2+s17], $0x40, s9, s17, $0xb8;
	[tilespmem:$0x1C040] =	vst v63  }
0xad: {  	_ =	swait.ge [sflag:s22], $0x1400  }
0xae: {  	[sflag:s22] =	ssyncset.done $0x0  }
0xaf: {  	[sflag:s22] =	ssyncadd.s32 $0xFFFFEC00  }
0xb0: {  	[spmem:s3] =	stream.indirect.scatter.add.f32 [tilespmem:s26], [sflag:$0xA], $0x40, s8, s17, $0xb8;
	[tilespmem:$0x1C040] =	vst v63  }
.Ltmp4:
0xb1: {  	_ = 	snop;
	(pc) =	sbr.rel .LBB2_4-.Ltmp4, $4  }
0xb2: {  	_ =	swait.ge [sflag:s0], $0x1400  }
0xb3: {  	[sflag:s0] =	ssyncset.done $0x0  }
0xb4: {  	s11 =	sadd.s32 $0x410, s7;
	s5 =	sadd.s32 $0x640, s5;
	[sflag:s0] =	ssyncadd.s32 $0xFFFFEC00  }
0xb5: {  	[tilespmem:s23], [sflag:$0x4] =	stream.indirect.gather [hbm4b:s2+s17], $0x40, s11, s17, $0xb8;
	[tilespmem:$0x1C040] =	vst v63  }
.LBB2_7:
0xb6: {  	_ =	sfence.sel $0x180000  }
0xb7: {  	[bflag:$0x0] =	sbarrier.arrive $0xFFFF  }
0xb8: {  	_ =	strace $0x9000004D  }
0xb9: {  	s0 =	stileid.u32;
	[bflag:$0x2] =	sbarrier.arrive $0xFFFF  }
0xba: {  	p0 =	sne.s32 s0, $0x0;
	s0 =	rddreg [dreg:$0x3]  }
0xbb: {  	s0 =	sadd.s32 @!p0 $0x100000, s0  }
0xbc: {  	[sflag:s0] =	ssyncadd.tile.s32 @!p0 $0x1;
	_ =	shalt  }
.Lfunc_end2:
_tile_overlayer_lowered:
.L_overlay_start_2:
0xbd: {  	(tag) =	ssettag $0x2  }
0xbe: {  	s0 =	rddreg [dreg:$0x0];
	s2 =	stileid.u32  }
0xbf: {  	s1 =	rddreg [dreg:$0x1];
	p0 =	sne.s32 s2, $0x0  }
0xc0: {  	s3 =	rddreg [dreg:$0x2];
	[bflag:$0x3] =	sbarrier.arrive $0xFFFF;
	s2 =	simm.s32 @!p0 $0x1C0B  }
0xc1: {  	[timem:s3], [sflag:s2] =	dma.local @!p0 [hbm:s0], s1  }
0xc2: {  	s0 =	simm.s32 @!p0 $0xB  }
0xc3: {  	_ =	swait.ge @!p0 [sflag:s0], s1  }
0xc4: {  	s1 =	ssub.s32 @!p0 $0x0, s1;
	[sflag:s0] =	ssyncset.done @!p0 $0x0  }
0xc5: {  	[sflag:s0] =	ssyncadd.s32 @!p0 s1  }
0xc6: {  	[bflag:$0x3] =	sbarrier.arrive $0xFFFF  }
0xc7: {  	_ =	shalt  }

// kernel: kernel.8.cloned.1.call-start
scs
__scs_entry_jumppad:
0x0: {  	(pc) =	sbr.rel $0x88, $3  }
0x1: {  	(tag) =	ssettag $0x0;
	lr =	simm.s32 $0x1  }
0x2: {  	[smem:$0x3F93] =	sst lr;
	_ =	strace $0xD0000000  }
0x3: {  	_ = 	snop  }
0x4: {  	_ = 	snop  }
0x5: {  	_ = 	snop  }
0x6: {  	_ = 	snop  }
0x7: {  	_ = 	snop  }
__scs_overlays_trampoline_lowered:
0x8: {  	[smem:$0x3FA2] =	sst s0  }
0x9: {  	[smem:$0x3FA3] =	sst s1  }
0xa: {  	[smem:$0x3FA4] =	sst s2  }
0xb: {  	[smem:$0x3FA5] =	sst s3  }
0xc: {  	[smem:$0x3FA6] =	sst s4  }
0xd: {  	[smem:$0x3FA7] =	sst s5  }
0xe: {  	[smem:$0x3FA8] =	sst s6  }
0xf: {  	[smem:$0x3FA9] =	sst s7  }
0x10: {  	[smem:$0x3FAA] =	sst s8  }
0x11: {  	[smem:$0x3FAB] =	sst s9;
	s0 =	simm.s32 @!p0 $0x0  }
0x12: {  	s1 =	sld [smem:$0x3F91];
	s0 =	simm.s32 @p0 $0x1  }
0x13: {  	[smem:$0x3FAC] =	sst s0;
	s0 =	simm.s32 @!p1 $0x0  }
0x14: {  	s2 =	sld [smem:$0x3F90];
	s0 =	simm.s32 @p1 $0x1  }
0x15: {  	[smem:$0x3FAD] =	sst s0;
	s0 =	simm.s32 @!p2 $0x0  }
0x16: {  	s3 =	sld [smem:$0x3FDB];
	s0 =	simm.s32 @p2 $0x1  }
0x17: {  	s4 =	simm.s32 $0x1BF5;
	[smem:$0x3FAF] =	sst s0  }
0x18: {  	s0 =	sld [smem:$0x3F92];
	_ =	swait.ge [sflag:s4], $0x0  }
0x19: {  	s7 =	sld [smem:$0x3F93]  }
0x1a: {  	s8 =	sadd.s32 $0xFFFFE003, lr  }
0x1b: {  	s9 =	sadd.s32 $0xFFFFFEF7, lr;
	s5 =	simm.s32 $0xFFFFFFFF;
	p2 =	slt.u32 s8, $0xFFFFF086  }
0x1c: {  	p1 =	slt.u32 s9, $0xF7A;
	s5 =	simm.s32 @!p2 $0x0  }
0x1d: {  	s5 =	simm.s32 @p1 $0x1;
	p0 =	seq.s32 s7, s2  }
0x1e: {  	s7 =	smul.u32 @!p0 $0xF7A, s2;
	p2 =	seq.s32 @!p0 s5, $0x0  }
0x1f: {  	s9 =	smul.u32 $0xF7A, s1;
	s8 =	simm.s32 @!p0 $0x1BF5;
	p2 =	por !p2, p0  }
0x20: {  	[sflag:s8] =	ssyncset.s32 @!p0 $0xFFFFF086;
	s6 =	sadd.s32 @!p0 s3, s7;
	s7 =	simm.s32 @!p0 $0x108  }
0x21: {  	s3 =	sadd.s32 s3, s9;
	s6 =	sadd.s32 @!p0 $0x88, s6;
	s7 =	simm.s32 @p2 $0x1082  }
0x22: {  	[simem:s7], [sflag:s8] =	dma.local @!p0 [hbm:s6], $0xF7A  }
0x23: {  	s9 =	sor.u32 $0xD0000000, s2;
	s6 =	simm.s32 $0x108;
	_ =	swait.ge @!p0 [sflag:s8], $0x0  }
0x24: {  	s3 =	sadd.s32 $0x88, s3;
	s6 =	simm.s32 @!p1 $0x1082;
	[sflag:s4] =	ssyncset.s32 $0xFFFFF086  }
0x25: {  	[simem:s6], [sflag:s4] =	dma.local [hbm:s3], $0xF7A  }
0x26: {  	[smem:$0x3F93] =	sst s1;
	(tag) =	ssettag s2;
	_ =	strace s9  }
0x27: {  	s1 =	sld [smem:$0x3FA3]  }
0x28: {  	s2 =	sld [smem:$0x3FA4]  }
0x29: {  	s4 =	sld [smem:$0x3FA6]  }
0x2a: {  	p0 =	seq.s32 s5, $0x0;
	s5 =	sld [smem:$0x3FA7]  }
0x2b: {  	s6 =	sld [smem:$0x3FA8]  }
0x2c: {  	s7 =	sld [smem:$0x3FA9]  }
0x2d: {  	s3 =	simm.s32 $0x108;
	s8 =	sld [smem:$0x3FAA]  }
0x2e: {  	s3 =	simm.s32 @!p0 $0x1082;
	s9 =	sld [smem:$0x3FAB]  }
0x2f: {  	lr =	sadd.s32 s0, s3;
	s0 =	sld [smem:$0x3FA2]  }
0x30: {  	s3 =	sld [smem:$0x3FA5]  }
0x31: {  	[smem:$0x3FAE] =	sst s10  }
0x32: {  	s10 =	sld [smem:$0x3FAC];
	_ =	sdelay $0x3  }
0x33: {  	p0 =	seq.s32 s10, $0x1;
	s10 =	sld [smem:$0x3FAE];
	_ =	sdelay $0x3  }
0x34: {  	[smem:$0x3FAE] =	sst s10  }
0x35: {  	s10 =	sld [smem:$0x3FAD];
	_ =	sdelay $0x3  }
0x36: {  	p1 =	seq.s32 s10, $0x1;
	s10 =	sld [smem:$0x3FAE];
	_ =	sdelay $0x3  }
0x37: {  	[smem:$0x3FAE] =	sst s10  }
0x38: {  	s10 =	sld [smem:$0x3FAF]  }
0x39: {  	_ = 	snop;
	(pc) =	sbr.ind lr, $3  }
0x3a: {  	_ = 	snop  }
0x3b: {  	_ = 	snop  }
0x3c: {  	p2 =	seq.s32 s10, $0x1;
	s10 =	sld [smem:$0x3FAE]  }
0x3d: {  	_ =	shalt  }
0x3e: {  	_ =	shalt  }
0x3f: {  	_ =	shalt  }
0x40: {  	_ =	shalt  }
0x41: {  	_ =	shalt  }
0x42: {  	_ =	shalt  }
0x43: {  	_ =	shalt  }
0x44: {  	_ =	shalt  }
0x45: {  	_ =	shalt  }
0x46: {  	_ =	shalt  }
0x47: {  	_ =	shalt  }
0x48: {  	_ =	shalt  }
0x49: {  	_ =	shalt  }
0x4a: {  	_ =	shalt  }
0x4b: {  	_ =	shalt  }
0x4c: {  	_ =	shalt  }
0x4d: {  	_ =	shalt  }
0x4e: {  	_ =	shalt  }
0x4f: {  	_ =	shalt  }
0x50: {  	_ =	shalt  }
0x51: {  	_ =	shalt  }
0x52: {  	_ =	shalt  }
0x53: {  	_ =	shalt  }
0x54: {  	_ =	shalt  }
0x55: {  	_ =	shalt  }
0x56: {  	_ =	shalt  }
0x57: {  	_ =	shalt  }
0x58: {  	_ =	shalt  }
0x59: {  	_ =	shalt  }
0x5a: {  	_ =	shalt  }
0x5b: {  	_ =	shalt  }
0x5c: {  	_ =	shalt  }
0x5d: {  	_ =	shalt  }
0x5e: {  	_ =	shalt  }
0x5f: {  	_ =	shalt  }
0x60: {  	_ =	shalt  }
0x61: {  	_ =	shalt  }
0x62: {  	_ =	shalt  }
0x63: {  	_ =	shalt  }
0x64: {  	_ =	shalt  }
0x65: {  	_ =	shalt  }
0x66: {  	_ =	shalt  }
0x67: {  	_ =	shalt  }
0x68: {  	_ =	shalt  }
0x69: {  	_ =	shalt  }
0x6a: {  	_ =	shalt  }
0x6b: {  	_ =	shalt  }
0x6c: {  	_ =	shalt  }
0x6d: {  	_ =	shalt  }
0x6e: {  	_ =	shalt  }
0x6f: {  	_ =	shalt  }
0x70: {  	_ =	shalt  }
0x71: {  	_ =	shalt  }
0x72: {  	_ =	shalt  }
0x73: {  	_ =	shalt  }
0x74: {  	_ =	shalt  }
0x75: {  	_ =	shalt  }
0x76: {  	_ =	shalt  }
0x77: {  	_ =	shalt  }
0x78: {  	_ =	shalt  }
0x79: {  	_ =	shalt  }
0x7a: {  	_ =	shalt  }
0x7b: {  	_ =	shalt  }
0x7c: {  	_ =	shalt  }
0x7d: {  	_ =	shalt  }
0x7e: {  	_ =	shalt  }
0x7f: {  	_ =	shalt  }
0x80: {  	_ =	shalt  }
0x81: {  	_ =	shalt  }
0x82: {  	_ =	shalt  }
0x83: {  	_ =	shalt  }
0x84: {  	_ =	shalt  }
0x85: {  	_ =	shalt  }
0x86: {  	_ =	shalt  }
0x87: {  	_ =	shalt  }
.Lfunc_end0:
.L_simem_size_0:
called_computation_lowered:
.L_overlay_start_0:
0x88: {  	s2 =	sld [smem:$0x3FD9]  }
0x89: {  	s3 =	sld [smem:$0x3FFE];
	_ =	sdelay $0x1  }
0x8a: {  	s1 =	srdreg.scid  }
0x8b: {  	s0 =	sand.u32 $0x1, s1  }
0x8c: {  	s16 =	sshll.u32 s0, $0xA;
	s2 =	sadd.s32 s3, s2  }
0x8d: {  	s2 =	sadd.s32 s2, s16  }
0x8e: {  	[smem:$0x3FBA] =	sst s2  }
0x8f: {  	_ = 	snop  }
0x90: {  	(tm) =	ssettm $0x1  }
0x91: {  	s17 =	sld [smem:$0x3FFB];
	_ =	sdelay $0x3  }
0x92: {  	_ =	strace s17  }
0x93: {  	s2 =	sld [smem:$0x3FFC];
	_ =	sdelay $0x3  }
0x94: {  	_ =	strace s2  }
0x95: {  	s2 =	sld [smem:$0x3FFD];
	_ =	sdelay $0x3  }
0x96: {  	_ =	strace s2  }
0x97: {  	_ =	strace $0x8FFFFFFF  }
0x98: {  	s18 =	sld [smem:$0x3FDB];
	_ =	sdelay $0x1  }
0x99: {  	s19 =	simm.s32 $_scs_section_size  }
0x9a: {  	s4 =	simm.s32 $_size__tile_overlayer_lowered;
	s5 =	simm.s32 $_tile_overlayer_lowered  }
0x9b: {  	s22 =	simm.s32 $0x1BFF;
	s21 =	sshll.u32 s5, $0x1;
	s2 =	sadd.s32 s19, s18  }
0x9c: {  	s6 =	simm.s32 $0x0;
	s20 =	sshll.u32 s4, $0x1;
	s4 =	sadd.s32 s21, s2  }
0x9d: {  	[timem:s6], [sflag:s22] =	dma.local [hbm:s4], s20  }
0x9e: {  	_ =	swait.ge [sflag:s22], s20  }
0x9f: {  	s3 =	ssub.s32 $0x0, s20;
	[sflag:s22] =	ssyncset.done $0x0  }
0xa0: {  	[sflag:s22] =	ssyncadd.s32 s3;
	_ =	sdelay $0x1  }
0xa1: {  	s23 =	simm.s32 $0x1B8B  }
0xa2: {  	_ =	swait.ge [sflag:s23], $0x1  }
0xa3: {  	[sflag:s23] =	ssyncset.done $0x0  }
0xa4: {  	s25 =	simm.s32 $0x1B8E;
	s24 =	sld [smem:$0x3FFE];
	[sflag:s23] =	ssyncadd.s32 $0xFFFFFFFF  }
0xa5: {  	s26 =	simm.s32 $execute0_lowered;
	[smem:$0x3FD2] =	sst s25  }
0xa6: {  	s4 =	sshll.u32 s26, $0x1;
	_ =	strace $0x80000046;
	[dreg:$0x1] =	wrdreg $0xFFFFFFFF  }
0xa7: {  	s28 =	simm.s32 $_size_execute0_lowered;
	s2 =	sadd.s32 s2, s4;
	[dreg:$0x0] =	wrdreg $0x0  }
0xa8: {  	s4 =	sshll.u32 s28, $0x1;
	[dreg:$0x2] =	wrdreg s2  }
0xa9: {  	[dreg:$0x3] =	wrdreg s4  }
0xaa: {  	[dreg:$0x4] =	wrdreg $0xC0  }
0xab: {  	_ =	task [dreg:s6], $0x5FFFF  }
0xac: {  	[dreg:$0x1] =	wrdreg $0xFFFFFFFF  }
0xad: {  	[dreg:$0x0] =	wrdreg $0x60  }
0xae: {  	[dreg:$0x2] =	wrdreg s24  }
0xaf: {  	[dreg:$0x3] =	wrdreg $0x54100  }
0xb0: {  	[dreg:$0x4] =	wrdreg $0x9  }
0xb1: {  	_ =	task.clear_ibuf [dreg:s6], $0x5FFFF;
	_ =	strace $0x90000046  }
0xb2: {  	s29 =	simm.s32 $0x9;
	_ =	strace $0x80000048  }
0xb3: {  	_ =	swait.ge [sflag:s29], $0x1  }
0xb4: {  	[sflag:s29] =	ssyncadd.s32 $0xFFFFFFFF  }
0xb5: {  	_ =	strace $0x90000048  }
0xb6: {  	_ =	sfence  }
0xb7: {  	s30 =	sld [smem:$0x0];
	_ =	sdelay $0x2  }
0xb8: {  	s31 =	sshll.u32 s1, $0xD;
	s1 =	sshrl.u32 s1, $0x2  }
0xb9: {  	s3 =	sand.u32 $0x4000, s31;
	s1 =	sadd.s32 s1, s30  }
0xba: {  	s0 =	sor.u32 s3, s0;
	s1 =	sshll.u32 s1, $0x11  }
0xbb: {  	s0 =	sor.u32 s1, s0  }
0xbc: {  	s0 =	sadd.s32 $0x8F2B, s0  }
0xbd: {  	[sflag:s0] =	ssyncadd.remote.s32 $0x1  }
0xbe: {  	_ =	sfence.sel $0xFFFF  }
0xbf: {  	[dreg:$0x0] =	wrdreg $0xFFFFFFFF;
	(pc) =	sbr.abs _section_cstart, $3  }
0xc0: {  	[dreg:$0x1] =	wrdreg $0xFFFFFFFF  }
0xc1: {  	_ =	task.clear_ibuf [dreg:s6], $0x2FFFF;
	_ =	strace $0x9FFFFFFF  }
0xc2: {  	(tm) =	ssettm $0x7FFFFFFF  }
0xc3: {  	_ =	shalt  }
tec
execute0_lowered:
.L_overlay_start_1:
0x0: {  	(tag) =	ssettag $0x1  }
0x1: {  	s1 =	srdreg.scid;
	s4 =	rddreg [dreg:$0x0]  }
0x2: {  	s0 =	stileid.u32;
	s2 =	rddreg [dreg:$0x1];
	s3 =	simm.s32 $0x0  }
0x3: {  	s10 =	simm.s32 $0x50;
	s11 =	simm.s32 $0x2710;
	s12 =	simm.s32 $0xA0  }
0x4: {  	s13 =	simm.s32 $0xF0;
	s14 =	simm.s32 $0x140;
	s15 =	simm.s32 $0x1  }
0x5: {  	s16 =	simm.s32 $0x2;
	s17 =	simm.s32 $0x3;
	s18 =	simm.s32 $0x4  }
0x6: {  	s19 =	simm.s32 $0x5;
	s21 =	simm.s32 $0x0;
	s6 =	smul.u32 $0x4E20, s0  }
0x7: {  	s5 =	sand.u32 $0x1, s1;
	s1 =	rddreg [dreg:$0x2];
	s8 =	smul.u32 $0x2800, s0  }
0x8: {  	[smem:$0x7FF] =	sst s3;
	s20 =	sshll.u32 s0, $0x6;
	s7 =	smul.u32 $0x2710, s5  }
0x9: {  	s9 =	smul.u32 $0x28000, s5;
	_ =	strace $0x80000047;
	s5 =	ssub.s32 $0x2, s5  }
0xa: {  	s20 =	sor.u32 $0x1C06, s20;
	s31 =	sshrl.u32 s5, $0x1;
	s6 =	sadd.s32 s7, s6  }
0xb: {  	s30 =	sadd.s32 s8, s9;
	s9 =	ssub.s32 s5, s31;
	s6 =	sshrl.u32 s6, $0x3  }
0xc: {  	s5 =	sadd.s32 s8, s2;
	s7 =	sshrl.u32 s30, $0x3;
	s6 =	sadd.s32 s6, s4  }
0xd: {  	s8 =	simm.s32 $0x6;
	s7 =	sadd.s32 s7, s4;
	s4 =	sadd.s32 $0x3800, s6  }
0xe: {  	v0 =	vimm.f32 $0.0e+00;
	v1 =	vimm.f32 $1.000000000e+00;
	s6 =	sadd.s32 $0xD600, s7;
	s7 =	smax.u32 s9, $0x1;
	s9 =	simm.s32 $0x2C10  }
.LBB2_1:
0xf: {  	[tilespmem:s3], [sflag:$0x6] =	stream.linear.gather [hbm4b:s4+s3], $0x2710, $0x38;
	[tilespmem:$0x7C10] =	vst v63  }
0x10: {  	_ =	swait.ge [sflag:s8], $0x2710  }
0x11: {  	[sflag:s8] =	ssyncset.done $0x0  }
0x12: {  	s22 =	simm.s32 $0x40;
	s23 =	simm.s32 $0x0;
	[sflag:s8] =	ssyncadd.s32 $0xFFFFD8F0  }
.LBB2_2:
0x13: {  	p0 =	sne.s32 s22, $0x9FC0;
	[tilespmem:s23+$0x2C10] =	vst v0;
	s23 =	smov.u32 s22;
	s22 =	sadd.s32 $0x40, s22  }
.Ltmp0:
0x14: {  	(pc) =	sbr.rel @p0 .LBB2_2-.Ltmp0, $2  }
0x15: {  	_ =	sdelay $0x2  }
0x16: {  	s23 =	sshra.s32 s23, $0x2  }
0x17: {  	[tilespmem:s23+$0x2C10] =	vst v0  }
0x18: {  	[spmem:s5] =	stream.linear.scatter [tilespmem:s9], [sflag:$0x6], $0x2800, $0x38;
	[tilespmem:$0x7C10] =	vst v63  }
0x19: {  	_ =	swait.ge [sflag:s8], $0x2800  }
0x1a: {  	[sflag:s8] =	ssyncset.done $0x0  }
0x1b: {  	s22 =	simm.s32 $0x40;
	s23 =	simm.s32 $0x0;
	[sflag:s8] =	ssyncadd.s32 $0xFFFFD800  }
.LBB2_4:
0x1c: {  	p0 =	sne.s32 s22, $0x13C0;
	[tilespmem:s23+$0x2710] =	vst v1;
	s23 =	smov.u32 s22;
	s22 =	sadd.s32 $0x40, s22  }
.Ltmp1:
0x1d: {  	(pc) =	sbr.rel @p0 .LBB2_4-.Ltmp1, $2  }
0x1e: {  	_ =	sdelay $0x2  }
0x1f: {  	s23 =	sshra.s32 s23, $0x2  }
0x20: {  	[tilespmem:s23+$0x2710] =	vst v1  }
0x21: {  	[bflag:$0x0] =	sbarrier.arrive $0xFFFF  }
0x22: {  	[spmem:s2] =	stream.indirect.scatter.add.f32 [tilespmem:s11], [sflag:$0x1], $0x10, s3, s10, $0xb8;
	[tilespmem:$0x7C10] =	vst v63  }
0x23: {  	_ = 	snop  }
0x24: {  	[spmem:s2] =	stream.indirect.scatter.add.f32 [tilespmem:s11], [sflag:$0x2], $0x10, s10, s10, $0xb8;
	[tilespmem:$0x7C10] =	vst v63  }
0x25: {  	_ = 	snop  }
0x26: {  	[spmem:s2] =	stream.indirect.scatter.add.f32 [tilespmem:s11], [sflag:$0x3], $0x10, s12, s10, $0xb8;
	[tilespmem:$0x7C10] =	vst v63  }
0x27: {  	_ = 	snop  }
0x28: {  	[spmem:s2] =	stream.indirect.scatter.add.f32 [tilespmem:s11], [sflag:$0x4], $0x10, s13, s10, $0xb8;
	[tilespmem:$0x7C10] =	vst v63  }
0x29: {  	_ = 	snop  }
0x2a: {  	[spmem:s2] =	stream.indirect.scatter.add.f32 [tilespmem:s11], [sflag:$0x5], $0x10, s14, s10, $0xb8;
	[tilespmem:$0x7C10] =	vst v63  }
0x2b: {  	_ =	swait.ge [sflag:s15], $0x500  }
0x2c: {  	[sflag:s15] =	ssyncset.done $0x0  }
0x2d: {  	s22 =	simm.s32 $0x190;
	[sflag:s15] =	ssyncadd.s32 $0xFFFFFB00  }
0x2e: {  	[spmem:s2] =	stream.indirect.scatter.add.f32 [tilespmem:s11], [sflag:$0x1], $0x10, s22, s10, $0xb8;
	[tilespmem:$0x7C10] =	vst v63  }
0x2f: {  	_ =	swait.ge [sflag:s16], $0x500  }
0x30: {  	[sflag:s16] =	ssyncset.done $0x0  }
0x31: {  	s29 =	simm.s32 $0x1E0;
	[sflag:s16] =	ssyncadd.s32 $0xFFFFFB00  }
0x32: {  	[spmem:s2] =	stream.indirect.scatter.add.f32 [tilespmem:s11], [sflag:$0x2], $0x10, s29, s10, $0xb8;
	[tilespmem:$0x7C10] =	vst v63  }
0x33: {  	_ =	swait.ge [sflag:s17], $0x500  }
0x34: {  	[sflag:s17] =	ssyncset.done $0x0  }
0x35: {  	s30 =	simm.s32 $0x230;
	[sflag:s17] =	ssyncadd.s32 $0xFFFFFB00  }
0x36: {  	[spmem:s2] =	stream.indirect.scatter.add.f32 [tilespmem:s11], [sflag:$0x3], $0x10, s30, s10, $0xb8;
	[tilespmem:$0x7C10] =	vst v63  }
0x37: {  	_ =	swait.ge [sflag:s18], $0x500  }
0x38: {  	[sflag:s18] =	ssyncset.done $0x0  }
0x39: {  	s31 =	simm.s32 $0x280;
	[sflag:s18] =	ssyncadd.s32 $0xFFFFFB00  }
0x3a: {  	[spmem:s2] =	stream.indirect.scatter.add.f32 [tilespmem:s11], [sflag:$0x4], $0x10, s31, s10, $0xb8;
	[tilespmem:$0x7C10] =	vst v63  }
0x3b: {  	_ =	swait.ge [sflag:s19], $0x500  }
0x3c: {  	[sflag:s19] =	ssyncset.done $0x0  }
0x3d: {  	s23 =	simm.s32 $0x2D0;
	s22 =	simm.s32 $0xFFFF7040;
	[sflag:s19] =	ssyncadd.s32 $0xFFFFFB00  }
.LBB2_6:
0x3e: {  	[spmem:s2] =	stream.indirect.scatter.add.f32 [tilespmem:s11], [sflag:$0x5], $0x10, s23, s10, $0xb8;
	[tilespmem:$0x7C10] =	vst v63  }
0x3f: {  	s23 =	smov.u32 s22  }
0x40: {  	p0 =	sne.s32 s22, $0xFFFFF9C0;
	s22 =	sadd.s32 $0x640, s22;
	_ =	swait.ge [sflag:s15], $0x500  }
0x41: {  	s23 =	sshra.s32 s23, $0x2;
	[sflag:s15] =	ssyncset.done $0x0  }
0x42: {  	s24 =	sadd.s32 $0x2710, s23;
	[sflag:s15] =	ssyncadd.s32 $0xFFFFFB00  }
0x43: {  	[spmem:s2] =	stream.indirect.scatter.add.f32 [tilespmem:s11], [sflag:$0x1], $0x10, s24, s10, $0xb8;
	[tilespmem:$0x7C10] =	vst v63  }
0x44: {  	_ =	swait.ge [sflag:s16], $0x500  }
0x45: {  	[sflag:s16] =	ssyncset.done $0x0  }
0x46: {  	s24 =	sadd.s32 $0x2760, s23;
	[sflag:s16] =	ssyncadd.s32 $0xFFFFFB00  }
0x47: {  	[spmem:s2] =	stream.indirect.scatter.add.f32 [tilespmem:s11], [sflag:$0x2], $0x10, s24, s10, $0xb8;
	[tilespmem:$0x7C10] =	vst v63  }
0x48: {  	_ =	swait.ge [sflag:s17], $0x500  }
0x49: {  	[sflag:s17] =	ssyncset.done $0x0  }
0x4a: {  	s24 =	sadd.s32 $0x27B0, s23;
	[sflag:s17] =	ssyncadd.s32 $0xFFFFFB00  }
0x4b: {  	[spmem:s2] =	stream.indirect.scatter.add.f32 [tilespmem:s11], [sflag:$0x3], $0x10, s24, s10, $0xb8;
	[tilespmem:$0x7C10] =	vst v63  }
0x4c: {  	_ =	swait.ge [sflag:s18], $0x500  }
0x4d: {  	[sflag:s18] =	ssyncset.done $0x0  }
.Ltmp2:
0x4e: {  	s24 =	sadd.s32 $0x2800, s23;
	[sflag:s18] =	ssyncadd.s32 $0xFFFFFB00;
	(pc) =	sbr.rel @p0 .LBB2_6-.Ltmp2, $4  }
0x4f: {  	[spmem:s2] =	stream.indirect.scatter.add.f32 [tilespmem:s11], [sflag:$0x4], $0x10, s24, s10, $0xb8;
	[tilespmem:$0x7C10] =	vst v63  }
0x50: {  	_ =	swait.ge [sflag:s19], $0x500  }
0x51: {  	[sflag:s19] =	ssyncset.done $0x0  }
0x52: {  	s23 =	sadd.s32 $0x2850, s23;
	[sflag:s19] =	ssyncadd.s32 $0xFFFFFB00  }
0x53: {  	[spmem:s2] =	stream.indirect.scatter.add.f32 [tilespmem:s11], [sflag:$0x5], $0x10, s23, s10, $0xb8;
	[tilespmem:$0x7C10] =	vst v63  }
0x54: {  	_ =	swait.ge [sflag:s15], $0x500  }
0x55: {  	[sflag:s15] =	ssyncset.done $0x0  }
0x56: {  	[sflag:s15] =	ssyncadd.s32 $0xFFFFFB00  }
0x57: {  	_ =	swait.ge [sflag:s16], $0x500  }
0x58: {  	[sflag:s16] =	ssyncset.done $0x0  }
0x59: {  	[sflag:s16] =	ssyncadd.s32 $0xFFFFFB00  }
0x5a: {  	_ =	swait.ge [sflag:s17], $0x500  }
0x5b: {  	[sflag:s17] =	ssyncset.done $0x0  }
0x5c: {  	[sflag:s17] =	ssyncadd.s32 $0xFFFFFB00  }
0x5d: {  	_ =	swait.ge [sflag:s18], $0x500  }
0x5e: {  	[sflag:s18] =	ssyncset.done $0x0  }
0x5f: {  	[sflag:s18] =	ssyncadd.s32 $0xFFFFFB00  }
0x60: {  	_ =	swait.ge [sflag:s19], $0x500  }
0x61: {  	s21 =	sadd.s32 $0x1, s21;
	[sflag:s19] =	ssyncset.done $0x0  }
0x62: {  	p0 =	sne.s32 s21, s7;
	[sflag:s19] =	ssyncadd.s32 $0xFFFFFB00  }
.Ltmp3:
0x63: {  	s22 =	sshrl.u32 s5, $0x3;
	[bflag:$0x0] =	sbarrier.arrive $0xFFFF;
	(pc) =	sbr.rel @p0 .LBB2_1-.Ltmp3, $4  }
0x64: {  	[hbm:s6], [sflag:s20] =	dma.local [spmem:s22], $0x500  }
0x65: {  	_ =	swait.ge [sflag:s8], $0x500  }
0x66: {  	[sflag:s8] =	ssyncset.done $0x0  }
0x67: {  	[sflag:s8] =	ssyncadd.s32 $0xFFFFFB00  }
0x68: {  	_ =	sfence.sel $0x180000  }
0x69: {  	[bflag:$0x0] =	sbarrier.arrive $0xFFFF  }
0x6a: {  	p0 =	sne.s32 s0, $0x0;
	_ =	strace $0x90000047  }
0x6b: {  	s0 =	sadd.s32 @!p0 $0x100000, s1;
	[bflag:$0x2] =	sbarrier.arrive $0xFFFF  }
0x6c: {  	[sflag:s0] =	ssyncadd.tile.s32 @!p0 $0x1;
	_ =	shalt  }
.Lfunc_end2:
_tile_overlayer_lowered:
.L_overlay_start_2:
0x6d: {  	(tag) =	ssettag $0x2  }
0x6e: {  	s0 =	rddreg [dreg:$0x0];
	s2 =	stileid.u32  }
0x6f: {  	s1 =	rddreg [dreg:$0x1];
	p0 =	sne.s32 s2, $0x0  }
0x70: {  	s3 =	rddreg [dreg:$0x2];
	[bflag:$0x3] =	sbarrier.arrive $0xFFFF;
	s2 =	simm.s32 @!p0 $0x1C06  }
0x71: {  	[timem:s3], [sflag:s2] =	dma.local @!p0 [hbm:s0], s1  }
0x72: {  	s0 =	simm.s32 @!p0 $0x6  }
0x73: {  	_ =	swait.ge @!p0 [sflag:s0], s1  }
0x74: {  	s1 =	ssub.s32 @!p0 $0x0, s1;
	[sflag:s0] =	ssyncset.done @!p0 $0x0  }
0x75: {  	[sflag:s0] =	ssyncadd.s32 @!p0 s1  }
0x76: {  	[bflag:$0x3] =	sbarrier.arrive $0xFFFF  }
0x77: {  	_ =	shalt  }

</sc_bundles>
